<compile_context>
chip_gen: v7x
topology: tpu7x:2x2x1
jax: 0.10.2.dev20260603
libtpu: 0.0.44.dev20260713+nightly
codegen_flags: <defaults>
</compile_context>

<pallas_src>
import functools

import jax
import jax.numpy as jnp
from jax import lax
from jax.experimental import pallas as pl
from jax.experimental.pallas import tpu as pltpu
from jax.experimental.pallas import tpu_sc as plsc

HIDDEN = 64
BATCH = 16384
NCOLS = 1000001
CW = 512
CSH = 9
NCHUNKS = 1953
NSTAGE = 2
TAIL = NCHUNKS * CW
NRING = 4
OUTROWS = BATCH + 16
QCAP = BATCH + 16


def kernel(labels, embedding_table):
    info = plsc.get_sparse_core_info()
    nc, ns = info.num_cores, info.num_subcores
    nw = nc * ns
    cpw = (NCHUNKS + nw - 1) // nw
    nbits = max(1, (cpw - 1).bit_length())

    mesh = plsc.VectorSubcoreMesh(core_axis_name="c", subcore_axis_name="s")

    @functools.partial(
        pl.kernel,
        mesh=mesh,
        out_type=jax.ShapeDtypeStruct((OUTROWS, 128), jnp.float32),
        scratch_types=[
            pltpu.VMEM((QCAP,), jnp.int32),
            pltpu.VMEM((QCAP,), jnp.int32),
            pltpu.VMEM((NSTAGE, HIDDEN, CW), jnp.float32),
            pltpu.VMEM((NRING, 16, 128), jnp.float32),
            pltpu.SemaphoreType.DMA,
            pltpu.SemaphoreType.DMA,
        ],
        compiler_params=pltpu.CompilerParams(
            use_tc_tiling_on_sc=True, needs_layout_passes=False
        ),
    )
    def emb(labels_hbm, table_t_hbm, out_hbm, xq, yq, stage, rowbuf, sem, rsem):
        sid = lax.axis_index("s")
        wid = sid * nc + lax.axis_index("c")
        g0 = wid * cpw
        clo = g0 * CW
        chi = jnp.minimum(clo + cpw * CW, TAIL)
        def fire_chunk(k):
            pltpu.async_copy(
                table_t_hbm.at[:, pl.ds((g0 + k) * CW, CW)],
                stage.at[k % NSTAGE],
                sem,
            )

        for k0 in range(NSTAGE - 1):
            fire_chunk(k0)
        pltpu.sync_copy(labels_hbm, xq.at[pl.ds(0, BATCH)])

        lanes = lax.iota(jnp.int32, 16)

        def prescan(i, off):
            ms, keys, cnts = [], [], []
            for u in range(4):
                idx = i * 4 + u
                lab = xq[pl.ds(idx * 16, 16)]
                m = (lab >= clo) & (lab < chi)
                rel = lab - clo
                key = (
                    ((rel >> CSH) << 23)
                    | ((rel & (CW - 1)) << 14)
                    | (lanes + idx * 16)
                )
                ms.append(m)
                keys.append(key)
                cnts.append(plsc.all_reduce_population_count(m)[0])
            for u in range(4):
                plsc.store_compressed(yq.at[pl.ds(off, 16)], keys[u], mask=ms[u])
                off = off + cnts[u]
            return off

        nq = lax.fori_loop(0, BATCH // 64, prescan, jnp.int32(0))
        nqv = (nq + 15) // 16

        def radix_pass(src, dst, bit):
            def count(j, n):
                k = src[pl.ds(j * 16, 16)]
                valid = (lanes + j * 16) < nq
                mlow = valid & (((k >> (23 + bit)) & 1) == 0)
                return n + plsc.all_reduce_population_count(mlow)[0]

            nlow = lax.fori_loop(0, nqv, count, jnp.int32(0))

            def place(j, cur):
                lo, hi = cur
                k = src[pl.ds(j * 16, 16)]
                valid = (lanes + j * 16) < nq
                b = ((k >> (23 + bit)) & 1) == 1
                mlow = valid & (~b)
                mhigh = valid & b
                plsc.store_compressed(dst.at[pl.ds(lo, 16)], k, mask=mlow)
                plsc.store_compressed(dst.at[pl.ds(hi, 16)], k, mask=mhigh)
                return (
                    lo + plsc.all_reduce_population_count(mlow)[0],
                    hi + plsc.all_reduce_population_count(mhigh)[0],
                )

            lax.fori_loop(0, nqv, place, (jnp.int32(0), nlow))

        bufs = (yq, xq)
        for b in range(nbits):
            radix_pass(bufs[b % 2], bufs[(b + 1) % 2], b)
        q = bufs[nbits % 2]

        def drain_chunk():
            pltpu.make_async_copy(
                table_t_hbm.at[:, pl.ds(0, CW)], stage.at[0], sem
            ).wait()

        def chunk(k, carry):
            def body(carry):
                ptr, f = carry

                ahead = NSTAGE - 1

                @pl.when((k + ahead < cpw) & (g0 + k + ahead < NCHUNKS))
                def _():
                    fire_chunk(k + ahead)

                drain_chunk()
                sl = k % NSTAGE

                def ext_cond(st):
                    return st[2]

                def ext_body(st):
                    ptr, f, _ = st
                    key = q[pl.ds(ptr, 16)]
                    valid = (ptr + lanes) < nq
                    m = valid & ((key >> 23) == k)
                    nm = plsc.all_reduce_population_count(m)[0]

                    def fire(f):
                        slot = f % NRING

                        @pl.when(f >= NRING)
                        def _():
                            pltpu.make_async_copy(
                                out_hbm.at[pl.ds(0, 16), :], rowbuf.at[0], rsem
                            ).wait()

                        cols = (key >> 14) & (CW - 1)
                        slot16 = jnp.full((16,), slot, jnp.int32)
                        for h in range(HIDDEN):
                            h16 = jnp.full((16,), h, jnp.int32)
                            vals = plsc.load_gather(stage.at[sl], [h16, cols])
                            plsc.store_scatter(rowbuf, [slot16, lanes, h16], vals)
                        spos = jnp.where(m, key & (BATCH - 1), BATCH + lanes)
                        pltpu.async_copy(rowbuf.at[slot], out_hbm.at[spos], rsem)
                        return f + 1

                    f2 = lax.cond(nm > 0, fire, lambda f: f, f)
                    return (ptr + nm, f2, nm == 16)

                ptr, f, _ = lax.while_loop(
                    ext_cond, ext_body, (ptr, f, jnp.bool_(True))
                )
                return (ptr, f)

            return lax.cond(g0 + k < NCHUNKS, body, lambda c: c, carry)

        _, nfired = lax.fori_loop(0, cpw, chunk, (jnp.int32(0), jnp.int32(0)))

        def drain_rows(i, c):
            pltpu.make_async_copy(
                out_hbm.at[pl.ds(0, 16), :], rowbuf.at[0], rsem
            ).wait()
            return c

        lax.fori_loop(0, jnp.minimum(nfired, NRING), drain_rows, jnp.int32(0))

    out = emb(labels, embedding_table.T)
    core = out[:BATCH, :HIDDEN]
    tail_tab = embedding_table[TAIL:, :]
    ntail = NCOLS - TAIL
    oh = (labels[:, None] - TAIL == jnp.arange(ntail)[None, :]).astype(jnp.float32)
    fix = oh @ tail_tab
    tmask = labels >= TAIL
    return jnp.where(tmask[:, None], fix, core)

# --- scband reference (transcript-rebuilt; emitter-appended) ---
"""Pipeline reference for scband-label-embedder-55671366091248 (READ-ONLY COPY).

The authoritative reference and input builder live on the scoring server;
editing this copy changes nothing except your own understanding.
"""

import jax, jax.numpy as jnp
import numpy as np

NUM_CLASSES = 1000000
HIDDEN_SIZE = 64
BATCH = 16384


def setup_inputs(seed: int = 0) -> dict:
    key = jax.random.key(seed)
    k_labels, k_table = jax.random.split(key, 2)
    # labels in [0, num_classes], last index is the CFG 'null' class
    labels = jax.random.randint(k_labels, (BATCH,), 0, NUM_CLASSES + 1, dtype=jnp.int32)
    # nn.Embed table of shape (num_classes + 1, hidden_size), init = normal(stddev=0.02)
    embedding_table = jax.random.normal(k_table, (NUM_CLASSES + 1, HIDDEN_SIZE), dtype=jnp.float32) * 0.02
    return {"labels": labels, "embedding_table": embedding_table}


def reference(labels, embedding_table):
    # Faithful translation of LabelEmbedder.__call__: embeddings = embedding_table(labels)
    embeddings = jnp.take(embedding_table, labels, axis=0)
    return embeddings

if __name__ == "__main__":
    import jax
    _d = setup_inputs()
    print(jax.jit(kernel)(*tuple(_d.values())))

</pallas_src>

<mosaic_0001>
#map = affine_map<(d0, d1) -> (0)>
#map1 = affine_map<(d0, d1) -> (0, 0)>
module attributes {stable_mosaic.version = 14 : i64} {
  func.func @emb(%arg0: i32, %arg1: i32, %arg2: memref<16384xi32, #tpu.memory_space<hbm>>, %arg3: memref<64x1000001xf32, #tpu.memory_space<hbm>>, %arg4: memref<16400x128xf32, #tpu.memory_space<hbm>>, %arg5: memref<16400xi32, #tpu.memory_space<vmem>>, %arg6: memref<16400xi32, #tpu.memory_space<vmem>>, %arg7: memref<2x64x512xf32, #tpu.memory_space<vmem>>, %arg8: memref<4x16x128xf32, #tpu.memory_space<vmem>>, %arg9: memref<!tpu.dma_semaphore, #tpu.memory_space<semaphore_mem>>, %arg10: memref<!tpu.dma_semaphore, #tpu.memory_space<semaphore_mem>>) attributes {dimension_semantics = [#tpu.dimension_semantics<core_parallel>, #tpu.dimension_semantics<subcore_parallel>], iteration_bounds = array<i64: 2, 16>, scalar_prefetch = 0 : i64, scratch_operands = 6 : i64, tpu.core_type = #tpu.core_type<sc_vector_subcore>, window_params = [{transform_indices = #map}, {transform_indices = #map1}, {transform_indices = #map1}]} {
    %mul3A = arith.constant 2 : i32
    %mul3A_0 = arith.muli %arg1, %mul3A : i32
    %add3A = arith.addi %mul3A_0, %arg0 : i32
    %mul3A_1 = arith.constant 62 : i32
    %mul3A_2 = arith.muli %add3A, %mul3A_1 : i32
    %mul3A_3 = arith.constant 512 : i32
    %mul3A_4 = arith.muli %mul3A_2, %mul3A_3 : i32
    %add3A_5 = arith.constant 31744 : i32
    %add3A_6 = arith.addi %mul3A_4, %add3A_5 : i32
    %min3A = arith.constant 999936 : i32
    %min3A_7 = arith.minsi %add3A_6, %min3A : i32
    %add3A_8 = arith.constant 0 : i32
    %add3A_9 = arith.addi %mul3A_2, %add3A_8 : i32
    %mul3A_10 = arith.constant 512 : i32
    %mul3A_11 = arith.muli %add3A_9, %mul3A_10 : i32
    %dma_start3A = arith.constant 0 : i32
    %dma_start3A_12 = arith.constant 0 : i32
    %dma_start3A_13 = arith.constant 0 : i32
    %dma_start3A_14 = tpu.memref_slice %arg7[%dma_start3A, %dma_start3A_12, %dma_start3A_13] : memref<2x64x512xf32, #tpu.memory_space<vmem>> -> memref<1x64x512xf32, #tpu.memory_space<vmem>>
    %dma_start3A_15 = tpu.memref_squeeze %dma_start3A_14 : memref<1x64x512xf32, #tpu.memory_space<vmem>> -> memref<64x512xf32, #tpu.memory_space<vmem>>
    %dma_start3A_16 = arith.constant 0 : i32
    %dma_start3A_17 = tpu.memref_slice %arg3[%dma_start3A_16, %mul3A_11] : memref<64x1000001xf32, #tpu.memory_space<hbm>> -> memref<64x512xf32, #tpu.memory_space<hbm>>
    %dma_start3A_18 = arith.constant 0 : i32
    %dma_start3A_19 = arith.constant 0 : i32
    %dma_start3A_20 = tpu.memref_slice %arg7[%dma_start3A, %dma_start3A_18, %dma_start3A_19] : memref<2x64x512xf32, #tpu.memory_space<vmem>> -> memref<1x64x512xf32, #tpu.memory_space<vmem>>
    %dma_start3A_21 = tpu.memref_squeeze %dma_start3A_20 : memref<1x64x512xf32, #tpu.memory_space<vmem>> -> memref<64x512xf32, #tpu.memory_space<vmem>>
    %dma_start3A_22 = arith.constant 0 : i32
    %dma_start3A_23 = tpu.memref_slice %arg3[%dma_start3A_22, %mul3A_11] : memref<64x1000001xf32, #tpu.memory_space<hbm>> -> memref<64x512xf32, #tpu.memory_space<hbm>>
    tpu.enqueue_dma source(%dma_start3A_23 : memref<64x512xf32, #tpu.memory_space<hbm>>) target(%dma_start3A_21 : memref<64x512xf32, #tpu.memory_space<vmem>>) target_semaphore(%arg9 : memref<!tpu.dma_semaphore, #tpu.memory_space<semaphore_mem>>)
    "tpu.region"() ({
      %run_scoped3A = tpu.sem_alloc : memref<!tpu.dma_semaphore, #tpu.memory_space<semaphore_mem>>
      %dma_start3A_211 = arith.constant 0 : i32
      %dma_start3A_212 = tpu.memref_slice %arg5[%dma_start3A_211] : memref<16400xi32, #tpu.memory_space<vmem>> -> memref<16384xi32, #tpu.memory_space<vmem>>
      %dma_start3A_213 = arith.constant 0 : i32
      %dma_start3A_214 = tpu.memref_slice %arg5[%dma_start3A_213] : memref<16400xi32, #tpu.memory_space<vmem>> -> memref<16384xi32, #tpu.memory_space<vmem>>
      tpu.enqueue_dma source(%arg2 : memref<16384xi32, #tpu.memory_space<hbm>>) target(%dma_start3A_214 : memref<16384xi32, #tpu.memory_space<vmem>>) target_semaphore(%run_scoped3A : memref<!tpu.dma_semaphore, #tpu.memory_space<semaphore_mem>>)
      %dma_wait3A = arith.constant 0 : i32
      %dma_wait3A_215 = tpu.memref_slice %arg5[%dma_wait3A] : memref<16400xi32, #tpu.memory_space<vmem>> -> memref<16384xi32, #tpu.memory_space<vmem>>
      %dma_wait3A_216 = arith.constant 0 : i32
      %dma_wait3A_217 = tpu.memref_slice %arg5[%dma_wait3A_216] : memref<16400xi32, #tpu.memory_space<vmem>> -> memref<16384xi32, #tpu.memory_space<vmem>>
      tpu.wait_dma2 semaphore(%run_scoped3A : memref<!tpu.dma_semaphore, #tpu.memory_space<semaphore_mem>>) src(%arg2 : memref<16384xi32, #tpu.memory_space<hbm>>) dst(%dma_wait3A_217 : memref<16384xi32, #tpu.memory_space<vmem>>)
      tpu.yield
    }) : () -> ()
    %iota3A = tpu.iota {dimensions = array<i32: 0>} : vector<16xi32>
    %scan3A = arith.constant 0 : i32
    %scan3A_24 = arith.constant 0 : i32
    %scan3A_25 = arith.constant 256 : i32
    %scan3A_26 = arith.addi %scan3A_24, %scan3A_25 : i32
    %scan3A_27 = arith.constant 1 : i32
    %scan3A_28 = scf.for %scan3A_211 = %scan3A_24 to %scan3A_26 step %scan3A_27 iter_args(%scan3A_212 = %scan3A) -> (i32)  : i32 {
      %mul3A_213 = arith.constant 4 : i32
      %mul3A_214 = arith.muli %scan3A_211, %mul3A_213 : i32
      %add3A_215 = arith.constant 0 : i32
      %add3A_216 = arith.addi %mul3A_214, %add3A_215 : i32
      %mul3A_217 = arith.constant 16 : i32
      %mul3A_218 = arith.muli %add3A_216, %mul3A_217 : i32
      %get3A = arith.index_cast %mul3A_218 : i32 to index
      %get3A_219 = tpu.vector_load %arg5[%get3A] {strides = array<i32>} : memref<16400xi32, #tpu.memory_space<vmem>>, vector<16xi32>,
      %ge3A = vector.broadcast %mul3A_4 : i32 to vector<16xi32>
      %ge3A_220 = arith.cmpi sge, %get3A_219, %ge3A : vector<16xi32>
      %lt3A = vector.broadcast %min3A_7 : i32 to vector<16xi32>
      %lt3A_221 = arith.cmpi slt, %get3A_219, %lt3A : vector<16xi32>
      %and3A_222 = arith.andi %ge3A_220, %lt3A_221 : vector<16xi1>
      %sub3A_223 = vector.broadcast %mul3A_4 : i32 to vector<16xi32>
      %sub3A_224 = arith.subi %get3A_219, %sub3A_223 : vector<16xi32>
      %shift_right_arithmetic3A = arith.constant 9 : i32
      %shift_right_arithmetic3A_225 = vector.broadcast %shift_right_arithmetic3A : i32 to vector<16xi32>
      %shift_right_arithmetic3A_226 = arith.shrsi %sub3A_224, %shift_right_arithmetic3A_225 : vector<16xi32>
      %shift_left3A = arith.constant 23 : i32
      %shift_left3A_227 = vector.broadcast %shift_left3A : i32 to vector<16xi32>
      %shift_left3A_228 = arith.shli %shift_right_arithmetic3A_226, %shift_left3A_227 : vector<16xi32>
      %and3A_229 = arith.constant 511 : i32
      %and3A_230 = vector.broadcast %and3A_229 : i32 to vector<16xi32>
      %and3A_231 = arith.andi %sub3A_224, %and3A_230 : vector<16xi32>
      %shift_left3A_232 = arith.constant 14 : i32
      %shift_left3A_233 = vector.broadcast %shift_left3A_232 : i32 to vector<16xi32>
      %shift_left3A_234 = arith.shli %and3A_231, %shift_left3A_233 : vector<16xi32>
      %or3A = arith.ori %shift_left3A_228, %shift_left3A_234 : vector<16xi32>
      %mul3A_235 = arith.constant 16 : i32
      %mul3A_236 = arith.muli %add3A_216, %mul3A_235 : i32
      %add3A_237 = vector.broadcast %mul3A_236 : i32 to vector<16xi32>
      %add3A_238 = arith.addi %iota3A, %add3A_237 : vector<16xi32>
      %or3A_239 = arith.ori %or3A, %add3A_238 : vector<16xi32>
      %all_reduce_population_count3A = tpu.all_reduce %and3A_222 {dim = 0 : i64, kind = #tpu.reduction_kind<sum>} : vector<16xi1> -> vector<16xi32>
      %slice3A = vector.extract_strided_slice %all_reduce_population_count3A {offsets = [0], sizes = [1], strides = [1]} : vector<16xi32> to vector<1xi32>
      %squeeze3A = vector.extract %slice3A[0] : i32 from vector<1xi32>
      %mul3A_240 = arith.constant 4 : i32
      %mul3A_241 = arith.muli %scan3A_211, %mul3A_240 : i32
      %add3A_242 = arith.constant 1 : i32
      %add3A_243 = arith.addi %mul3A_241, %add3A_242 : i32
      %mul3A_244 = arith.constant 16 : i32
      %mul3A_245 = arith.muli %add3A_243, %mul3A_244 : i32
      %get3A_246 = arith.index_cast %mul3A_245 : i32 to index
      %get3A_247 = tpu.vector_load %arg5[%get3A_246] {strides = array<i32>} : memref<16400xi32, #tpu.memory_space<vmem>>, vector<16xi32>,
      %ge3A_248 = vector.broadcast %mul3A_4 : i32 to vector<16xi32>
      %ge3A_249 = arith.cmpi sge, %get3A_247, %ge3A_248 : vector<16xi32>
      %lt3A_250 = vector.broadcast %min3A_7 : i32 to vector<16xi32>
      %lt3A_251 = arith.cmpi slt, %get3A_247, %lt3A_250 : vector<16xi32>
      %and3A_252 = arith.andi %ge3A_249, %lt3A_251 : vector<16xi1>
      %sub3A_253 = vector.broadcast %mul3A_4 : i32 to vector<16xi32>
      %sub3A_254 = arith.subi %get3A_247, %sub3A_253 : vector<16xi32>
      %shift_right_arithmetic3A_255 = arith.constant 9 : i32
      %shift_right_arithmetic3A_256 = vector.broadcast %shift_right_arithmetic3A_255 : i32 to vector<16xi32>
      %shift_right_arithmetic3A_257 = arith.shrsi %sub3A_254, %shift_right_arithmetic3A_256 : vector<16xi32>
      %shift_left3A_258 = arith.constant 23 : i32
      %shift_left3A_259 = vector.broadcast %shift_left3A_258 : i32 to vector<16xi32>
      %shift_left3A_260 = arith.shli %shift_right_arithmetic3A_257, %shift_left3A_259 : vector<16xi32>
      %and3A_261 = arith.constant 511 : i32
      %and3A_262 = vector.broadcast %and3A_261 : i32 to vector<16xi32>
      %and3A_263 = arith.andi %sub3A_254, %and3A_262 : vector<16xi32>
      %shift_left3A_264 = arith.constant 14 : i32
      %shift_left3A_265 = vector.broadcast %shift_left3A_264 : i32 to vector<16xi32>
      %shift_left3A_266 = arith.shli %and3A_263, %shift_left3A_265 : vector<16xi32>
      %or3A_267 = arith.ori %shift_left3A_260, %shift_left3A_266 : vector<16xi32>
      %mul3A_268 = arith.constant 16 : i32
      %mul3A_269 = arith.muli %add3A_243, %mul3A_268 : i32
      %add3A_270 = vector.broadcast %mul3A_269 : i32 to vector<16xi32>
      %add3A_271 = arith.addi %iota3A, %add3A_270 : vector<16xi32>
      %or3A_272 = arith.ori %or3A_267, %add3A_271 : vector<16xi32>
      %all_reduce_population_count3A_273 = tpu.all_reduce %and3A_252 {dim = 0 : i64, kind = #tpu.reduction_kind<sum>} : vector<16xi1> -> vector<16xi32>
      %slice3A_274 = vector.extract_strided_slice %all_reduce_population_count3A_273 {offsets = [0], sizes = [1], strides = [1]} : vector<16xi32> to vector<1xi32>
      %squeeze3A_275 = vector.extract %slice3A_274[0] : i32 from vector<1xi32>
      %mul3A_276 = arith.constant 4 : i32
      %mul3A_277 = arith.muli %scan3A_211, %mul3A_276 : i32
      %add3A_278 = arith.constant 2 : i32
      %add3A_279 = arith.addi %mul3A_277, %add3A_278 : i32
      %mul3A_280 = arith.constant 16 : i32
      %mul3A_281 = arith.muli %add3A_279, %mul3A_280 : i32
      %get3A_282 = arith.index_cast %mul3A_281 : i32 to index
      %get3A_283 = tpu.vector_load %arg5[%get3A_282] {strides = array<i32>} : memref<16400xi32, #tpu.memory_space<vmem>>, vector<16xi32>,
      %ge3A_284 = vector.broadcast %mul3A_4 : i32 to vector<16xi32>
      %ge3A_285 = arith.cmpi sge, %get3A_283, %ge3A_284 : vector<16xi32>
      %lt3A_286 = vector.broadcast %min3A_7 : i32 to vector<16xi32>
      %lt3A_287 = arith.cmpi slt, %get3A_283, %lt3A_286 : vector<16xi32>
      %and3A_288 = arith.andi %ge3A_285, %lt3A_287 : vector<16xi1>
      %sub3A_289 = vector.broadcast %mul3A_4 : i32 to vector<16xi32>
      %sub3A_290 = arith.subi %get3A_283, %sub3A_289 : vector<16xi32>
      %shift_right_arithmetic3A_291 = arith.constant 9 : i32
      %shift_right_arithmetic3A_292 = vector.broadcast %shift_right_arithmetic3A_291 : i32 to vector<16xi32>
      %shift_right_arithmetic3A_293 = arith.shrsi %sub3A_290, %shift_right_arithmetic3A_292 : vector<16xi32>
      %shift_left3A_294 = arith.constant 23 : i32
      %shift_left3A_295 = vector.broadcast %shift_left3A_294 : i32 to vector<16xi32>
      %shift_left3A_296 = arith.shli %shift_right_arithmetic3A_293, %shift_left3A_295 : vector<16xi32>
      %and3A_297 = arith.constant 511 : i32
      %and3A_298 = vector.broadcast %and3A_297 : i32 to vector<16xi32>
      %and3A_299 = arith.andi %sub3A_290, %and3A_298 : vector<16xi32>
      %shift_left3A_300 = arith.constant 14 : i32
      %shift_left3A_301 = vector.broadcast %shift_left3A_300 : i32 to vector<16xi32>
      %shift_left3A_302 = arith.shli %and3A_299, %shift_left3A_301 : vector<16xi32>
      %or3A_303 = arith.ori %shift_left3A_296, %shift_left3A_302 : vector<16xi32>
      %mul3A_304 = arith.constant 16 : i32
      %mul3A_305 = arith.muli %add3A_279, %mul3A_304 : i32
      %add3A_306 = vector.broadcast %mul3A_305 : i32 to vector<16xi32>
      %add3A_307 = arith.addi %iota3A, %add3A_306 : vector<16xi32>
      %or3A_308 = arith.ori %or3A_303, %add3A_307 : vector<16xi32>
      %all_reduce_population_count3A_309 = tpu.all_reduce %and3A_288 {dim = 0 : i64, kind = #tpu.reduction_kind<sum>} : vector<16xi1> -> vector<16xi32>
      %slice3A_310 = vector.extract_strided_slice %all_reduce_population_count3A_309 {offsets = [0], sizes = [1], strides = [1]} : vector<16xi32> to vector<1xi32>
      %squeeze3A_311 = vector.extract %slice3A_310[0] : i32 from vector<1xi32>
      %mul3A_312 = arith.constant 4 : i32
      %mul3A_313 = arith.muli %scan3A_211, %mul3A_312 : i32
      %add3A_314 = arith.constant 3 : i32
      %add3A_315 = arith.addi %mul3A_313, %add3A_314 : i32
      %mul3A_316 = arith.constant 16 : i32
      %mul3A_317 = arith.muli %add3A_315, %mul3A_316 : i32
      %get3A_318 = arith.index_cast %mul3A_317 : i32 to index
      %get3A_319 = tpu.vector_load %arg5[%get3A_318] {strides = array<i32>} : memref<16400xi32, #tpu.memory_space<vmem>>, vector<16xi32>,
      %ge3A_320 = vector.broadcast %mul3A_4 : i32 to vector<16xi32>
      %ge3A_321 = arith.cmpi sge, %get3A_319, %ge3A_320 : vector<16xi32>
      %lt3A_322 = vector.broadcast %min3A_7 : i32 to vector<16xi32>
      %lt3A_323 = arith.cmpi slt, %get3A_319, %lt3A_322 : vector<16xi32>
      %and3A_324 = arith.andi %ge3A_321, %lt3A_323 : vector<16xi1>
      %sub3A_325 = vector.broadcast %mul3A_4 : i32 to vector<16xi32>
      %sub3A_326 = arith.subi %get3A_319, %sub3A_325 : vector<16xi32>
      %shift_right_arithmetic3A_327 = arith.constant 9 : i32
      %shift_right_arithmetic3A_328 = vector.broadcast %shift_right_arithmetic3A_327 : i32 to vector<16xi32>
      %shift_right_arithmetic3A_329 = arith.shrsi %sub3A_326, %shift_right_arithmetic3A_328 : vector<16xi32>
      %shift_left3A_330 = arith.constant 23 : i32
      %shift_left3A_331 = vector.broadcast %shift_left3A_330 : i32 to vector<16xi32>
      %shift_left3A_332 = arith.shli %shift_right_arithmetic3A_329, %shift_left3A_331 : vector<16xi32>
      %and3A_333 = arith.constant 511 : i32
      %and3A_334 = vector.broadcast %and3A_333 : i32 to vector<16xi32>
      %and3A_335 = arith.andi %sub3A_326, %and3A_334 : vector<16xi32>
      %shift_left3A_336 = arith.constant 14 : i32
      %shift_left3A_337 = vector.broadcast %shift_left3A_336 : i32 to vector<16xi32>
      %shift_left3A_338 = arith.shli %and3A_335, %shift_left3A_337 : vector<16xi32>
      %or3A_339 = arith.ori %shift_left3A_332, %shift_left3A_338 : vector<16xi32>
      %mul3A_340 = arith.constant 16 : i32
      %mul3A_341 = arith.muli %add3A_315, %mul3A_340 : i32
      %add3A_342 = vector.broadcast %mul3A_341 : i32 to vector<16xi32>
      %add3A_343 = arith.addi %iota3A, %add3A_342 : vector<16xi32>
      %or3A_344 = arith.ori %or3A_339, %add3A_343 : vector<16xi32>
      %all_reduce_population_count3A_345 = tpu.all_reduce %and3A_324 {dim = 0 : i64, kind = #tpu.reduction_kind<sum>} : vector<16xi1> -> vector<16xi32>
      %slice3A_346 = vector.extract_strided_slice %all_reduce_population_count3A_345 {offsets = [0], sizes = [1], strides = [1]} : vector<16xi32> to vector<1xi32>
      %squeeze3A_347 = vector.extract %slice3A_346[0] : i32 from vector<1xi32>
      %swap3A = arith.index_cast %scan3A_212 : i32 to index
      %swap3A_348 = tpu.vector_load %arg6[%swap3A] masked %and3A_222 {strides = array<i32>} : memref<16400xi32, #tpu.memory_space<vmem>>, vector<16xi32>, vector<16xi1>
      tpu.vector_store %arg6[%swap3A], %or3A_239 masked %and3A_222 {strides = array<i32>} : memref<16400xi32, #tpu.memory_space<vmem>>, vector<16xi32>, vector<16xi1>
      %add3A_349 = arith.addi %scan3A_212, %squeeze3A : i32
      %swap3A_350 = arith.index_cast %add3A_349 : i32 to index
      %swap3A_351 = tpu.vector_load %arg6[%swap3A_350] masked %and3A_252 {strides = array<i32>} : memref<16400xi32, #tpu.memory_space<vmem>>, vector<16xi32>, vector<16xi1>
      tpu.vector_store %arg6[%swap3A_350], %or3A_272 masked %and3A_252 {strides = array<i32>} : memref<16400xi32, #tpu.memory_space<vmem>>, vector<16xi32>, vector<16xi1>
      %add3A_352 = arith.addi %add3A_349, %squeeze3A_275 : i32
      %swap3A_353 = arith.index_cast %add3A_352 : i32 to index
      %swap3A_354 = tpu.vector_load %arg6[%swap3A_353] masked %and3A_288 {strides = array<i32>} : memref<16400xi32, #tpu.memory_space<vmem>>, vector<16xi32>, vector<16xi1>
      tpu.vector_store %arg6[%swap3A_353], %or3A_308 masked %and3A_288 {strides = array<i32>} : memref<16400xi32, #tpu.memory_space<vmem>>, vector<16xi32>, vector<16xi1>
      %add3A_355 = arith.addi %add3A_352, %squeeze3A_311 : i32
      %swap3A_356 = arith.index_cast %add3A_355 : i32 to index
      %swap3A_357 = tpu.vector_load %arg6[%swap3A_356] masked %and3A_324 {strides = array<i32>} : memref<16400xi32, #tpu.memory_space<vmem>>, vector<16xi32>, vector<16xi1>
      tpu.vector_store %arg6[%swap3A_356], %or3A_344 masked %and3A_324 {strides = array<i32>} : memref<16400xi32, #tpu.memory_space<vmem>>, vector<16xi32>, vector<16xi1>
      %add3A_358 = arith.addi %add3A_355, %squeeze3A_347 : i32
      scf.yield %add3A_358 : i32
    }
    %scan3A_29 = arith.constant 256 : i32
    %add3A_30 = arith.constant 15 : i32
    %add3A_31 = arith.addi %scan3A_28, %add3A_30 : i32
    %jit3A = arith.constant 16 : i32
    %div3A = arith.divsi %add3A_31, %jit3A : i32
    %sign3A = arith.constant 0 : i32
    %sign3A_32 = arith.cmpi sgt, %add3A_31, %sign3A : i32
    %sign3A_33 = arith.extui %sign3A_32 : i1 to i32
    %sign3A_34 = arith.constant 0 : i32
    %sign3A_35 = arith.cmpi slt, %add3A_31, %sign3A_34 : i32
    %sign3A_36 = arith.extui %sign3A_35 : i1 to i32
    %sign3A_37 = arith.subi %sign3A_33, %sign3A_36 : i32
    %sign3A_38 = arith.constant 0 : i32
    %sign3A_39 = arith.cmpi sgt, %jit3A, %sign3A_38 : i32
    %sign3A_40 = arith.extui %sign3A_39 : i1 to i32
    %sign3A_41 = arith.constant 0 : i32
    %sign3A_42 = arith.cmpi slt, %jit3A, %sign3A_41 : i32
    %sign3A_43 = arith.extui %sign3A_42 : i1 to i32
    %sign3A_44 = arith.subi %sign3A_40, %sign3A_43 : i32
    %ne3A = arith.cmpi ne, %sign3A_37, %sign3A_44 : i32
    %rem3A = arith.remsi %add3A_31, %jit3A : i32
    %ne3A_45 = arith.constant 0 : i32
    %ne3A_46 = arith.cmpi ne, %rem3A, %ne3A_45 : i32
    %and3A = arith.andi %ne3A, %ne3A_46 : i1
    %sub3A = arith.constant 1 : i32
    %sub3A_47 = arith.subi %div3A, %sub3A : i32
    %select_n3A = arith.select %and3A, %sub3A_47, %div3A : i32
    %while3A = arith.constant 0 : i32
    %while3A_48 = arith.constant 0 : i32
    %while3A_49 = arith.subi %select_n3A, %while3A : i32
    %while3A_50 = arith.addi %while3A, %while3A_49 : i32
    %while3A_51 = arith.constant 1 : i32
    %while3A_52 = arith.divsi %while3A_49, %while3A_51 : i32
    %while3A_53 = arith.muli %while3A_52, %while3A_51 : i32
    %while3A_54 = arith.addi %while3A, %while3A_53 : i32
    %while3A_55 = arith.constant 1 : i32
    %while3A_56 = scf.for %while3A_211 = %while3A to %while3A_54 step %while3A_55 iter_args(%while3A_212 = %while3A_48) -> (i32)  : i32 {
      %mul3A_213 = arith.constant 16 : i32
      %mul3A_214 = arith.muli %while3A_211, %mul3A_213 : i32
      %get3A = arith.index_cast %mul3A_214 : i32 to index
      %get3A_215 = tpu.vector_load %arg6[%get3A] {strides = array<i32>} : memref<16400xi32, #tpu.memory_space<vmem>>, vector<16xi32>,
      %mul3A_216 = arith.constant 16 : i32
      %mul3A_217 = arith.muli %while3A_211, %mul3A_216 : i32
      %add3A_218 = vector.broadcast %mul3A_217 : i32 to vector<16xi32>
      %add3A_219 = arith.addi %iota3A, %add3A_218 : vector<16xi32>
      %lt3A = vector.broadcast %scan3A_28 : i32 to vector<16xi32>
      %lt3A_220 = arith.cmpi slt, %add3A_219, %lt3A : vector<16xi32>
      %shift_right_arithmetic3A = arith.constant 23 : i32
      %shift_right_arithmetic3A_221 = vector.broadcast %shift_right_arithmetic3A : i32 to vector<16xi32>
      %shift_right_arithmetic3A_222 = arith.shrsi %get3A_215, %shift_right_arithmetic3A_221 : vector<16xi32>
      %and3A_223 = arith.constant 1 : i32
      %and3A_224 = vector.broadcast %and3A_223 : i32 to vector<16xi32>
      %and3A_225 = arith.andi %shift_right_arithmetic3A_222, %and3A_224 : vector<16xi32>
      %eq3A = arith.constant 0 : i32
      %eq3A_226 = vector.broadcast %eq3A : i32 to vector<16xi32>
      %eq3A_227 = arith.cmpi eq, %and3A_225, %eq3A_226 : vector<16xi32>
      %and3A_228 = arith.andi %lt3A_220, %eq3A_227 : vector<16xi1>
      %all_reduce_population_count3A = tpu.all_reduce %and3A_228 {dim = 0 : i64, kind = #tpu.reduction_kind<sum>} : vector<16xi1> -> vector<16xi32>
      %slice3A = vector.extract_strided_slice %all_reduce_population_count3A {offsets = [0], sizes = [1], strides = [1]} : vector<16xi32> to vector<1xi32>
      %squeeze3A = vector.extract %slice3A[0] : i32 from vector<1xi32>
      %add3A_229 = arith.addi %while3A_212, %squeeze3A : i32
      scf.yield %add3A_229 : i32
    }
    %while3A_57 = arith.constant 1 : i32
    %while3A_58 = scf.for %while3A_211 = %while3A_54 to %while3A_50 step %while3A_57 iter_args(%while3A_212 = %while3A_56) -> (i32)  : i32 {
      %mul3A_213 = arith.constant 16 : i32
      %mul3A_214 = arith.muli %while3A_211, %mul3A_213 : i32
      %get3A = arith.index_cast %mul3A_214 : i32 to index
      %get3A_215 = tpu.vector_load %arg6[%get3A] {strides = array<i32>} : memref<16400xi32, #tpu.memory_space<vmem>>, vector<16xi32>,
      %mul3A_216 = arith.constant 16 : i32
      %mul3A_217 = arith.muli %while3A_211, %mul3A_216 : i32
      %add3A_218 = vector.broadcast %mul3A_217 : i32 to vector<16xi32>
      %add3A_219 = arith.addi %iota3A, %add3A_218 : vector<16xi32>
      %lt3A = vector.broadcast %scan3A_28 : i32 to vector<16xi32>
      %lt3A_220 = arith.cmpi slt, %add3A_219, %lt3A : vector<16xi32>
      %shift_right_arithmetic3A = arith.constant 23 : i32
      %shift_right_arithmetic3A_221 = vector.broadcast %shift_right_arithmetic3A : i32 to vector<16xi32>
      %shift_right_arithmetic3A_222 = arith.shrsi %get3A_215, %shift_right_arithmetic3A_221 : vector<16xi32>
      %and3A_223 = arith.constant 1 : i32
      %and3A_224 = vector.broadcast %and3A_223 : i32 to vector<16xi32>
      %and3A_225 = arith.andi %shift_right_arithmetic3A_222, %and3A_224 : vector<16xi32>
      %eq3A = arith.constant 0 : i32
      %eq3A_226 = vector.broadcast %eq3A : i32 to vector<16xi32>
      %eq3A_227 = arith.cmpi eq, %and3A_225, %eq3A_226 : vector<16xi32>
      %and3A_228 = arith.andi %lt3A_220, %eq3A_227 : vector<16xi1>
      %all_reduce_population_count3A = tpu.all_reduce %and3A_228 {dim = 0 : i64, kind = #tpu.reduction_kind<sum>} : vector<16xi1> -> vector<16xi32>
      %slice3A = vector.extract_strided_slice %all_reduce_population_count3A {offsets = [0], sizes = [1], strides = [1]} : vector<16xi32> to vector<1xi32>
      %squeeze3A = vector.extract %slice3A[0] : i32 from vector<1xi32>
      %add3A_229 = arith.addi %while3A_212, %squeeze3A : i32
      scf.yield %add3A_229 : i32
    }
    %while3A_59 = arith.constant 0 : i32
    %while3A_60 = arith.constant 0 : i32
    %while3A_61 = arith.subi %select_n3A, %while3A_59 : i32
    %while3A_62 = arith.addi %while3A_59, %while3A_61 : i32
    %while3A_63 = arith.constant 1 : i32
    %while3A_64 = arith.divsi %while3A_61, %while3A_63 : i32
    %while3A_65 = arith.muli %while3A_64, %while3A_63 : i32
    %while3A_66 = arith.addi %while3A_59, %while3A_65 : i32
    %while3A_67 = arith.constant 1 : i32
    %while3A_68:2 = scf.for %while3A_211 = %while3A_59 to %while3A_66 step %while3A_67 iter_args(%while3A_212 = %while3A_60, %while3A_213 = %while3A_58) -> (i32, i32)  : i32 {
      %mul3A_214 = arith.constant 16 : i32
      %mul3A_215 = arith.muli %while3A_211, %mul3A_214 : i32
      %get3A = arith.index_cast %mul3A_215 : i32 to index
      %get3A_216 = tpu.vector_load %arg6[%get3A] {strides = array<i32>} : memref<16400xi32, #tpu.memory_space<vmem>>, vector<16xi32>,
      %mul3A_217 = arith.constant 16 : i32
      %mul3A_218 = arith.muli %while3A_211, %mul3A_217 : i32
      %add3A_219 = vector.broadcast %mul3A_218 : i32 to vector<16xi32>
      %add3A_220 = arith.addi %iota3A, %add3A_219 : vector<16xi32>
      %lt3A = vector.broadcast %scan3A_28 : i32 to vector<16xi32>
      %lt3A_221 = arith.cmpi slt, %add3A_220, %lt3A : vector<16xi32>
      %shift_right_arithmetic3A = arith.constant 23 : i32
      %shift_right_arithmetic3A_222 = vector.broadcast %shift_right_arithmetic3A : i32 to vector<16xi32>
      %shift_right_arithmetic3A_223 = arith.shrsi %get3A_216, %shift_right_arithmetic3A_222 : vector<16xi32>
      %and3A_224 = arith.constant 1 : i32
      %and3A_225 = vector.broadcast %and3A_224 : i32 to vector<16xi32>
      %and3A_226 = arith.andi %shift_right_arithmetic3A_223, %and3A_225 : vector<16xi32>
      %eq3A = arith.constant 1 : i32
      %eq3A_227 = vector.broadcast %eq3A : i32 to vector<16xi32>
      %eq3A_228 = arith.cmpi eq, %and3A_226, %eq3A_227 : vector<16xi32>
      %not3A = arith.constant dense<true> : vector<16xi1>
      %not3A_229 = arith.xori %eq3A_228, %not3A : vector<16xi1>
      %and3A_230 = arith.andi %lt3A_221, %not3A_229 : vector<16xi1>
      %and3A_231 = arith.andi %lt3A_221, %eq3A_228 : vector<16xi1>
      %swap3A = arith.index_cast %while3A_212 : i32 to index
      %swap3A_232 = tpu.vector_load %arg5[%swap3A] masked %and3A_230 {strides = array<i32>} : memref<16400xi32, #tpu.memory_space<vmem>>, vector<16xi32>, vector<16xi1>
      tpu.vector_store %arg5[%swap3A], %get3A_216 masked %and3A_230 {strides = array<i32>} : memref<16400xi32, #tpu.memory_space<vmem>>, vector<16xi32>, vector<16xi1>
      %swap3A_233 = arith.index_cast %while3A_213 : i32 to index
      %swap3A_234 = tpu.vector_load %arg5[%swap3A_233] masked %and3A_231 {strides = array<i32>} : memref<16400xi32, #tpu.memory_space<vmem>>, vector<16xi32>, vector<16xi1>
      tpu.vector_store %arg5[%swap3A_233], %get3A_216 masked %and3A_231 {strides = array<i32>} : memref<16400xi32, #tpu.memory_space<vmem>>, vector<16xi32>, vector<16xi1>
      %all_reduce_population_count3A = tpu.all_reduce %and3A_230 {dim = 0 : i64, kind = #tpu.reduction_kind<sum>} : vector<16xi1> -> vector<16xi32>
      %slice3A = vector.extract_strided_slice %all_reduce_population_count3A {offsets = [0], sizes = [1], strides = [1]} : vector<16xi32> to vector<1xi32>
      %squeeze3A = vector.extract %slice3A[0] : i32 from vector<1xi32>
      %add3A_235 = arith.addi %while3A_212, %squeeze3A : i32
      %all_reduce_population_count3A_236 = tpu.all_reduce %and3A_231 {dim = 0 : i64, kind = #tpu.reduction_kind<sum>} : vector<16xi1> -> vector<16xi32>
      %slice3A_237 = vector.extract_strided_slice %all_reduce_population_count3A_236 {offsets = [0], sizes = [1], strides = [1]} : vector<16xi32> to vector<1xi32>
      %squeeze3A_238 = vector.extract %slice3A_237[0] : i32 from vector<1xi32>
      %add3A_239 = arith.addi %while3A_213, %squeeze3A_238 : i32
      scf.yield %add3A_235, %add3A_239 : i32, i32
    }
    %while3A_69 = arith.constant 1 : i32
    %while3A_70:2 = scf.for %while3A_211 = %while3A_66 to %while3A_62 step %while3A_69 iter_args(%while3A_212 = %while3A_68#0, %while3A_213 = %while3A_68#1) -> (i32, i32)  : i32 {
      %mul3A_214 = arith.constant 16 : i32
      %mul3A_215 = arith.muli %while3A_211, %mul3A_214 : i32
      %get3A = arith.index_cast %mul3A_215 : i32 to index
      %get3A_216 = tpu.vector_load %arg6[%get3A] {strides = array<i32>} : memref<16400xi32, #tpu.memory_space<vmem>>, vector<16xi32>,
      %mul3A_217 = arith.constant 16 : i32
      %mul3A_218 = arith.muli %while3A_211, %mul3A_217 : i32
      %add3A_219 = vector.broadcast %mul3A_218 : i32 to vector<16xi32>
      %add3A_220 = arith.addi %iota3A, %add3A_219 : vector<16xi32>
      %lt3A = vector.broadcast %scan3A_28 : i32 to vector<16xi32>
      %lt3A_221 = arith.cmpi slt, %add3A_220, %lt3A : vector<16xi32>
      %shift_right_arithmetic3A = arith.constant 23 : i32
      %shift_right_arithmetic3A_222 = vector.broadcast %shift_right_arithmetic3A : i32 to vector<16xi32>
      %shift_right_arithmetic3A_223 = arith.shrsi %get3A_216, %shift_right_arithmetic3A_222 : vector<16xi32>
      %and3A_224 = arith.constant 1 : i32
      %and3A_225 = vector.broadcast %and3A_224 : i32 to vector<16xi32>
      %and3A_226 = arith.andi %shift_right_arithmetic3A_223, %and3A_225 : vector<16xi32>
      %eq3A = arith.constant 1 : i32
      %eq3A_227 = vector.broadcast %eq3A : i32 to vector<16xi32>
      %eq3A_228 = arith.cmpi eq, %and3A_226, %eq3A_227 : vector<16xi32>
      %not3A = arith.constant dense<true> : vector<16xi1>
      %not3A_229 = arith.xori %eq3A_228, %not3A : vector<16xi1>
      %and3A_230 = arith.andi %lt3A_221, %not3A_229 : vector<16xi1>
      %and3A_231 = arith.andi %lt3A_221, %eq3A_228 : vector<16xi1>
      %swap3A = arith.index_cast %while3A_212 : i32 to index
      %swap3A_232 = tpu.vector_load %arg5[%swap3A] masked %and3A_230 {strides = array<i32>} : memref<16400xi32, #tpu.memory_space<vmem>>, vector<16xi32>, vector<16xi1>
      tpu.vector_store %arg5[%swap3A], %get3A_216 masked %and3A_230 {strides = array<i32>} : memref<16400xi32, #tpu.memory_space<vmem>>, vector<16xi32>, vector<16xi1>
      %swap3A_233 = arith.index_cast %while3A_213 : i32 to index
      %swap3A_234 = tpu.vector_load %arg5[%swap3A_233] masked %and3A_231 {strides = array<i32>} : memref<16400xi32, #tpu.memory_space<vmem>>, vector<16xi32>, vector<16xi1>
      tpu.vector_store %arg5[%swap3A_233], %get3A_216 masked %and3A_231 {strides = array<i32>} : memref<16400xi32, #tpu.memory_space<vmem>>, vector<16xi32>, vector<16xi1>
      %all_reduce_population_count3A = tpu.all_reduce %and3A_230 {dim = 0 : i64, kind = #tpu.reduction_kind<sum>} : vector<16xi1> -> vector<16xi32>
      %slice3A = vector.extract_strided_slice %all_reduce_population_count3A {offsets = [0], sizes = [1], strides = [1]} : vector<16xi32> to vector<1xi32>
      %squeeze3A = vector.extract %slice3A[0] : i32 from vector<1xi32>
      %add3A_235 = arith.addi %while3A_212, %squeeze3A : i32
      %all_reduce_population_count3A_236 = tpu.all_reduce %and3A_231 {dim = 0 : i64, kind = #tpu.reduction_kind<sum>} : vector<16xi1> -> vector<16xi32>
      %slice3A_237 = vector.extract_strided_slice %all_reduce_population_count3A_236 {offsets = [0], sizes = [1], strides = [1]} : vector<16xi32> to vector<1xi32>
      %squeeze3A_238 = vector.extract %slice3A_237[0] : i32 from vector<1xi32>
      %add3A_239 = arith.addi %while3A_213, %squeeze3A_238 : i32
      scf.yield %add3A_235, %add3A_239 : i32, i32
    }
    %while3A_71 = arith.constant 0 : i32
    %while3A_72 = arith.constant 0 : i32
    %while3A_73 = arith.subi %select_n3A, %while3A_71 : i32
    %while3A_74 = arith.addi %while3A_71, %while3A_73 : i32
    %while3A_75 = arith.constant 1 : i32
    %while3A_76 = arith.divsi %while3A_73, %while3A_75 : i32
    %while3A_77 = arith.muli %while3A_76, %while3A_75 : i32
    %while3A_78 = arith.addi %while3A_71, %while3A_77 : i32
    %while3A_79 = arith.constant 1 : i32
    %while3A_80 = scf.for %while3A_211 = %while3A_71 to %while3A_78 step %while3A_79 iter_args(%while3A_212 = %while3A_72) -> (i32)  : i32 {
      %mul3A_213 = arith.constant 16 : i32
      %mul3A_214 = arith.muli %while3A_211, %mul3A_213 : i32
      %get3A = arith.index_cast %mul3A_214 : i32 to index
      %get3A_215 = tpu.vector_load %arg5[%get3A] {strides = array<i32>} : memref<16400xi32, #tpu.memory_space<vmem>>, vector<16xi32>,
      %mul3A_216 = arith.constant 16 : i32
      %mul3A_217 = arith.muli %while3A_211, %mul3A_216 : i32
      %add3A_218 = vector.broadcast %mul3A_217 : i32 to vector<16xi32>
      %add3A_219 = arith.addi %iota3A, %add3A_218 : vector<16xi32>
      %lt3A = vector.broadcast %scan3A_28 : i32 to vector<16xi32>
      %lt3A_220 = arith.cmpi slt, %add3A_219, %lt3A : vector<16xi32>
      %shift_right_arithmetic3A = arith.constant 24 : i32
      %shift_right_arithmetic3A_221 = vector.broadcast %shift_right_arithmetic3A : i32 to vector<16xi32>
      %shift_right_arithmetic3A_222 = arith.shrsi %get3A_215, %shift_right_arithmetic3A_221 : vector<16xi32>
      %and3A_223 = arith.constant 1 : i32
      %and3A_224 = vector.broadcast %and3A_223 : i32 to vector<16xi32>
      %and3A_225 = arith.andi %shift_right_arithmetic3A_222, %and3A_224 : vector<16xi32>
      %eq3A = arith.constant 0 : i32
      %eq3A_226 = vector.broadcast %eq3A : i32 to vector<16xi32>
      %eq3A_227 = arith.cmpi eq, %and3A_225, %eq3A_226 : vector<16xi32>
      %and3A_228 = arith.andi %lt3A_220, %eq3A_227 : vector<16xi1>
      %all_reduce_population_count3A = tpu.all_reduce %and3A_228 {dim = 0 : i64, kind = #tpu.reduction_kind<sum>} : vector<16xi1> -> vector<16xi32>
      %slice3A = vector.extract_strided_slice %all_reduce_population_count3A {offsets = [0], sizes = [1], strides = [1]} : vector<16xi32> to vector<1xi32>
      %squeeze3A = vector.extract %slice3A[0] : i32 from vector<1xi32>
      %add3A_229 = arith.addi %while3A_212, %squeeze3A : i32
      scf.yield %add3A_229 : i32
    }
    %while3A_81 = arith.constant 1 : i32
    %while3A_82 = scf.for %while3A_211 = %while3A_78 to %while3A_74 step %while3A_81 iter_args(%while3A_212 = %while3A_80) -> (i32)  : i32 {
      %mul3A_213 = arith.constant 16 : i32
      %mul3A_214 = arith.muli %while3A_211, %mul3A_213 : i32
      %get3A = arith.index_cast %mul3A_214 : i32 to index
      %get3A_215 = tpu.vector_load %arg5[%get3A] {strides = array<i32>} : memref<16400xi32, #tpu.memory_space<vmem>>, vector<16xi32>,
      %mul3A_216 = arith.constant 16 : i32
      %mul3A_217 = arith.muli %while3A_211, %mul3A_216 : i32
      %add3A_218 = vector.broadcast %mul3A_217 : i32 to vector<16xi32>
      %add3A_219 = arith.addi %iota3A, %add3A_218 : vector<16xi32>
      %lt3A = vector.broadcast %scan3A_28 : i32 to vector<16xi32>
      %lt3A_220 = arith.cmpi slt, %add3A_219, %lt3A : vector<16xi32>
      %shift_right_arithmetic3A = arith.constant 24 : i32
      %shift_right_arithmetic3A_221 = vector.broadcast %shift_right_arithmetic3A : i32 to vector<16xi32>
      %shift_right_arithmetic3A_222 = arith.shrsi %get3A_215, %shift_right_arithmetic3A_221 : vector<16xi32>
      %and3A_223 = arith.constant 1 : i32
      %and3A_224 = vector.broadcast %and3A_223 : i32 to vector<16xi32>
      %and3A_225 = arith.andi %shift_right_arithmetic3A_222, %and3A_224 : vector<16xi32>
      %eq3A = arith.constant 0 : i32
      %eq3A_226 = vector.broadcast %eq3A : i32 to vector<16xi32>
      %eq3A_227 = arith.cmpi eq, %and3A_225, %eq3A_226 : vector<16xi32>
      %and3A_228 = arith.andi %lt3A_220, %eq3A_227 : vector<16xi1>
      %all_reduce_population_count3A = tpu.all_reduce %and3A_228 {dim = 0 : i64, kind = #tpu.reduction_kind<sum>} : vector<16xi1> -> vector<16xi32>
      %slice3A = vector.extract_strided_slice %all_reduce_population_count3A {offsets = [0], sizes = [1], strides = [1]} : vector<16xi32> to vector<1xi32>
      %squeeze3A = vector.extract %slice3A[0] : i32 from vector<1xi32>
      %add3A_229 = arith.addi %while3A_212, %squeeze3A : i32
      scf.yield %add3A_229 : i32
    }
    %while3A_83 = arith.constant 0 : i32
    %while3A_84 = arith.constant 0 : i32
    %while3A_85 = arith.subi %select_n3A, %while3A_83 : i32
    %while3A_86 = arith.addi %while3A_83, %while3A_85 : i32
    %while3A_87 = arith.constant 1 : i32
    %while3A_88 = arith.divsi %while3A_85, %while3A_87 : i32
    %while3A_89 = arith.muli %while3A_88, %while3A_87 : i32
    %while3A_90 = arith.addi %while3A_83, %while3A_89 : i32
    %while3A_91 = arith.constant 1 : i32
    %while3A_92:2 = scf.for %while3A_211 = %while3A_83 to %while3A_90 step %while3A_91 iter_args(%while3A_212 = %while3A_84, %while3A_213 = %while3A_82) -> (i32, i32)  : i32 {
      %mul3A_214 = arith.constant 16 : i32
      %mul3A_215 = arith.muli %while3A_211, %mul3A_214 : i32
      %get3A = arith.index_cast %mul3A_215 : i32 to index
      %get3A_216 = tpu.vector_load %arg5[%get3A] {strides = array<i32>} : memref<16400xi32, #tpu.memory_space<vmem>>, vector<16xi32>,
      %mul3A_217 = arith.constant 16 : i32
      %mul3A_218 = arith.muli %while3A_211, %mul3A_217 : i32
      %add3A_219 = vector.broadcast %mul3A_218 : i32 to vector<16xi32>
      %add3A_220 = arith.addi %iota3A, %add3A_219 : vector<16xi32>
      %lt3A = vector.broadcast %scan3A_28 : i32 to vector<16xi32>
      %lt3A_221 = arith.cmpi slt, %add3A_220, %lt3A : vector<16xi32>
      %shift_right_arithmetic3A = arith.constant 24 : i32
      %shift_right_arithmetic3A_222 = vector.broadcast %shift_right_arithmetic3A : i32 to vector<16xi32>
      %shift_right_arithmetic3A_223 = arith.shrsi %get3A_216, %shift_right_arithmetic3A_222 : vector<16xi32>
      %and3A_224 = arith.constant 1 : i32
      %and3A_225 = vector.broadcast %and3A_224 : i32 to vector<16xi32>
      %and3A_226 = arith.andi %shift_right_arithmetic3A_223, %and3A_225 : vector<16xi32>
      %eq3A = arith.constant 1 : i32
      %eq3A_227 = vector.broadcast %eq3A : i32 to vector<16xi32>
      %eq3A_228 = arith.cmpi eq, %and3A_226, %eq3A_227 : vector<16xi32>
      %not3A = arith.constant dense<true> : vector<16xi1>
      %not3A_229 = arith.xori %eq3A_228, %not3A : vector<16xi1>
      %and3A_230 = arith.andi %lt3A_221, %not3A_229 : vector<16xi1>
      %and3A_231 = arith.andi %lt3A_221, %eq3A_228 : vector<16xi1>
      %swap3A = arith.index_cast %while3A_212 : i32 to index
      %swap3A_232 = tpu.vector_load %arg6[%swap3A] masked %and3A_230 {strides = array<i32>} : memref<16400xi32, #tpu.memory_space<vmem>>, vector<16xi32>, vector<16xi1>
      tpu.vector_store %arg6[%swap3A], %get3A_216 masked %and3A_230 {strides = array<i32>} : memref<16400xi32, #tpu.memory_space<vmem>>, vector<16xi32>, vector<16xi1>
      %swap3A_233 = arith.index_cast %while3A_213 : i32 to index
      %swap3A_234 = tpu.vector_load %arg6[%swap3A_233] masked %and3A_231 {strides = array<i32>} : memref<16400xi32, #tpu.memory_space<vmem>>, vector<16xi32>, vector<16xi1>
      tpu.vector_store %arg6[%swap3A_233], %get3A_216 masked %and3A_231 {strides = array<i32>} : memref<16400xi32, #tpu.memory_space<vmem>>, vector<16xi32>, vector<16xi1>
      %all_reduce_population_count3A = tpu.all_reduce %and3A_230 {dim = 0 : i64, kind = #tpu.reduction_kind<sum>} : vector<16xi1> -> vector<16xi32>
      %slice3A = vector.extract_strided_slice %all_reduce_population_count3A {offsets = [0], sizes = [1], strides = [1]} : vector<16xi32> to vector<1xi32>
      %squeeze3A = vector.extract %slice3A[0] : i32 from vector<1xi32>
      %add3A_235 = arith.addi %while3A_212, %squeeze3A : i32
      %all_reduce_population_count3A_236 = tpu.all_reduce %and3A_231 {dim = 0 : i64, kind = #tpu.reduction_kind<sum>} : vector<16xi1> -> vector<16xi32>
      %slice3A_237 = vector.extract_strided_slice %all_reduce_population_count3A_236 {offsets = [0], sizes = [1], strides = [1]} : vector<16xi32> to vector<1xi32>
      %squeeze3A_238 = vector.extract %slice3A_237[0] : i32 from vector<1xi32>
      %add3A_239 = arith.addi %while3A_213, %squeeze3A_238 : i32
      scf.yield %add3A_235, %add3A_239 : i32, i32
    }
    %while3A_93 = arith.constant 1 : i32
    %while3A_94:2 = scf.for %while3A_211 = %while3A_90 to %while3A_86 step %while3A_93 iter_args(%while3A_212 = %while3A_92#0, %while3A_213 = %while3A_92#1) -> (i32, i32)  : i32 {
      %mul3A_214 = arith.constant 16 : i32
      %mul3A_215 = arith.muli %while3A_211, %mul3A_214 : i32
      %get3A = arith.index_cast %mul3A_215 : i32 to index
      %get3A_216 = tpu.vector_load %arg5[%get3A] {strides = array<i32>} : memref<16400xi32, #tpu.memory_space<vmem>>, vector<16xi32>,
      %mul3A_217 = arith.constant 16 : i32
      %mul3A_218 = arith.muli %while3A_211, %mul3A_217 : i32
      %add3A_219 = vector.broadcast %mul3A_218 : i32 to vector<16xi32>
      %add3A_220 = arith.addi %iota3A, %add3A_219 : vector<16xi32>
      %lt3A = vector.broadcast %scan3A_28 : i32 to vector<16xi32>
      %lt3A_221 = arith.cmpi slt, %add3A_220, %lt3A : vector<16xi32>
      %shift_right_arithmetic3A = arith.constant 24 : i32
      %shift_right_arithmetic3A_222 = vector.broadcast %shift_right_arithmetic3A : i32 to vector<16xi32>
      %shift_right_arithmetic3A_223 = arith.shrsi %get3A_216, %shift_right_arithmetic3A_222 : vector<16xi32>
      %and3A_224 = arith.constant 1 : i32
      %and3A_225 = vector.broadcast %and3A_224 : i32 to vector<16xi32>
      %and3A_226 = arith.andi %shift_right_arithmetic3A_223, %and3A_225 : vector<16xi32>
      %eq3A = arith.constant 1 : i32
      %eq3A_227 = vector.broadcast %eq3A : i32 to vector<16xi32>
      %eq3A_228 = arith.cmpi eq, %and3A_226, %eq3A_227 : vector<16xi32>
      %not3A = arith.constant dense<true> : vector<16xi1>
      %not3A_229 = arith.xori %eq3A_228, %not3A : vector<16xi1>
      %and3A_230 = arith.andi %lt3A_221, %not3A_229 : vector<16xi1>
      %and3A_231 = arith.andi %lt3A_221, %eq3A_228 : vector<16xi1>
      %swap3A = arith.index_cast %while3A_212 : i32 to index
      %swap3A_232 = tpu.vector_load %arg6[%swap3A] masked %and3A_230 {strides = array<i32>} : memref<16400xi32, #tpu.memory_space<vmem>>, vector<16xi32>, vector<16xi1>
      tpu.vector_store %arg6[%swap3A], %get3A_216 masked %and3A_230 {strides = array<i32>} : memref<16400xi32, #tpu.memory_space<vmem>>, vector<16xi32>, vector<16xi1>
      %swap3A_233 = arith.index_cast %while3A_213 : i32 to index
      %swap3A_234 = tpu.vector_load %arg6[%swap3A_233] masked %and3A_231 {strides = array<i32>} : memref<16400xi32, #tpu.memory_space<vmem>>, vector<16xi32>, vector<16xi1>
      tpu.vector_store %arg6[%swap3A_233], %get3A_216 masked %and3A_231 {strides = array<i32>} : memref<16400xi32, #tpu.memory_space<vmem>>, vector<16xi32>, vector<16xi1>
      %all_reduce_population_count3A = tpu.all_reduce %and3A_230 {dim = 0 : i64, kind = #tpu.reduction_kind<sum>} : vector<16xi1> -> vector<16xi32>
      %slice3A = vector.extract_strided_slice %all_reduce_population_count3A {offsets = [0], sizes = [1], strides = [1]} : vector<16xi32> to vector<1xi32>
      %squeeze3A = vector.extract %slice3A[0] : i32 from vector<1xi32>
      %add3A_235 = arith.addi %while3A_212, %squeeze3A : i32
      %all_reduce_population_count3A_236 = tpu.all_reduce %and3A_231 {dim = 0 : i64, kind = #tpu.reduction_kind<sum>} : vector<16xi1> -> vector<16xi32>
      %slice3A_237 = vector.extract_strided_slice %all_reduce_population_count3A_236 {offsets = [0], sizes = [1], strides = [1]} : vector<16xi32> to vector<1xi32>
      %squeeze3A_238 = vector.extract %slice3A_237[0] : i32 from vector<1xi32>
      %add3A_239 = arith.addi %while3A_213, %squeeze3A_238 : i32
      scf.yield %add3A_235, %add3A_239 : i32, i32
    }
    %while3A_95 = arith.constant 0 : i32
    %while3A_96 = arith.constant 0 : i32
    %while3A_97 = arith.subi %select_n3A, %while3A_95 : i32
    %while3A_98 = arith.addi %while3A_95, %while3A_97 : i32
    %while3A_99 = arith.constant 1 : i32
    %while3A_100 = arith.divsi %while3A_97, %while3A_99 : i32
    %while3A_101 = arith.muli %while3A_100, %while3A_99 : i32
    %while3A_102 = arith.addi %while3A_95, %while3A_101 : i32
    %while3A_103 = arith.constant 1 : i32
    %while3A_104 = scf.for %while3A_211 = %while3A_95 to %while3A_102 step %while3A_103 iter_args(%while3A_212 = %while3A_96) -> (i32)  : i32 {
      %mul3A_213 = arith.constant 16 : i32
      %mul3A_214 = arith.muli %while3A_211, %mul3A_213 : i32
      %get3A = arith.index_cast %mul3A_214 : i32 to index
      %get3A_215 = tpu.vector_load %arg6[%get3A] {strides = array<i32>} : memref<16400xi32, #tpu.memory_space<vmem>>, vector<16xi32>,
      %mul3A_216 = arith.constant 16 : i32
      %mul3A_217 = arith.muli %while3A_211, %mul3A_216 : i32
      %add3A_218 = vector.broadcast %mul3A_217 : i32 to vector<16xi32>
      %add3A_219 = arith.addi %iota3A, %add3A_218 : vector<16xi32>
      %lt3A = vector.broadcast %scan3A_28 : i32 to vector<16xi32>
      %lt3A_220 = arith.cmpi slt, %add3A_219, %lt3A : vector<16xi32>
      %shift_right_arithmetic3A = arith.constant 25 : i32
      %shift_right_arithmetic3A_221 = vector.broadcast %shift_right_arithmetic3A : i32 to vector<16xi32>
      %shift_right_arithmetic3A_222 = arith.shrsi %get3A_215, %shift_right_arithmetic3A_221 : vector<16xi32>
      %and3A_223 = arith.constant 1 : i32
      %and3A_224 = vector.broadcast %and3A_223 : i32 to vector<16xi32>
      %and3A_225 = arith.andi %shift_right_arithmetic3A_222, %and3A_224 : vector<16xi32>
      %eq3A = arith.constant 0 : i32
      %eq3A_226 = vector.broadcast %eq3A : i32 to vector<16xi32>
      %eq3A_227 = arith.cmpi eq, %and3A_225, %eq3A_226 : vector<16xi32>
      %and3A_228 = arith.andi %lt3A_220, %eq3A_227 : vector<16xi1>
      %all_reduce_population_count3A = tpu.all_reduce %and3A_228 {dim = 0 : i64, kind = #tpu.reduction_kind<sum>} : vector<16xi1> -> vector<16xi32>
      %slice3A = vector.extract_strided_slice %all_reduce_population_count3A {offsets = [0], sizes = [1], strides = [1]} : vector<16xi32> to vector<1xi32>
      %squeeze3A = vector.extract %slice3A[0] : i32 from vector<1xi32>
      %add3A_229 = arith.addi %while3A_212, %squeeze3A : i32
      scf.yield %add3A_229 : i32
    }
    %while3A_105 = arith.constant 1 : i32
    %while3A_106 = scf.for %while3A_211 = %while3A_102 to %while3A_98 step %while3A_105 iter_args(%while3A_212 = %while3A_104) -> (i32)  : i32 {
      %mul3A_213 = arith.constant 16 : i32
      %mul3A_214 = arith.muli %while3A_211, %mul3A_213 : i32
      %get3A = arith.index_cast %mul3A_214 : i32 to index
      %get3A_215 = tpu.vector_load %arg6[%get3A] {strides = array<i32>} : memref<16400xi32, #tpu.memory_space<vmem>>, vector<16xi32>,
      %mul3A_216 = arith.constant 16 : i32
      %mul3A_217 = arith.muli %while3A_211, %mul3A_216 : i32
      %add3A_218 = vector.broadcast %mul3A_217 : i32 to vector<16xi32>
      %add3A_219 = arith.addi %iota3A, %add3A_218 : vector<16xi32>
      %lt3A = vector.broadcast %scan3A_28 : i32 to vector<16xi32>
      %lt3A_220 = arith.cmpi slt, %add3A_219, %lt3A : vector<16xi32>
      %shift_right_arithmetic3A = arith.constant 25 : i32
      %shift_right_arithmetic3A_221 = vector.broadcast %shift_right_arithmetic3A : i32 to vector<16xi32>
      %shift_right_arithmetic3A_222 = arith.shrsi %get3A_215, %shift_right_arithmetic3A_221 : vector<16xi32>
      %and3A_223 = arith.constant 1 : i32
      %and3A_224 = vector.broadcast %and3A_223 : i32 to vector<16xi32>
      %and3A_225 = arith.andi %shift_right_arithmetic3A_222, %and3A_224 : vector<16xi32>
      %eq3A = arith.constant 0 : i32
      %eq3A_226 = vector.broadcast %eq3A : i32 to vector<16xi32>
      %eq3A_227 = arith.cmpi eq, %and3A_225, %eq3A_226 : vector<16xi32>
      %and3A_228 = arith.andi %lt3A_220, %eq3A_227 : vector<16xi1>
      %all_reduce_population_count3A = tpu.all_reduce %and3A_228 {dim = 0 : i64, kind = #tpu.reduction_kind<sum>} : vector<16xi1> -> vector<16xi32>
      %slice3A = vector.extract_strided_slice %all_reduce_population_count3A {offsets = [0], sizes = [1], strides = [1]} : vector<16xi32> to vector<1xi32>
      %squeeze3A = vector.extract %slice3A[0] : i32 from vector<1xi32>
      %add3A_229 = arith.addi %while3A_212, %squeeze3A : i32
      scf.yield %add3A_229 : i32
    }
    %while3A_107 = arith.constant 0 : i32
    %while3A_108 = arith.constant 0 : i32
    %while3A_109 = arith.subi %select_n3A, %while3A_107 : i32
    %while3A_110 = arith.addi %while3A_107, %while3A_109 : i32
    %while3A_111 = arith.constant 1 : i32
    %while3A_112 = arith.divsi %while3A_109, %while3A_111 : i32
    %while3A_113 = arith.muli %while3A_112, %while3A_111 : i32
    %while3A_114 = arith.addi %while3A_107, %while3A_113 : i32
    %while3A_115 = arith.constant 1 : i32
    %while3A_116:2 = scf.for %while3A_211 = %while3A_107 to %while3A_114 step %while3A_115 iter_args(%while3A_212 = %while3A_108, %while3A_213 = %while3A_106) -> (i32, i32)  : i32 {
      %mul3A_214 = arith.constant 16 : i32
      %mul3A_215 = arith.muli %while3A_211, %mul3A_214 : i32
      %get3A = arith.index_cast %mul3A_215 : i32 to index
      %get3A_216 = tpu.vector_load %arg6[%get3A] {strides = array<i32>} : memref<16400xi32, #tpu.memory_space<vmem>>, vector<16xi32>,
      %mul3A_217 = arith.constant 16 : i32
      %mul3A_218 = arith.muli %while3A_211, %mul3A_217 : i32
      %add3A_219 = vector.broadcast %mul3A_218 : i32 to vector<16xi32>
      %add3A_220 = arith.addi %iota3A, %add3A_219 : vector<16xi32>
      %lt3A = vector.broadcast %scan3A_28 : i32 to vector<16xi32>
      %lt3A_221 = arith.cmpi slt, %add3A_220, %lt3A : vector<16xi32>
      %shift_right_arithmetic3A = arith.constant 25 : i32
      %shift_right_arithmetic3A_222 = vector.broadcast %shift_right_arithmetic3A : i32 to vector<16xi32>
      %shift_right_arithmetic3A_223 = arith.shrsi %get3A_216, %shift_right_arithmetic3A_222 : vector<16xi32>
      %and3A_224 = arith.constant 1 : i32
      %and3A_225 = vector.broadcast %and3A_224 : i32 to vector<16xi32>
      %and3A_226 = arith.andi %shift_right_arithmetic3A_223, %and3A_225 : vector<16xi32>
      %eq3A = arith.constant 1 : i32
      %eq3A_227 = vector.broadcast %eq3A : i32 to vector<16xi32>
      %eq3A_228 = arith.cmpi eq, %and3A_226, %eq3A_227 : vector<16xi32>
      %not3A = arith.constant dense<true> : vector<16xi1>
      %not3A_229 = arith.xori %eq3A_228, %not3A : vector<16xi1>
      %and3A_230 = arith.andi %lt3A_221, %not3A_229 : vector<16xi1>
      %and3A_231 = arith.andi %lt3A_221, %eq3A_228 : vector<16xi1>
      %swap3A = arith.index_cast %while3A_212 : i32 to index
      %swap3A_232 = tpu.vector_load %arg5[%swap3A] masked %and3A_230 {strides = array<i32>} : memref<16400xi32, #tpu.memory_space<vmem>>, vector<16xi32>, vector<16xi1>
      tpu.vector_store %arg5[%swap3A], %get3A_216 masked %and3A_230 {strides = array<i32>} : memref<16400xi32, #tpu.memory_space<vmem>>, vector<16xi32>, vector<16xi1>
      %swap3A_233 = arith.index_cast %while3A_213 : i32 to index
      %swap3A_234 = tpu.vector_load %arg5[%swap3A_233] masked %and3A_231 {strides = array<i32>} : memref<16400xi32, #tpu.memory_space<vmem>>, vector<16xi32>, vector<16xi1>
      tpu.vector_store %arg5[%swap3A_233], %get3A_216 masked %and3A_231 {strides = array<i32>} : memref<16400xi32, #tpu.memory_space<vmem>>, vector<16xi32>, vector<16xi1>
      %all_reduce_population_count3A = tpu.all_reduce %and3A_230 {dim = 0 : i64, kind = #tpu.reduction_kind<sum>} : vector<16xi1> -> vector<16xi32>
      %slice3A = vector.extract_strided_slice %all_reduce_population_count3A {offsets = [0], sizes = [1], strides = [1]} : vector<16xi32> to vector<1xi32>
      %squeeze3A = vector.extract %slice3A[0] : i32 from vector<1xi32>
      %add3A_235 = arith.addi %while3A_212, %squeeze3A : i32
      %all_reduce_population_count3A_236 = tpu.all_reduce %and3A_231 {dim = 0 : i64, kind = #tpu.reduction_kind<sum>} : vector<16xi1> -> vector<16xi32>
      %slice3A_237 = vector.extract_strided_slice %all_reduce_population_count3A_236 {offsets = [0], sizes = [1], strides = [1]} : vector<16xi32> to vector<1xi32>
      %squeeze3A_238 = vector.extract %slice3A_237[0] : i32 from vector<1xi32>
      %add3A_239 = arith.addi %while3A_213, %squeeze3A_238 : i32
      scf.yield %add3A_235, %add3A_239 : i32, i32
    }
    %while3A_117 = arith.constant 1 : i32
    %while3A_118:2 = scf.for %while3A_211 = %while3A_114 to %while3A_110 step %while3A_117 iter_args(%while3A_212 = %while3A_116#0, %while3A_213 = %while3A_116#1) -> (i32, i32)  : i32 {
      %mul3A_214 = arith.constant 16 : i32
      %mul3A_215 = arith.muli %while3A_211, %mul3A_214 : i32
      %get3A = arith.index_cast %mul3A_215 : i32 to index
      %get3A_216 = tpu.vector_load %arg6[%get3A] {strides = array<i32>} : memref<16400xi32, #tpu.memory_space<vmem>>, vector<16xi32>,
      %mul3A_217 = arith.constant 16 : i32
      %mul3A_218 = arith.muli %while3A_211, %mul3A_217 : i32
      %add3A_219 = vector.broadcast %mul3A_218 : i32 to vector<16xi32>
      %add3A_220 = arith.addi %iota3A, %add3A_219 : vector<16xi32>
      %lt3A = vector.broadcast %scan3A_28 : i32 to vector<16xi32>
      %lt3A_221 = arith.cmpi slt, %add3A_220, %lt3A : vector<16xi32>
      %shift_right_arithmetic3A = arith.constant 25 : i32
      %shift_right_arithmetic3A_222 = vector.broadcast %shift_right_arithmetic3A : i32 to vector<16xi32>
      %shift_right_arithmetic3A_223 = arith.shrsi %get3A_216, %shift_right_arithmetic3A_222 : vector<16xi32>
      %and3A_224 = arith.constant 1 : i32
      %and3A_225 = vector.broadcast %and3A_224 : i32 to vector<16xi32>
      %and3A_226 = arith.andi %shift_right_arithmetic3A_223, %and3A_225 : vector<16xi32>
      %eq3A = arith.constant 1 : i32
      %eq3A_227 = vector.broadcast %eq3A : i32 to vector<16xi32>
      %eq3A_228 = arith.cmpi eq, %and3A_226, %eq3A_227 : vector<16xi32>
      %not3A = arith.constant dense<true> : vector<16xi1>
      %not3A_229 = arith.xori %eq3A_228, %not3A : vector<16xi1>
      %and3A_230 = arith.andi %lt3A_221, %not3A_229 : vector<16xi1>
      %and3A_231 = arith.andi %lt3A_221, %eq3A_228 : vector<16xi1>
      %swap3A = arith.index_cast %while3A_212 : i32 to index
      %swap3A_232 = tpu.vector_load %arg5[%swap3A] masked %and3A_230 {strides = array<i32>} : memref<16400xi32, #tpu.memory_space<vmem>>, vector<16xi32>, vector<16xi1>
      tpu.vector_store %arg5[%swap3A], %get3A_216 masked %and3A_230 {strides = array<i32>} : memref<16400xi32, #tpu.memory_space<vmem>>, vector<16xi32>, vector<16xi1>
      %swap3A_233 = arith.index_cast %while3A_213 : i32 to index
      %swap3A_234 = tpu.vector_load %arg5[%swap3A_233] masked %and3A_231 {strides = array<i32>} : memref<16400xi32, #tpu.memory_space<vmem>>, vector<16xi32>, vector<16xi1>
      tpu.vector_store %arg5[%swap3A_233], %get3A_216 masked %and3A_231 {strides = array<i32>} : memref<16400xi32, #tpu.memory_space<vmem>>, vector<16xi32>, vector<16xi1>
      %all_reduce_population_count3A = tpu.all_reduce %and3A_230 {dim = 0 : i64, kind = #tpu.reduction_kind<sum>} : vector<16xi1> -> vector<16xi32>
      %slice3A = vector.extract_strided_slice %all_reduce_population_count3A {offsets = [0], sizes = [1], strides = [1]} : vector<16xi32> to vector<1xi32>
      %squeeze3A = vector.extract %slice3A[0] : i32 from vector<1xi32>
      %add3A_235 = arith.addi %while3A_212, %squeeze3A : i32
      %all_reduce_population_count3A_236 = tpu.all_reduce %and3A_231 {dim = 0 : i64, kind = #tpu.reduction_kind<sum>} : vector<16xi1> -> vector<16xi32>
      %slice3A_237 = vector.extract_strided_slice %all_reduce_population_count3A_236 {offsets = [0], sizes = [1], strides = [1]} : vector<16xi32> to vector<1xi32>
      %squeeze3A_238 = vector.extract %slice3A_237[0] : i32 from vector<1xi32>
      %add3A_239 = arith.addi %while3A_213, %squeeze3A_238 : i32
      scf.yield %add3A_235, %add3A_239 : i32, i32
    }
    %while3A_119 = arith.constant 0 : i32
    %while3A_120 = arith.constant 0 : i32
    %while3A_121 = arith.subi %select_n3A, %while3A_119 : i32
    %while3A_122 = arith.addi %while3A_119, %while3A_121 : i32
    %while3A_123 = arith.constant 1 : i32
    %while3A_124 = arith.divsi %while3A_121, %while3A_123 : i32
    %while3A_125 = arith.muli %while3A_124, %while3A_123 : i32
    %while3A_126 = arith.addi %while3A_119, %while3A_125 : i32
    %while3A_127 = arith.constant 1 : i32
    %while3A_128 = scf.for %while3A_211 = %while3A_119 to %while3A_126 step %while3A_127 iter_args(%while3A_212 = %while3A_120) -> (i32)  : i32 {
      %mul3A_213 = arith.constant 16 : i32
      %mul3A_214 = arith.muli %while3A_211, %mul3A_213 : i32
      %get3A = arith.index_cast %mul3A_214 : i32 to index
      %get3A_215 = tpu.vector_load %arg5[%get3A] {strides = array<i32>} : memref<16400xi32, #tpu.memory_space<vmem>>, vector<16xi32>,
      %mul3A_216 = arith.constant 16 : i32
      %mul3A_217 = arith.muli %while3A_211, %mul3A_216 : i32
      %add3A_218 = vector.broadcast %mul3A_217 : i32 to vector<16xi32>
      %add3A_219 = arith.addi %iota3A, %add3A_218 : vector<16xi32>
      %lt3A = vector.broadcast %scan3A_28 : i32 to vector<16xi32>
      %lt3A_220 = arith.cmpi slt, %add3A_219, %lt3A : vector<16xi32>
      %shift_right_arithmetic3A = arith.constant 26 : i32
      %shift_right_arithmetic3A_221 = vector.broadcast %shift_right_arithmetic3A : i32 to vector<16xi32>
      %shift_right_arithmetic3A_222 = arith.shrsi %get3A_215, %shift_right_arithmetic3A_221 : vector<16xi32>
      %and3A_223 = arith.constant 1 : i32
      %and3A_224 = vector.broadcast %and3A_223 : i32 to vector<16xi32>
      %and3A_225 = arith.andi %shift_right_arithmetic3A_222, %and3A_224 : vector<16xi32>
      %eq3A = arith.constant 0 : i32
      %eq3A_226 = vector.broadcast %eq3A : i32 to vector<16xi32>
      %eq3A_227 = arith.cmpi eq, %and3A_225, %eq3A_226 : vector<16xi32>
      %and3A_228 = arith.andi %lt3A_220, %eq3A_227 : vector<16xi1>
      %all_reduce_population_count3A = tpu.all_reduce %and3A_228 {dim = 0 : i64, kind = #tpu.reduction_kind<sum>} : vector<16xi1> -> vector<16xi32>
      %slice3A = vector.extract_strided_slice %all_reduce_population_count3A {offsets = [0], sizes = [1], strides = [1]} : vector<16xi32> to vector<1xi32>
      %squeeze3A = vector.extract %slice3A[0] : i32 from vector<1xi32>
      %add3A_229 = arith.addi %while3A_212, %squeeze3A : i32
      scf.yield %add3A_229 : i32
    }
    %while3A_129 = arith.constant 1 : i32
    %while3A_130 = scf.for %while3A_211 = %while3A_126 to %while3A_122 step %while3A_129 iter_args(%while3A_212 = %while3A_128) -> (i32)  : i32 {
      %mul3A_213 = arith.constant 16 : i32
      %mul3A_214 = arith.muli %while3A_211, %mul3A_213 : i32
      %get3A = arith.index_cast %mul3A_214 : i32 to index
      %get3A_215 = tpu.vector_load %arg5[%get3A] {strides = array<i32>} : memref<16400xi32, #tpu.memory_space<vmem>>, vector<16xi32>,
      %mul3A_216 = arith.constant 16 : i32
      %mul3A_217 = arith.muli %while3A_211, %mul3A_216 : i32
      %add3A_218 = vector.broadcast %mul3A_217 : i32 to vector<16xi32>
      %add3A_219 = arith.addi %iota3A, %add3A_218 : vector<16xi32>
      %lt3A = vector.broadcast %scan3A_28 : i32 to vector<16xi32>
      %lt3A_220 = arith.cmpi slt, %add3A_219, %lt3A : vector<16xi32>
      %shift_right_arithmetic3A = arith.constant 26 : i32
      %shift_right_arithmetic3A_221 = vector.broadcast %shift_right_arithmetic3A : i32 to vector<16xi32>
      %shift_right_arithmetic3A_222 = arith.shrsi %get3A_215, %shift_right_arithmetic3A_221 : vector<16xi32>
      %and3A_223 = arith.constant 1 : i32
      %and3A_224 = vector.broadcast %and3A_223 : i32 to vector<16xi32>
      %and3A_225 = arith.andi %shift_right_arithmetic3A_222, %and3A_224 : vector<16xi32>
      %eq3A = arith.constant 0 : i32
      %eq3A_226 = vector.broadcast %eq3A : i32 to vector<16xi32>
      %eq3A_227 = arith.cmpi eq, %and3A_225, %eq3A_226 : vector<16xi32>
      %and3A_228 = arith.andi %lt3A_220, %eq3A_227 : vector<16xi1>
      %all_reduce_population_count3A = tpu.all_reduce %and3A_228 {dim = 0 : i64, kind = #tpu.reduction_kind<sum>} : vector<16xi1> -> vector<16xi32>
      %slice3A = vector.extract_strided_slice %all_reduce_population_count3A {offsets = [0], sizes = [1], strides = [1]} : vector<16xi32> to vector<1xi32>
      %squeeze3A = vector.extract %slice3A[0] : i32 from vector<1xi32>
      %add3A_229 = arith.addi %while3A_212, %squeeze3A : i32
      scf.yield %add3A_229 : i32
    }
    %while3A_131 = arith.constant 0 : i32
    %while3A_132 = arith.constant 0 : i32
    %while3A_133 = arith.subi %select_n3A, %while3A_131 : i32
    %while3A_134 = arith.addi %while3A_131, %while3A_133 : i32
    %while3A_135 = arith.constant 1 : i32
    %while3A_136 = arith.divsi %while3A_133, %while3A_135 : i32
    %while3A_137 = arith.muli %while3A_136, %while3A_135 : i32
    %while3A_138 = arith.addi %while3A_131, %while3A_137 : i32
    %while3A_139 = arith.constant 1 : i32
    %while3A_140:2 = scf.for %while3A_211 = %while3A_131 to %while3A_138 step %while3A_139 iter_args(%while3A_212 = %while3A_132, %while3A_213 = %while3A_130) -> (i32, i32)  : i32 {
      %mul3A_214 = arith.constant 16 : i32
      %mul3A_215 = arith.muli %while3A_211, %mul3A_214 : i32
      %get3A = arith.index_cast %mul3A_215 : i32 to index
      %get3A_216 = tpu.vector_load %arg5[%get3A] {strides = array<i32>} : memref<16400xi32, #tpu.memory_space<vmem>>, vector<16xi32>,
      %mul3A_217 = arith.constant 16 : i32
      %mul3A_218 = arith.muli %while3A_211, %mul3A_217 : i32
      %add3A_219 = vector.broadcast %mul3A_218 : i32 to vector<16xi32>
      %add3A_220 = arith.addi %iota3A, %add3A_219 : vector<16xi32>
      %lt3A = vector.broadcast %scan3A_28 : i32 to vector<16xi32>
      %lt3A_221 = arith.cmpi slt, %add3A_220, %lt3A : vector<16xi32>
      %shift_right_arithmetic3A = arith.constant 26 : i32
      %shift_right_arithmetic3A_222 = vector.broadcast %shift_right_arithmetic3A : i32 to vector<16xi32>
      %shift_right_arithmetic3A_223 = arith.shrsi %get3A_216, %shift_right_arithmetic3A_222 : vector<16xi32>
      %and3A_224 = arith.constant 1 : i32
      %and3A_225 = vector.broadcast %and3A_224 : i32 to vector<16xi32>
      %and3A_226 = arith.andi %shift_right_arithmetic3A_223, %and3A_225 : vector<16xi32>
      %eq3A = arith.constant 1 : i32
      %eq3A_227 = vector.broadcast %eq3A : i32 to vector<16xi32>
      %eq3A_228 = arith.cmpi eq, %and3A_226, %eq3A_227 : vector<16xi32>
      %not3A = arith.constant dense<true> : vector<16xi1>
      %not3A_229 = arith.xori %eq3A_228, %not3A : vector<16xi1>
      %and3A_230 = arith.andi %lt3A_221, %not3A_229 : vector<16xi1>
      %and3A_231 = arith.andi %lt3A_221, %eq3A_228 : vector<16xi1>
      %swap3A = arith.index_cast %while3A_212 : i32 to index
      %swap3A_232 = tpu.vector_load %arg6[%swap3A] masked %and3A_230 {strides = array<i32>} : memref<16400xi32, #tpu.memory_space<vmem>>, vector<16xi32>, vector<16xi1>
      tpu.vector_store %arg6[%swap3A], %get3A_216 masked %and3A_230 {strides = array<i32>} : memref<16400xi32, #tpu.memory_space<vmem>>, vector<16xi32>, vector<16xi1>
      %swap3A_233 = arith.index_cast %while3A_213 : i32 to index
      %swap3A_234 = tpu.vector_load %arg6[%swap3A_233] masked %and3A_231 {strides = array<i32>} : memref<16400xi32, #tpu.memory_space<vmem>>, vector<16xi32>, vector<16xi1>
      tpu.vector_store %arg6[%swap3A_233], %get3A_216 masked %and3A_231 {strides = array<i32>} : memref<16400xi32, #tpu.memory_space<vmem>>, vector<16xi32>, vector<16xi1>
      %all_reduce_population_count3A = tpu.all_reduce %and3A_230 {dim = 0 : i64, kind = #tpu.reduction_kind<sum>} : vector<16xi1> -> vector<16xi32>
      %slice3A = vector.extract_strided_slice %all_reduce_population_count3A {offsets = [0], sizes = [1], strides = [1]} : vector<16xi32> to vector<1xi32>
      %squeeze3A = vector.extract %slice3A[0] : i32 from vector<1xi32>
      %add3A_235 = arith.addi %while3A_212, %squeeze3A : i32
      %all_reduce_population_count3A_236 = tpu.all_reduce %and3A_231 {dim = 0 : i64, kind = #tpu.reduction_kind<sum>} : vector<16xi1> -> vector<16xi32>
      %slice3A_237 = vector.extract_strided_slice %all_reduce_population_count3A_236 {offsets = [0], sizes = [1], strides = [1]} : vector<16xi32> to vector<1xi32>
      %squeeze3A_238 = vector.extract %slice3A_237[0] : i32 from vector<1xi32>
      %add3A_239 = arith.addi %while3A_213, %squeeze3A_238 : i32
      scf.yield %add3A_235, %add3A_239 : i32, i32
    }
    %while3A_141 = arith.constant 1 : i32
    %while3A_142:2 = scf.for %while3A_211 = %while3A_138 to %while3A_134 step %while3A_141 iter_args(%while3A_212 = %while3A_140#0, %while3A_213 = %while3A_140#1) -> (i32, i32)  : i32 {
      %mul3A_214 = arith.constant 16 : i32
      %mul3A_215 = arith.muli %while3A_211, %mul3A_214 : i32
      %get3A = arith.index_cast %mul3A_215 : i32 to index
      %get3A_216 = tpu.vector_load %arg5[%get3A] {strides = array<i32>} : memref<16400xi32, #tpu.memory_space<vmem>>, vector<16xi32>,
      %mul3A_217 = arith.constant 16 : i32
      %mul3A_218 = arith.muli %while3A_211, %mul3A_217 : i32
      %add3A_219 = vector.broadcast %mul3A_218 : i32 to vector<16xi32>
      %add3A_220 = arith.addi %iota3A, %add3A_219 : vector<16xi32>
      %lt3A = vector.broadcast %scan3A_28 : i32 to vector<16xi32>
      %lt3A_221 = arith.cmpi slt, %add3A_220, %lt3A : vector<16xi32>
      %shift_right_arithmetic3A = arith.constant 26 : i32
      %shift_right_arithmetic3A_222 = vector.broadcast %shift_right_arithmetic3A : i32 to vector<16xi32>
      %shift_right_arithmetic3A_223 = arith.shrsi %get3A_216, %shift_right_arithmetic3A_222 : vector<16xi32>
      %and3A_224 = arith.constant 1 : i32
      %and3A_225 = vector.broadcast %and3A_224 : i32 to vector<16xi32>
      %and3A_226 = arith.andi %shift_right_arithmetic3A_223, %and3A_225 : vector<16xi32>
      %eq3A = arith.constant 1 : i32
      %eq3A_227 = vector.broadcast %eq3A : i32 to vector<16xi32>
      %eq3A_228 = arith.cmpi eq, %and3A_226, %eq3A_227 : vector<16xi32>
      %not3A = arith.constant dense<true> : vector<16xi1>
      %not3A_229 = arith.xori %eq3A_228, %not3A : vector<16xi1>
      %and3A_230 = arith.andi %lt3A_221, %not3A_229 : vector<16xi1>
      %and3A_231 = arith.andi %lt3A_221, %eq3A_228 : vector<16xi1>
      %swap3A = arith.index_cast %while3A_212 : i32 to index
      %swap3A_232 = tpu.vector_load %arg6[%swap3A] masked %and3A_230 {strides = array<i32>} : memref<16400xi32, #tpu.memory_space<vmem>>, vector<16xi32>, vector<16xi1>
      tpu.vector_store %arg6[%swap3A], %get3A_216 masked %and3A_230 {strides = array<i32>} : memref<16400xi32, #tpu.memory_space<vmem>>, vector<16xi32>, vector<16xi1>
      %swap3A_233 = arith.index_cast %while3A_213 : i32 to index
      %swap3A_234 = tpu.vector_load %arg6[%swap3A_233] masked %and3A_231 {strides = array<i32>} : memref<16400xi32, #tpu.memory_space<vmem>>, vector<16xi32>, vector<16xi1>
      tpu.vector_store %arg6[%swap3A_233], %get3A_216 masked %and3A_231 {strides = array<i32>} : memref<16400xi32, #tpu.memory_space<vmem>>, vector<16xi32>, vector<16xi1>
      %all_reduce_population_count3A = tpu.all_reduce %and3A_230 {dim = 0 : i64, kind = #tpu.reduction_kind<sum>} : vector<16xi1> -> vector<16xi32>
      %slice3A = vector.extract_strided_slice %all_reduce_population_count3A {offsets = [0], sizes = [1], strides = [1]} : vector<16xi32> to vector<1xi32>
      %squeeze3A = vector.extract %slice3A[0] : i32 from vector<1xi32>
      %add3A_235 = arith.addi %while3A_212, %squeeze3A : i32
      %all_reduce_population_count3A_236 = tpu.all_reduce %and3A_231 {dim = 0 : i64, kind = #tpu.reduction_kind<sum>} : vector<16xi1> -> vector<16xi32>
      %slice3A_237 = vector.extract_strided_slice %all_reduce_population_count3A_236 {offsets = [0], sizes = [1], strides = [1]} : vector<16xi32> to vector<1xi32>
      %squeeze3A_238 = vector.extract %slice3A_237[0] : i32 from vector<1xi32>
      %add3A_239 = arith.addi %while3A_213, %squeeze3A_238 : i32
      scf.yield %add3A_235, %add3A_239 : i32, i32
    }
    %while3A_143 = arith.constant 0 : i32
    %while3A_144 = arith.constant 0 : i32
    %while3A_145 = arith.subi %select_n3A, %while3A_143 : i32
    %while3A_146 = arith.addi %while3A_143, %while3A_145 : i32
    %while3A_147 = arith.constant 1 : i32
    %while3A_148 = arith.divsi %while3A_145, %while3A_147 : i32
    %while3A_149 = arith.muli %while3A_148, %while3A_147 : i32
    %while3A_150 = arith.addi %while3A_143, %while3A_149 : i32
    %while3A_151 = arith.constant 1 : i32
    %while3A_152 = scf.for %while3A_211 = %while3A_143 to %while3A_150 step %while3A_151 iter_args(%while3A_212 = %while3A_144) -> (i32)  : i32 {
      %mul3A_213 = arith.constant 16 : i32
      %mul3A_214 = arith.muli %while3A_211, %mul3A_213 : i32
      %get3A = arith.index_cast %mul3A_214 : i32 to index
      %get3A_215 = tpu.vector_load %arg6[%get3A] {strides = array<i32>} : memref<16400xi32, #tpu.memory_space<vmem>>, vector<16xi32>,
      %mul3A_216 = arith.constant 16 : i32
      %mul3A_217 = arith.muli %while3A_211, %mul3A_216 : i32
      %add3A_218 = vector.broadcast %mul3A_217 : i32 to vector<16xi32>
      %add3A_219 = arith.addi %iota3A, %add3A_218 : vector<16xi32>
      %lt3A = vector.broadcast %scan3A_28 : i32 to vector<16xi32>
      %lt3A_220 = arith.cmpi slt, %add3A_219, %lt3A : vector<16xi32>
      %shift_right_arithmetic3A = arith.constant 27 : i32
      %shift_right_arithmetic3A_221 = vector.broadcast %shift_right_arithmetic3A : i32 to vector<16xi32>
      %shift_right_arithmetic3A_222 = arith.shrsi %get3A_215, %shift_right_arithmetic3A_221 : vector<16xi32>
      %and3A_223 = arith.constant 1 : i32
      %and3A_224 = vector.broadcast %and3A_223 : i32 to vector<16xi32>
      %and3A_225 = arith.andi %shift_right_arithmetic3A_222, %and3A_224 : vector<16xi32>
      %eq3A = arith.constant 0 : i32
      %eq3A_226 = vector.broadcast %eq3A : i32 to vector<16xi32>
      %eq3A_227 = arith.cmpi eq, %and3A_225, %eq3A_226 : vector<16xi32>
      %and3A_228 = arith.andi %lt3A_220, %eq3A_227 : vector<16xi1>
      %all_reduce_population_count3A = tpu.all_reduce %and3A_228 {dim = 0 : i64, kind = #tpu.reduction_kind<sum>} : vector<16xi1> -> vector<16xi32>
      %slice3A = vector.extract_strided_slice %all_reduce_population_count3A {offsets = [0], sizes = [1], strides = [1]} : vector<16xi32> to vector<1xi32>
      %squeeze3A = vector.extract %slice3A[0] : i32 from vector<1xi32>
      %add3A_229 = arith.addi %while3A_212, %squeeze3A : i32
      scf.yield %add3A_229 : i32
    }
    %while3A_153 = arith.constant 1 : i32
    %while3A_154 = scf.for %while3A_211 = %while3A_150 to %while3A_146 step %while3A_153 iter_args(%while3A_212 = %while3A_152) -> (i32)  : i32 {
      %mul3A_213 = arith.constant 16 : i32
      %mul3A_214 = arith.muli %while3A_211, %mul3A_213 : i32
      %get3A = arith.index_cast %mul3A_214 : i32 to index
      %get3A_215 = tpu.vector_load %arg6[%get3A] {strides = array<i32>} : memref<16400xi32, #tpu.memory_space<vmem>>, vector<16xi32>,
      %mul3A_216 = arith.constant 16 : i32
      %mul3A_217 = arith.muli %while3A_211, %mul3A_216 : i32
      %add3A_218 = vector.broadcast %mul3A_217 : i32 to vector<16xi32>
      %add3A_219 = arith.addi %iota3A, %add3A_218 : vector<16xi32>
      %lt3A = vector.broadcast %scan3A_28 : i32 to vector<16xi32>
      %lt3A_220 = arith.cmpi slt, %add3A_219, %lt3A : vector<16xi32>
      %shift_right_arithmetic3A = arith.constant 27 : i32
      %shift_right_arithmetic3A_221 = vector.broadcast %shift_right_arithmetic3A : i32 to vector<16xi32>
      %shift_right_arithmetic3A_222 = arith.shrsi %get3A_215, %shift_right_arithmetic3A_221 : vector<16xi32>
      %and3A_223 = arith.constant 1 : i32
      %and3A_224 = vector.broadcast %and3A_223 : i32 to vector<16xi32>
      %and3A_225 = arith.andi %shift_right_arithmetic3A_222, %and3A_224 : vector<16xi32>
      %eq3A = arith.constant 0 : i32
      %eq3A_226 = vector.broadcast %eq3A : i32 to vector<16xi32>
      %eq3A_227 = arith.cmpi eq, %and3A_225, %eq3A_226 : vector<16xi32>
      %and3A_228 = arith.andi %lt3A_220, %eq3A_227 : vector<16xi1>
      %all_reduce_population_count3A = tpu.all_reduce %and3A_228 {dim = 0 : i64, kind = #tpu.reduction_kind<sum>} : vector<16xi1> -> vector<16xi32>
      %slice3A = vector.extract_strided_slice %all_reduce_population_count3A {offsets = [0], sizes = [1], strides = [1]} : vector<16xi32> to vector<1xi32>
      %squeeze3A = vector.extract %slice3A[0] : i32 from vector<1xi32>
      %add3A_229 = arith.addi %while3A_212, %squeeze3A : i32
      scf.yield %add3A_229 : i32
    }
    %while3A_155 = arith.constant 0 : i32
    %while3A_156 = arith.constant 0 : i32
    %while3A_157 = arith.subi %select_n3A, %while3A_155 : i32
    %while3A_158 = arith.addi %while3A_155, %while3A_157 : i32
    %while3A_159 = arith.constant 1 : i32
    %while3A_160 = arith.divsi %while3A_157, %while3A_159 : i32
    %while3A_161 = arith.muli %while3A_160, %while3A_159 : i32
    %while3A_162 = arith.addi %while3A_155, %while3A_161 : i32
    %while3A_163 = arith.constant 1 : i32
    %while3A_164:2 = scf.for %while3A_211 = %while3A_155 to %while3A_162 step %while3A_163 iter_args(%while3A_212 = %while3A_156, %while3A_213 = %while3A_154) -> (i32, i32)  : i32 {
      %mul3A_214 = arith.constant 16 : i32
      %mul3A_215 = arith.muli %while3A_211, %mul3A_214 : i32
      %get3A = arith.index_cast %mul3A_215 : i32 to index
      %get3A_216 = tpu.vector_load %arg6[%get3A] {strides = array<i32>} : memref<16400xi32, #tpu.memory_space<vmem>>, vector<16xi32>,
      %mul3A_217 = arith.constant 16 : i32
      %mul3A_218 = arith.muli %while3A_211, %mul3A_217 : i32
      %add3A_219 = vector.broadcast %mul3A_218 : i32 to vector<16xi32>
      %add3A_220 = arith.addi %iota3A, %add3A_219 : vector<16xi32>
      %lt3A = vector.broadcast %scan3A_28 : i32 to vector<16xi32>
      %lt3A_221 = arith.cmpi slt, %add3A_220, %lt3A : vector<16xi32>
      %shift_right_arithmetic3A = arith.constant 27 : i32
      %shift_right_arithmetic3A_222 = vector.broadcast %shift_right_arithmetic3A : i32 to vector<16xi32>
      %shift_right_arithmetic3A_223 = arith.shrsi %get3A_216, %shift_right_arithmetic3A_222 : vector<16xi32>
      %and3A_224 = arith.constant 1 : i32
      %and3A_225 = vector.broadcast %and3A_224 : i32 to vector<16xi32>
      %and3A_226 = arith.andi %shift_right_arithmetic3A_223, %and3A_225 : vector<16xi32>
      %eq3A = arith.constant 1 : i32
      %eq3A_227 = vector.broadcast %eq3A : i32 to vector<16xi32>
      %eq3A_228 = arith.cmpi eq, %and3A_226, %eq3A_227 : vector<16xi32>
      %not3A = arith.constant dense<true> : vector<16xi1>
      %not3A_229 = arith.xori %eq3A_228, %not3A : vector<16xi1>
      %and3A_230 = arith.andi %lt3A_221, %not3A_229 : vector<16xi1>
      %and3A_231 = arith.andi %lt3A_221, %eq3A_228 : vector<16xi1>
      %swap3A = arith.index_cast %while3A_212 : i32 to index
      %swap3A_232 = tpu.vector_load %arg5[%swap3A] masked %and3A_230 {strides = array<i32>} : memref<16400xi32, #tpu.memory_space<vmem>>, vector<16xi32>, vector<16xi1>
      tpu.vector_store %arg5[%swap3A], %get3A_216 masked %and3A_230 {strides = array<i32>} : memref<16400xi32, #tpu.memory_space<vmem>>, vector<16xi32>, vector<16xi1>
      %swap3A_233 = arith.index_cast %while3A_213 : i32 to index
      %swap3A_234 = tpu.vector_load %arg5[%swap3A_233] masked %and3A_231 {strides = array<i32>} : memref<16400xi32, #tpu.memory_space<vmem>>, vector<16xi32>, vector<16xi1>
      tpu.vector_store %arg5[%swap3A_233], %get3A_216 masked %and3A_231 {strides = array<i32>} : memref<16400xi32, #tpu.memory_space<vmem>>, vector<16xi32>, vector<16xi1>
      %all_reduce_population_count3A = tpu.all_reduce %and3A_230 {dim = 0 : i64, kind = #tpu.reduction_kind<sum>} : vector<16xi1> -> vector<16xi32>
      %slice3A = vector.extract_strided_slice %all_reduce_population_count3A {offsets = [0], sizes = [1], strides = [1]} : vector<16xi32> to vector<1xi32>
      %squeeze3A = vector.extract %slice3A[0] : i32 from vector<1xi32>
      %add3A_235 = arith.addi %while3A_212, %squeeze3A : i32
      %all_reduce_population_count3A_236 = tpu.all_reduce %and3A_231 {dim = 0 : i64, kind = #tpu.reduction_kind<sum>} : vector<16xi1> -> vector<16xi32>
      %slice3A_237 = vector.extract_strided_slice %all_reduce_population_count3A_236 {offsets = [0], sizes = [1], strides = [1]} : vector<16xi32> to vector<1xi32>
      %squeeze3A_238 = vector.extract %slice3A_237[0] : i32 from vector<1xi32>
      %add3A_239 = arith.addi %while3A_213, %squeeze3A_238 : i32
      scf.yield %add3A_235, %add3A_239 : i32, i32
    }
    %while3A_165 = arith.constant 1 : i32
    %while3A_166:2 = scf.for %while3A_211 = %while3A_162 to %while3A_158 step %while3A_165 iter_args(%while3A_212 = %while3A_164#0, %while3A_213 = %while3A_164#1) -> (i32, i32)  : i32 {
      %mul3A_214 = arith.constant 16 : i32
      %mul3A_215 = arith.muli %while3A_211, %mul3A_214 : i32
      %get3A = arith.index_cast %mul3A_215 : i32 to index
      %get3A_216 = tpu.vector_load %arg6[%get3A] {strides = array<i32>} : memref<16400xi32, #tpu.memory_space<vmem>>, vector<16xi32>,
      %mul3A_217 = arith.constant 16 : i32
      %mul3A_218 = arith.muli %while3A_211, %mul3A_217 : i32
      %add3A_219 = vector.broadcast %mul3A_218 : i32 to vector<16xi32>
      %add3A_220 = arith.addi %iota3A, %add3A_219 : vector<16xi32>
      %lt3A = vector.broadcast %scan3A_28 : i32 to vector<16xi32>
      %lt3A_221 = arith.cmpi slt, %add3A_220, %lt3A : vector<16xi32>
      %shift_right_arithmetic3A = arith.constant 27 : i32
      %shift_right_arithmetic3A_222 = vector.broadcast %shift_right_arithmetic3A : i32 to vector<16xi32>
      %shift_right_arithmetic3A_223 = arith.shrsi %get3A_216, %shift_right_arithmetic3A_222 : vector<16xi32>
      %and3A_224 = arith.constant 1 : i32
      %and3A_225 = vector.broadcast %and3A_224 : i32 to vector<16xi32>
      %and3A_226 = arith.andi %shift_right_arithmetic3A_223, %and3A_225 : vector<16xi32>
      %eq3A = arith.constant 1 : i32
      %eq3A_227 = vector.broadcast %eq3A : i32 to vector<16xi32>
      %eq3A_228 = arith.cmpi eq, %and3A_226, %eq3A_227 : vector<16xi32>
      %not3A = arith.constant dense<true> : vector<16xi1>
      %not3A_229 = arith.xori %eq3A_228, %not3A : vector<16xi1>
      %and3A_230 = arith.andi %lt3A_221, %not3A_229 : vector<16xi1>
      %and3A_231 = arith.andi %lt3A_221, %eq3A_228 : vector<16xi1>
      %swap3A = arith.index_cast %while3A_212 : i32 to index
      %swap3A_232 = tpu.vector_load %arg5[%swap3A] masked %and3A_230 {strides = array<i32>} : memref<16400xi32, #tpu.memory_space<vmem>>, vector<16xi32>, vector<16xi1>
      tpu.vector_store %arg5[%swap3A], %get3A_216 masked %and3A_230 {strides = array<i32>} : memref<16400xi32, #tpu.memory_space<vmem>>, vector<16xi32>, vector<16xi1>
      %swap3A_233 = arith.index_cast %while3A_213 : i32 to index
      %swap3A_234 = tpu.vector_load %arg5[%swap3A_233] masked %and3A_231 {strides = array<i32>} : memref<16400xi32, #tpu.memory_space<vmem>>, vector<16xi32>, vector<16xi1>
      tpu.vector_store %arg5[%swap3A_233], %get3A_216 masked %and3A_231 {strides = array<i32>} : memref<16400xi32, #tpu.memory_space<vmem>>, vector<16xi32>, vector<16xi1>
      %all_reduce_population_count3A = tpu.all_reduce %and3A_230 {dim = 0 : i64, kind = #tpu.reduction_kind<sum>} : vector<16xi1> -> vector<16xi32>
      %slice3A = vector.extract_strided_slice %all_reduce_population_count3A {offsets = [0], sizes = [1], strides = [1]} : vector<16xi32> to vector<1xi32>
      %squeeze3A = vector.extract %slice3A[0] : i32 from vector<1xi32>
      %add3A_235 = arith.addi %while3A_212, %squeeze3A : i32
      %all_reduce_population_count3A_236 = tpu.all_reduce %and3A_231 {dim = 0 : i64, kind = #tpu.reduction_kind<sum>} : vector<16xi1> -> vector<16xi32>
      %slice3A_237 = vector.extract_strided_slice %all_reduce_population_count3A_236 {offsets = [0], sizes = [1], strides = [1]} : vector<16xi32> to vector<1xi32>
      %squeeze3A_238 = vector.extract %slice3A_237[0] : i32 from vector<1xi32>
      %add3A_239 = arith.addi %while3A_213, %squeeze3A_238 : i32
      scf.yield %add3A_235, %add3A_239 : i32, i32
    }
    %while3A_167 = arith.constant 0 : i32
    %while3A_168 = arith.constant 0 : i32
    %while3A_169 = arith.subi %select_n3A, %while3A_167 : i32
    %while3A_170 = arith.addi %while3A_167, %while3A_169 : i32
    %while3A_171 = arith.constant 1 : i32
    %while3A_172 = arith.divsi %while3A_169, %while3A_171 : i32
    %while3A_173 = arith.muli %while3A_172, %while3A_171 : i32
    %while3A_174 = arith.addi %while3A_167, %while3A_173 : i32
    %while3A_175 = arith.constant 1 : i32
    %while3A_176 = scf.for %while3A_211 = %while3A_167 to %while3A_174 step %while3A_175 iter_args(%while3A_212 = %while3A_168) -> (i32)  : i32 {
      %mul3A_213 = arith.constant 16 : i32
      %mul3A_214 = arith.muli %while3A_211, %mul3A_213 : i32
      %get3A = arith.index_cast %mul3A_214 : i32 to index
      %get3A_215 = tpu.vector_load %arg5[%get3A] {strides = array<i32>} : memref<16400xi32, #tpu.memory_space<vmem>>, vector<16xi32>,
      %mul3A_216 = arith.constant 16 : i32
      %mul3A_217 = arith.muli %while3A_211, %mul3A_216 : i32
      %add3A_218 = vector.broadcast %mul3A_217 : i32 to vector<16xi32>
      %add3A_219 = arith.addi %iota3A, %add3A_218 : vector<16xi32>
      %lt3A = vector.broadcast %scan3A_28 : i32 to vector<16xi32>
      %lt3A_220 = arith.cmpi slt, %add3A_219, %lt3A : vector<16xi32>
      %shift_right_arithmetic3A = arith.constant 28 : i32
      %shift_right_arithmetic3A_221 = vector.broadcast %shift_right_arithmetic3A : i32 to vector<16xi32>
      %shift_right_arithmetic3A_222 = arith.shrsi %get3A_215, %shift_right_arithmetic3A_221 : vector<16xi32>
      %and3A_223 = arith.constant 1 : i32
      %and3A_224 = vector.broadcast %and3A_223 : i32 to vector<16xi32>
      %and3A_225 = arith.andi %shift_right_arithmetic3A_222, %and3A_224 : vector<16xi32>
      %eq3A = arith.constant 0 : i32
      %eq3A_226 = vector.broadcast %eq3A : i32 to vector<16xi32>
      %eq3A_227 = arith.cmpi eq, %and3A_225, %eq3A_226 : vector<16xi32>
      %and3A_228 = arith.andi %lt3A_220, %eq3A_227 : vector<16xi1>
      %all_reduce_population_count3A = tpu.all_reduce %and3A_228 {dim = 0 : i64, kind = #tpu.reduction_kind<sum>} : vector<16xi1> -> vector<16xi32>
      %slice3A = vector.extract_strided_slice %all_reduce_population_count3A {offsets = [0], sizes = [1], strides = [1]} : vector<16xi32> to vector<1xi32>
      %squeeze3A = vector.extract %slice3A[0] : i32 from vector<1xi32>
      %add3A_229 = arith.addi %while3A_212, %squeeze3A : i32
      scf.yield %add3A_229 : i32
    }
    %while3A_177 = arith.constant 1 : i32
    %while3A_178 = scf.for %while3A_211 = %while3A_174 to %while3A_170 step %while3A_177 iter_args(%while3A_212 = %while3A_176) -> (i32)  : i32 {
      %mul3A_213 = arith.constant 16 : i32
      %mul3A_214 = arith.muli %while3A_211, %mul3A_213 : i32
      %get3A = arith.index_cast %mul3A_214 : i32 to index
      %get3A_215 = tpu.vector_load %arg5[%get3A] {strides = array<i32>} : memref<16400xi32, #tpu.memory_space<vmem>>, vector<16xi32>,
      %mul3A_216 = arith.constant 16 : i32
      %mul3A_217 = arith.muli %while3A_211, %mul3A_216 : i32
      %add3A_218 = vector.broadcast %mul3A_217 : i32 to vector<16xi32>
      %add3A_219 = arith.addi %iota3A, %add3A_218 : vector<16xi32>
      %lt3A = vector.broadcast %scan3A_28 : i32 to vector<16xi32>
      %lt3A_220 = arith.cmpi slt, %add3A_219, %lt3A : vector<16xi32>
      %shift_right_arithmetic3A = arith.constant 28 : i32
      %shift_right_arithmetic3A_221 = vector.broadcast %shift_right_arithmetic3A : i32 to vector<16xi32>
      %shift_right_arithmetic3A_222 = arith.shrsi %get3A_215, %shift_right_arithmetic3A_221 : vector<16xi32>
      %and3A_223 = arith.constant 1 : i32
      %and3A_224 = vector.broadcast %and3A_223 : i32 to vector<16xi32>
      %and3A_225 = arith.andi %shift_right_arithmetic3A_222, %and3A_224 : vector<16xi32>
      %eq3A = arith.constant 0 : i32
      %eq3A_226 = vector.broadcast %eq3A : i32 to vector<16xi32>
      %eq3A_227 = arith.cmpi eq, %and3A_225, %eq3A_226 : vector<16xi32>
      %and3A_228 = arith.andi %lt3A_220, %eq3A_227 : vector<16xi1>
      %all_reduce_population_count3A = tpu.all_reduce %and3A_228 {dim = 0 : i64, kind = #tpu.reduction_kind<sum>} : vector<16xi1> -> vector<16xi32>
      %slice3A = vector.extract_strided_slice %all_reduce_population_count3A {offsets = [0], sizes = [1], strides = [1]} : vector<16xi32> to vector<1xi32>
      %squeeze3A = vector.extract %slice3A[0] : i32 from vector<1xi32>
      %add3A_229 = arith.addi %while3A_212, %squeeze3A : i32
      scf.yield %add3A_229 : i32
    }
    %while3A_179 = arith.constant 0 : i32
    %while3A_180 = arith.constant 0 : i32
    %while3A_181 = arith.subi %select_n3A, %while3A_179 : i32
    %while3A_182 = arith.addi %while3A_179, %while3A_181 : i32
    %while3A_183 = arith.constant 1 : i32
    %while3A_184 = arith.divsi %while3A_181, %while3A_183 : i32
    %while3A_185 = arith.muli %while3A_184, %while3A_183 : i32
    %while3A_186 = arith.addi %while3A_179, %while3A_185 : i32
    %while3A_187 = arith.constant 1 : i32
    %while3A_188:2 = scf.for %while3A_211 = %while3A_179 to %while3A_186 step %while3A_187 iter_args(%while3A_212 = %while3A_180, %while3A_213 = %while3A_178) -> (i32, i32)  : i32 {
      %mul3A_214 = arith.constant 16 : i32
      %mul3A_215 = arith.muli %while3A_211, %mul3A_214 : i32
      %get3A = arith.index_cast %mul3A_215 : i32 to index
      %get3A_216 = tpu.vector_load %arg5[%get3A] {strides = array<i32>} : memref<16400xi32, #tpu.memory_space<vmem>>, vector<16xi32>,
      %mul3A_217 = arith.constant 16 : i32
      %mul3A_218 = arith.muli %while3A_211, %mul3A_217 : i32
      %add3A_219 = vector.broadcast %mul3A_218 : i32 to vector<16xi32>
      %add3A_220 = arith.addi %iota3A, %add3A_219 : vector<16xi32>
      %lt3A = vector.broadcast %scan3A_28 : i32 to vector<16xi32>
      %lt3A_221 = arith.cmpi slt, %add3A_220, %lt3A : vector<16xi32>
      %shift_right_arithmetic3A = arith.constant 28 : i32
      %shift_right_arithmetic3A_222 = vector.broadcast %shift_right_arithmetic3A : i32 to vector<16xi32>
      %shift_right_arithmetic3A_223 = arith.shrsi %get3A_216, %shift_right_arithmetic3A_222 : vector<16xi32>
      %and3A_224 = arith.constant 1 : i32
      %and3A_225 = vector.broadcast %and3A_224 : i32 to vector<16xi32>
      %and3A_226 = arith.andi %shift_right_arithmetic3A_223, %and3A_225 : vector<16xi32>
      %eq3A = arith.constant 1 : i32
      %eq3A_227 = vector.broadcast %eq3A : i32 to vector<16xi32>
      %eq3A_228 = arith.cmpi eq, %and3A_226, %eq3A_227 : vector<16xi32>
      %not3A = arith.constant dense<true> : vector<16xi1>
      %not3A_229 = arith.xori %eq3A_228, %not3A : vector<16xi1>
      %and3A_230 = arith.andi %lt3A_221, %not3A_229 : vector<16xi1>
      %and3A_231 = arith.andi %lt3A_221, %eq3A_228 : vector<16xi1>
      %swap3A = arith.index_cast %while3A_212 : i32 to index
      %swap3A_232 = tpu.vector_load %arg6[%swap3A] masked %and3A_230 {strides = array<i32>} : memref<16400xi32, #tpu.memory_space<vmem>>, vector<16xi32>, vector<16xi1>
      tpu.vector_store %arg6[%swap3A], %get3A_216 masked %and3A_230 {strides = array<i32>} : memref<16400xi32, #tpu.memory_space<vmem>>, vector<16xi32>, vector<16xi1>
      %swap3A_233 = arith.index_cast %while3A_213 : i32 to index
      %swap3A_234 = tpu.vector_load %arg6[%swap3A_233] masked %and3A_231 {strides = array<i32>} : memref<16400xi32, #tpu.memory_space<vmem>>, vector<16xi32>, vector<16xi1>
      tpu.vector_store %arg6[%swap3A_233], %get3A_216 masked %and3A_231 {strides = array<i32>} : memref<16400xi32, #tpu.memory_space<vmem>>, vector<16xi32>, vector<16xi1>
      %all_reduce_population_count3A = tpu.all_reduce %and3A_230 {dim = 0 : i64, kind = #tpu.reduction_kind<sum>} : vector<16xi1> -> vector<16xi32>
      %slice3A = vector.extract_strided_slice %all_reduce_population_count3A {offsets = [0], sizes = [1], strides = [1]} : vector<16xi32> to vector<1xi32>
      %squeeze3A = vector.extract %slice3A[0] : i32 from vector<1xi32>
      %add3A_235 = arith.addi %while3A_212, %squeeze3A : i32
      %all_reduce_population_count3A_236 = tpu.all_reduce %and3A_231 {dim = 0 : i64, kind = #tpu.reduction_kind<sum>} : vector<16xi1> -> vector<16xi32>
      %slice3A_237 = vector.extract_strided_slice %all_reduce_population_count3A_236 {offsets = [0], sizes = [1], strides = [1]} : vector<16xi32> to vector<1xi32>
      %squeeze3A_238 = vector.extract %slice3A_237[0] : i32 from vector<1xi32>
      %add3A_239 = arith.addi %while3A_213, %squeeze3A_238 : i32
      scf.yield %add3A_235, %add3A_239 : i32, i32
    }
    %while3A_189 = arith.constant 1 : i32
    %while3A_190:2 = scf.for %while3A_211 = %while3A_186 to %while3A_182 step %while3A_189 iter_args(%while3A_212 = %while3A_188#0, %while3A_213 = %while3A_188#1) -> (i32, i32)  : i32 {
      %mul3A_214 = arith.constant 16 : i32
      %mul3A_215 = arith.muli %while3A_211, %mul3A_214 : i32
      %get3A = arith.index_cast %mul3A_215 : i32 to index
      %get3A_216 = tpu.vector_load %arg5[%get3A] {strides = array<i32>} : memref<16400xi32, #tpu.memory_space<vmem>>, vector<16xi32>,
      %mul3A_217 = arith.constant 16 : i32
      %mul3A_218 = arith.muli %while3A_211, %mul3A_217 : i32
      %add3A_219 = vector.broadcast %mul3A_218 : i32 to vector<16xi32>
      %add3A_220 = arith.addi %iota3A, %add3A_219 : vector<16xi32>
      %lt3A = vector.broadcast %scan3A_28 : i32 to vector<16xi32>
      %lt3A_221 = arith.cmpi slt, %add3A_220, %lt3A : vector<16xi32>
      %shift_right_arithmetic3A = arith.constant 28 : i32
      %shift_right_arithmetic3A_222 = vector.broadcast %shift_right_arithmetic3A : i32 to vector<16xi32>
      %shift_right_arithmetic3A_223 = arith.shrsi %get3A_216, %shift_right_arithmetic3A_222 : vector<16xi32>
      %and3A_224 = arith.constant 1 : i32
      %and3A_225 = vector.broadcast %and3A_224 : i32 to vector<16xi32>
      %and3A_226 = arith.andi %shift_right_arithmetic3A_223, %and3A_225 : vector<16xi32>
      %eq3A = arith.constant 1 : i32
      %eq3A_227 = vector.broadcast %eq3A : i32 to vector<16xi32>
      %eq3A_228 = arith.cmpi eq, %and3A_226, %eq3A_227 : vector<16xi32>
      %not3A = arith.constant dense<true> : vector<16xi1>
      %not3A_229 = arith.xori %eq3A_228, %not3A : vector<16xi1>
      %and3A_230 = arith.andi %lt3A_221, %not3A_229 : vector<16xi1>
      %and3A_231 = arith.andi %lt3A_221, %eq3A_228 : vector<16xi1>
      %swap3A = arith.index_cast %while3A_212 : i32 to index
      %swap3A_232 = tpu.vector_load %arg6[%swap3A] masked %and3A_230 {strides = array<i32>} : memref<16400xi32, #tpu.memory_space<vmem>>, vector<16xi32>, vector<16xi1>
      tpu.vector_store %arg6[%swap3A], %get3A_216 masked %and3A_230 {strides = array<i32>} : memref<16400xi32, #tpu.memory_space<vmem>>, vector<16xi32>, vector<16xi1>
      %swap3A_233 = arith.index_cast %while3A_213 : i32 to index
      %swap3A_234 = tpu.vector_load %arg6[%swap3A_233] masked %and3A_231 {strides = array<i32>} : memref<16400xi32, #tpu.memory_space<vmem>>, vector<16xi32>, vector<16xi1>
      tpu.vector_store %arg6[%swap3A_233], %get3A_216 masked %and3A_231 {strides = array<i32>} : memref<16400xi32, #tpu.memory_space<vmem>>, vector<16xi32>, vector<16xi1>
      %all_reduce_population_count3A = tpu.all_reduce %and3A_230 {dim = 0 : i64, kind = #tpu.reduction_kind<sum>} : vector<16xi1> -> vector<16xi32>
      %slice3A = vector.extract_strided_slice %all_reduce_population_count3A {offsets = [0], sizes = [1], strides = [1]} : vector<16xi32> to vector<1xi32>
      %squeeze3A = vector.extract %slice3A[0] : i32 from vector<1xi32>
      %add3A_235 = arith.addi %while3A_212, %squeeze3A : i32
      %all_reduce_population_count3A_236 = tpu.all_reduce %and3A_231 {dim = 0 : i64, kind = #tpu.reduction_kind<sum>} : vector<16xi1> -> vector<16xi32>
      %slice3A_237 = vector.extract_strided_slice %all_reduce_population_count3A_236 {offsets = [0], sizes = [1], strides = [1]} : vector<16xi32> to vector<1xi32>
      %squeeze3A_238 = vector.extract %slice3A_237[0] : i32 from vector<1xi32>
      %add3A_239 = arith.addi %while3A_213, %squeeze3A_238 : i32
      scf.yield %add3A_235, %add3A_239 : i32, i32
    }
    %scan3A_191 = arith.constant 0 : i32
    %scan3A_192 = arith.constant 0 : i32
    %scan3A_193 = arith.constant 0 : i32
    %scan3A_194 = arith.constant 62 : i32
    %scan3A_195 = arith.addi %scan3A_193, %scan3A_194 : i32
    %scan3A_196 = arith.constant 1 : i32
    %scan3A_197:2 = scf.for %scan3A_211 = %scan3A_193 to %scan3A_195 step %scan3A_196 iter_args(%scan3A_212 = %scan3A_191, %scan3A_213 = %scan3A_192) -> (i32, i32)  : i32 {
      %add3A_214 = arith.addi %mul3A_2, %scan3A_211 : i32
      %lt3A = arith.constant 1953 : i32
      %lt3A_215 = arith.cmpi slt, %add3A_214, %lt3A : i32
      %convert_element_type3A = arith.extui %lt3A_215 : i1 to i32
      %cond3A = arith.constant 0 : i32
      %cond3A_216 = arith.cmpi ne, %convert_element_type3A, %cond3A : i32
      %cond3A_217:2 = scf.if %cond3A_216 -> (i32, i32) {
        %add3A_218 = arith.constant 1 : i32
        %add3A_219 = arith.addi %scan3A_211, %add3A_218 : i32
        %lt3A_220 = arith.constant 62 : i32
        %lt3A_221 = arith.cmpi slt, %add3A_219, %lt3A_220 : i32
        %add3A_222 = arith.addi %mul3A_2, %scan3A_211 : i32
        %add3A_223 = arith.constant 1 : i32
        %add3A_224 = arith.addi %add3A_222, %add3A_223 : i32
        %lt3A_225 = arith.constant 1953 : i32
        %lt3A_226 = arith.cmpi slt, %add3A_224, %lt3A_225 : i32
        %and3A_227 = arith.andi %lt3A_221, %lt3A_226 : i1
        %convert_element_type3A_228 = arith.extui %and3A_227 : i1 to i32
        %cond3A_229 = arith.constant 0 : i32
        %cond3A_230 = arith.cmpi ne, %convert_element_type3A_228, %cond3A_229 : i32
        scf.if %cond3A_230 {
          %add3A_262 = arith.constant 1 : i32
          %add3A_263 = arith.addi %scan3A_211, %add3A_262 : i32
          %add3A_264 = arith.addi %mul3A_2, %add3A_263 : i32
          %mul3A_265 = arith.constant 512 : i32
          %mul3A_266 = arith.muli %add3A_264, %mul3A_265 : i32
          %jit3A_267 = arith.constant 2 : i32
          %eq3A_268 = arith.constant 0 : i32
          %eq3A_269 = arith.cmpi eq, %jit3A_267, %eq3A_268 : i32
          %jit3A_270 = arith.constant 1 : i32
          %select_n3A_271 = arith.select %eq3A_269, %jit3A_270, %jit3A_267 : i32
          %rem3A_272 = arith.remsi %add3A_263, %select_n3A_271 : i32
          %ne3A_273 = arith.constant 0 : i32
          %ne3A_274 = arith.cmpi ne, %rem3A_272, %ne3A_273 : i32
          %lt3A_275 = arith.constant 0 : i32
          %lt3A_276 = arith.cmpi slt, %rem3A_272, %lt3A_275 : i32
          %lt3A_277 = arith.constant 0 : i32
          %lt3A_278 = arith.cmpi slt, %select_n3A_271, %lt3A_277 : i32
          %ne3A_279 = arith.xori %lt3A_276, %lt3A_278 : i1
          %and3A_280 = arith.andi %ne3A_279, %ne3A_274 : i1
          %add3A_281 = arith.addi %rem3A_272, %select_n3A_271 : i32
          %select_n3A_282 = arith.select %and3A_280, %add3A_281, %rem3A_272 : i32
          %dma_start3A_283 = arith.constant 0 : i32
          %dma_start3A_284 = arith.constant 0 : i32
          %dma_start3A_285 = tpu.memref_slice %arg7[%select_n3A_282, %dma_start3A_283, %dma_start3A_284] : memref<2x64x512xf32, #tpu.memory_space<vmem>> -> memref<1x64x512xf32, #tpu.memory_space<vmem>>
          %dma_start3A_286 = tpu.memref_squeeze %dma_start3A_285 : memref<1x64x512xf32, #tpu.memory_space<vmem>> -> memref<64x512xf32, #tpu.memory_space<vmem>>
          %dma_start3A_287 = arith.constant 0 : i32
          %dma_start3A_288 = tpu.memref_slice %arg3[%dma_start3A_287, %mul3A_266] : memref<64x1000001xf32, #tpu.memory_space<hbm>> -> memref<64x512xf32, #tpu.memory_space<hbm>>
          %dma_start3A_289 = arith.constant 0 : i32
          %dma_start3A_290 = arith.constant 0 : i32
          %dma_start3A_291 = tpu.memref_slice %arg7[%select_n3A_282, %dma_start3A_289, %dma_start3A_290] : memref<2x64x512xf32, #tpu.memory_space<vmem>> -> memref<1x64x512xf32, #tpu.memory_space<vmem>>
          %dma_start3A_292 = tpu.memref_squeeze %dma_start3A_291 : memref<1x64x512xf32, #tpu.memory_space<vmem>> -> memref<64x512xf32, #tpu.memory_space<vmem>>
          %dma_start3A_293 = arith.constant 0 : i32
          %dma_start3A_294 = tpu.memref_slice %arg3[%dma_start3A_293, %mul3A_266] : memref<64x1000001xf32, #tpu.memory_space<hbm>> -> memref<64x512xf32, #tpu.memory_space<hbm>>
          tpu.enqueue_dma source(%dma_start3A_294 : memref<64x512xf32, #tpu.memory_space<hbm>>) target(%dma_start3A_292 : memref<64x512xf32, #tpu.memory_space<vmem>>) target_semaphore(%arg9 : memref<!tpu.dma_semaphore, #tpu.memory_space<semaphore_mem>>)
        } else {
        }
        %dma_wait3A = arith.constant 0 : i32
        %dma_wait3A_231 = arith.constant 0 : i32
        %dma_wait3A_232 = arith.constant 0 : i32
        %dma_wait3A_233 = tpu.memref_slice %arg7[%dma_wait3A, %dma_wait3A_231, %dma_wait3A_232] : memref<2x64x512xf32, #tpu.memory_space<vmem>> -> memref<1x64x512xf32, #tpu.memory_space<vmem>>
        %dma_wait3A_234 = tpu.memref_squeeze %dma_wait3A_233 : memref<1x64x512xf32, #tpu.memory_space<vmem>> -> memref<64x512xf32, #tpu.memory_space<vmem>>
        %dma_wait3A_235 = arith.constant 0 : i32
        %dma_wait3A_236 = arith.constant 0 : i32
        %dma_wait3A_237 = tpu.memref_slice %arg3[%dma_wait3A_235, %dma_wait3A_236] : memref<64x1000001xf32, #tpu.memory_space<hbm>> -> memref<64x512xf32, #tpu.memory_space<hbm>>
        %dma_wait3A_238 = arith.constant 0 : i32
        %dma_wait3A_239 = arith.constant 0 : i32
        %dma_wait3A_240 = tpu.memref_slice %arg7[%dma_wait3A, %dma_wait3A_238, %dma_wait3A_239] : memref<2x64x512xf32, #tpu.memory_space<vmem>> -> memref<1x64x512xf32, #tpu.memory_space<vmem>>
        %dma_wait3A_241 = tpu.memref_squeeze %dma_wait3A_240 : memref<1x64x512xf32, #tpu.memory_space<vmem>> -> memref<64x512xf32, #tpu.memory_space<vmem>>
        %dma_wait3A_242 = arith.constant 0 : i32
        %dma_wait3A_243 = arith.constant 0 : i32
        %dma_wait3A_244 = tpu.memref_slice %arg3[%dma_wait3A_242, %dma_wait3A_243] : memref<64x1000001xf32, #tpu.memory_space<hbm>> -> memref<64x512xf32, #tpu.memory_space<hbm>>
        tpu.wait_dma2 semaphore(%arg9 : memref<!tpu.dma_semaphore, #tpu.memory_space<semaphore_mem>>) src(%dma_wait3A_244 : memref<64x512xf32, #tpu.memory_space<hbm>>) dst(%dma_wait3A_241 : memref<64x512xf32, #tpu.memory_space<vmem>>)
        %jit3A_245 = arith.constant 2 : i32
        %eq3A = arith.constant 0 : i32
        %eq3A_246 = arith.cmpi eq, %jit3A_245, %eq3A : i32
        %jit3A_247 = arith.constant 1 : i32
        %select_n3A_248 = arith.select %eq3A_246, %jit3A_247, %jit3A_245 : i32
        %rem3A_249 = arith.remsi %scan3A_211, %select_n3A_248 : i32
        %ne3A_250 = arith.constant 0 : i32
        %ne3A_251 = arith.cmpi ne, %rem3A_249, %ne3A_250 : i32
        %lt3A_252 = arith.constant 0 : i32
        %lt3A_253 = arith.cmpi slt, %rem3A_249, %lt3A_252 : i32
        %lt3A_254 = arith.constant 0 : i32
        %lt3A_255 = arith.cmpi slt, %select_n3A_248, %lt3A_254 : i32
        %ne3A_256 = arith.xori %lt3A_253, %lt3A_255 : i1
        %and3A_257 = arith.andi %ne3A_256, %ne3A_251 : i1
        %add3A_258 = arith.addi %rem3A_249, %select_n3A_248 : i32
        %select_n3A_259 = arith.select %and3A_257, %add3A_258, %rem3A_249 : i32
        %while3A_260 = arith.constant true
        %while3A_261:3 = scf.while (%while3A_262 = %scan3A_212, %while3A_263 = %scan3A_213, %while3A_264 = %while3A_260) : (i32, i32, i1) -> (i32, i32, i1) {
          scf.condition(%while3A_264) %while3A_262, %while3A_263, %while3A_264 : i32, i32, i1
        } do {
        ^bb0(%while3A_262: i32, %while3A_263: i32, %while3A_264: i1):
          %get3A = arith.index_cast %while3A_262 : i32 to index
          %get3A_265 = tpu.vector_load %arg6[%get3A] {strides = array<i32>} : memref<16400xi32, #tpu.memory_space<vmem>>, vector<16xi32>,
          %add3A_266 = vector.broadcast %while3A_262 : i32 to vector<16xi32>
          %add3A_267 = arith.addi %add3A_266, %iota3A : vector<16xi32>
          %lt3A_268 = vector.broadcast %scan3A_28 : i32 to vector<16xi32>
          %lt3A_269 = arith.cmpi slt, %add3A_267, %lt3A_268 : vector<16xi32>
          %shift_right_arithmetic3A = arith.constant 23 : i32
          %shift_right_arithmetic3A_270 = vector.broadcast %shift_right_arithmetic3A : i32 to vector<16xi32>
          %shift_right_arithmetic3A_271 = arith.shrsi %get3A_265, %shift_right_arithmetic3A_270 : vector<16xi32>
          %eq3A_272 = vector.broadcast %scan3A_211 : i32 to vector<16xi32>
          %eq3A_273 = arith.cmpi eq, %shift_right_arithmetic3A_271, %eq3A_272 : vector<16xi32>
          %and3A_274 = arith.andi %lt3A_269, %eq3A_273 : vector<16xi1>
          %all_reduce_population_count3A = tpu.all_reduce %and3A_274 {dim = 0 : i64, kind = #tpu.reduction_kind<sum>} : vector<16xi1> -> vector<16xi32>
          %slice3A = vector.extract_strided_slice %all_reduce_population_count3A {offsets = [0], sizes = [1], strides = [1]} : vector<16xi32> to vector<1xi32>
          %squeeze3A = vector.extract %slice3A[0] : i32 from vector<1xi32>
          %gt3A = arith.constant 0 : i32
          %gt3A_275 = arith.cmpi sgt, %squeeze3A, %gt3A : i32
          %convert_element_type3A_276 = arith.extui %gt3A_275 : i1 to i32
          %cond3A_277 = arith.constant 0 : i32
          %cond3A_278 = arith.cmpi ne, %convert_element_type3A_276, %cond3A_277 : i32
          %cond3A_279 = scf.if %cond3A_278 -> (i32) {
            %jit3A_283 = arith.constant 4 : i32
            %eq3A_284 = arith.constant 0 : i32
            %eq3A_285 = arith.cmpi eq, %jit3A_283, %eq3A_284 : i32
            %jit3A_286 = arith.constant 1 : i32
            %select_n3A_287 = arith.select %eq3A_285, %jit3A_286, %jit3A_283 : i32
            %rem3A_288 = arith.remsi %while3A_263, %select_n3A_287 : i32
            %ne3A_289 = arith.constant 0 : i32
            %ne3A_290 = arith.cmpi ne, %rem3A_288, %ne3A_289 : i32
            %lt3A_291 = arith.constant 0 : i32
            %lt3A_292 = arith.cmpi slt, %rem3A_288, %lt3A_291 : i32
            %lt3A_293 = arith.constant 0 : i32
            %lt3A_294 = arith.cmpi slt, %select_n3A_287, %lt3A_293 : i32
            %ne3A_295 = arith.xori %lt3A_292, %lt3A_294 : i1
            %and3A_296 = arith.andi %ne3A_295, %ne3A_290 : i1
            %add3A_297 = arith.addi %rem3A_288, %select_n3A_287 : i32
            %select_n3A_298 = arith.select %and3A_296, %add3A_297, %rem3A_288 : i32
            %ge3A = arith.constant 4 : i32
            %ge3A_299 = arith.cmpi sge, %while3A_263, %ge3A : i32
            %convert_element_type3A_300 = arith.extui %ge3A_299 : i1 to i32
            %cond3A_301 = arith.constant 0 : i32
            %cond3A_302 = arith.cmpi ne, %convert_element_type3A_300, %cond3A_301 : i32
            scf.if %cond3A_302 {
              %dma_wait3A_772 = arith.constant 0 : i32
              %dma_wait3A_773 = arith.constant 0 : i32
              %dma_wait3A_774 = arith.constant 0 : i32
              %dma_wait3A_775 = tpu.memref_slice %arg8[%dma_wait3A_772, %dma_wait3A_773, %dma_wait3A_774] : memref<4x16x128xf32, #tpu.memory_space<vmem>> -> memref<1x16x128xf32, #tpu.memory_space<vmem>>
              %dma_wait3A_776 = tpu.memref_squeeze %dma_wait3A_775 : memref<1x16x128xf32, #tpu.memory_space<vmem>> -> memref<16x128xf32, #tpu.memory_space<vmem>>
              %dma_wait3A_777 = arith.constant 0 : i32
              %dma_wait3A_778 = arith.constant 0 : i32
              %dma_wait3A_779 = tpu.memref_slice %arg4[%dma_wait3A_777, %dma_wait3A_778] : memref<16400x128xf32, #tpu.memory_space<hbm>> -> memref<16x128xf32, #tpu.memory_space<hbm>>
              %dma_wait3A_780 = arith.constant 0 : i32
              %dma_wait3A_781 = arith.constant 0 : i32
              %dma_wait3A_782 = tpu.memref_slice %arg8[%dma_wait3A_772, %dma_wait3A_780, %dma_wait3A_781] : memref<4x16x128xf32, #tpu.memory_space<vmem>> -> memref<1x16x128xf32, #tpu.memory_space<vmem>>
              %dma_wait3A_783 = tpu.memref_squeeze %dma_wait3A_782 : memref<1x16x128xf32, #tpu.memory_space<vmem>> -> memref<16x128xf32, #tpu.memory_space<vmem>>
              %dma_wait3A_784 = arith.constant 0 : i32
              %dma_wait3A_785 = arith.constant 0 : i32
              %dma_wait3A_786 = tpu.memref_slice %arg4[%dma_wait3A_784, %dma_wait3A_785] : memref<16400x128xf32, #tpu.memory_space<hbm>> -> memref<16x128xf32, #tpu.memory_space<hbm>>
              tpu.wait_dma2 semaphore(%arg10 : memref<!tpu.dma_semaphore, #tpu.memory_space<semaphore_mem>>) src(%dma_wait3A_786 : memref<16x128xf32, #tpu.memory_space<hbm>>) dst(%dma_wait3A_783 : memref<16x128xf32, #tpu.memory_space<vmem>>)
            } else {
            }
            %shift_right_arithmetic3A_303 = arith.constant 14 : i32
            %shift_right_arithmetic3A_304 = vector.broadcast %shift_right_arithmetic3A_303 : i32 to vector<16xi32>
            %shift_right_arithmetic3A_305 = arith.shrsi %get3A_265, %shift_right_arithmetic3A_304 : vector<16xi32>
            %and3A_306 = arith.constant 511 : i32
            %and3A_307 = vector.broadcast %and3A_306 : i32 to vector<16xi32>
            %and3A_308 = arith.andi %shift_right_arithmetic3A_305, %and3A_307 : vector<16xi32>
            %broadcast_in_dim3A = vector.broadcast %select_n3A_298 : i32 to vector<16xi32>
            %broadcast_in_dim3A_309 = arith.constant 0 : i32
            %broadcast_in_dim3A_310 = vector.broadcast %broadcast_in_dim3A_309 : i32 to vector<16xi32>
            %gather3A = arith.constant 0 : i32
            %gather3A_311 = arith.constant 0 : i32
            %gather3A_312 = tpu.memref_slice %arg7[%select_n3A_259, %gather3A, %gather3A_311] : memref<2x64x512xf32, #tpu.memory_space<vmem>> -> memref<1x64x512xf32, #tpu.memory_space<vmem>>
            %gather3A_313 = tpu.memref_squeeze %gather3A_312 : memref<1x64x512xf32, #tpu.memory_space<vmem>> -> memref<64x512xf32, #tpu.memory_space<vmem>>
            %gather3A_314 = tpu.vector_load_idx %gather3A_313[%broadcast_in_dim3A_310, %and3A_308] : memref<64x512xf32, #tpu.memory_space<vmem>>[vector<16xi32>, vector<16xi32>], vector<16xf32>,
            tpu.vector_store_idx %arg8[%broadcast_in_dim3A, %iota3A, %broadcast_in_dim3A_310], %gather3A_314 : memref<4x16x128xf32, #tpu.memory_space<vmem>>[vector<16xi32>, vector<16xi32>, vector<16xi32>], vector<16xf32>,
            %broadcast_in_dim3A_315 = arith.constant 1 : i32
            %broadcast_in_dim3A_316 = vector.broadcast %broadcast_in_dim3A_315 : i32 to vector<16xi32>
            %gather3A_317 = arith.constant 0 : i32
            %gather3A_318 = arith.constant 0 : i32
            %gather3A_319 = tpu.memref_slice %arg7[%select_n3A_259, %gather3A_317, %gather3A_318] : memref<2x64x512xf32, #tpu.memory_space<vmem>> -> memref<1x64x512xf32, #tpu.memory_space<vmem>>
            %gather3A_320 = tpu.memref_squeeze %gather3A_319 : memref<1x64x512xf32, #tpu.memory_space<vmem>> -> memref<64x512xf32, #tpu.memory_space<vmem>>
            %gather3A_321 = tpu.vector_load_idx %gather3A_320[%broadcast_in_dim3A_316, %and3A_308] : memref<64x512xf32, #tpu.memory_space<vmem>>[vector<16xi32>, vector<16xi32>], vector<16xf32>,
            tpu.vector_store_idx %arg8[%broadcast_in_dim3A, %iota3A, %broadcast_in_dim3A_316], %gather3A_321 : memref<4x16x128xf32, #tpu.memory_space<vmem>>[vector<16xi32>, vector<16xi32>, vector<16xi32>], vector<16xf32>,
            %broadcast_in_dim3A_322 = arith.constant 2 : i32
            %broadcast_in_dim3A_323 = vector.broadcast %broadcast_in_dim3A_322 : i32 to vector<16xi32>
            %gather3A_324 = arith.constant 0 : i32
            %gather3A_325 = arith.constant 0 : i32
            %gather3A_326 = tpu.memref_slice %arg7[%select_n3A_259, %gather3A_324, %gather3A_325] : memref<2x64x512xf32, #tpu.memory_space<vmem>> -> memref<1x64x512xf32, #tpu.memory_space<vmem>>
            %gather3A_327 = tpu.memref_squeeze %gather3A_326 : memref<1x64x512xf32, #tpu.memory_space<vmem>> -> memref<64x512xf32, #tpu.memory_space<vmem>>
            %gather3A_328 = tpu.vector_load_idx %gather3A_327[%broadcast_in_dim3A_323, %and3A_308] : memref<64x512xf32, #tpu.memory_space<vmem>>[vector<16xi32>, vector<16xi32>], vector<16xf32>,
            tpu.vector_store_idx %arg8[%broadcast_in_dim3A, %iota3A, %broadcast_in_dim3A_323], %gather3A_328 : memref<4x16x128xf32, #tpu.memory_space<vmem>>[vector<16xi32>, vector<16xi32>, vector<16xi32>], vector<16xf32>,
            %broadcast_in_dim3A_329 = arith.constant 3 : i32
            %broadcast_in_dim3A_330 = vector.broadcast %broadcast_in_dim3A_329 : i32 to vector<16xi32>
            %gather3A_331 = arith.constant 0 : i32
            %gather3A_332 = arith.constant 0 : i32
            %gather3A_333 = tpu.memref_slice %arg7[%select_n3A_259, %gather3A_331, %gather3A_332] : memref<2x64x512xf32, #tpu.memory_space<vmem>> -> memref<1x64x512xf32, #tpu.memory_space<vmem>>
            %gather3A_334 = tpu.memref_squeeze %gather3A_333 : memref<1x64x512xf32, #tpu.memory_space<vmem>> -> memref<64x512xf32, #tpu.memory_space<vmem>>
            %gather3A_335 = tpu.vector_load_idx %gather3A_334[%broadcast_in_dim3A_330, %and3A_308] : memref<64x512xf32, #tpu.memory_space<vmem>>[vector<16xi32>, vector<16xi32>], vector<16xf32>,
            tpu.vector_store_idx %arg8[%broadcast_in_dim3A, %iota3A, %broadcast_in_dim3A_330], %gather3A_335 : memref<4x16x128xf32, #tpu.memory_space<vmem>>[vector<16xi32>, vector<16xi32>, vector<16xi32>], vector<16xf32>,
            %broadcast_in_dim3A_336 = arith.constant 4 : i32
            %broadcast_in_dim3A_337 = vector.broadcast %broadcast_in_dim3A_336 : i32 to vector<16xi32>
            %gather3A_338 = arith.constant 0 : i32
            %gather3A_339 = arith.constant 0 : i32
            %gather3A_340 = tpu.memref_slice %arg7[%select_n3A_259, %gather3A_338, %gather3A_339] : memref<2x64x512xf32, #tpu.memory_space<vmem>> -> memref<1x64x512xf32, #tpu.memory_space<vmem>>
            %gather3A_341 = tpu.memref_squeeze %gather3A_340 : memref<1x64x512xf32, #tpu.memory_space<vmem>> -> memref<64x512xf32, #tpu.memory_space<vmem>>
            %gather3A_342 = tpu.vector_load_idx %gather3A_341[%broadcast_in_dim3A_337, %and3A_308] : memref<64x512xf32, #tpu.memory_space<vmem>>[vector<16xi32>, vector<16xi32>], vector<16xf32>,
            tpu.vector_store_idx %arg8[%broadcast_in_dim3A, %iota3A, %broadcast_in_dim3A_337], %gather3A_342 : memref<4x16x128xf32, #tpu.memory_space<vmem>>[vector<16xi32>, vector<16xi32>, vector<16xi32>], vector<16xf32>,
            %broadcast_in_dim3A_343 = arith.constant 5 : i32
            %broadcast_in_dim3A_344 = vector.broadcast %broadcast_in_dim3A_343 : i32 to vector<16xi32>
            %gather3A_345 = arith.constant 0 : i32
            %gather3A_346 = arith.constant 0 : i32
            %gather3A_347 = tpu.memref_slice %arg7[%select_n3A_259, %gather3A_345, %gather3A_346] : memref<2x64x512xf32, #tpu.memory_space<vmem>> -> memref<1x64x512xf32, #tpu.memory_space<vmem>>
            %gather3A_348 = tpu.memref_squeeze %gather3A_347 : memref<1x64x512xf32, #tpu.memory_space<vmem>> -> memref<64x512xf32, #tpu.memory_space<vmem>>
            %gather3A_349 = tpu.vector_load_idx %gather3A_348[%broadcast_in_dim3A_344, %and3A_308] : memref<64x512xf32, #tpu.memory_space<vmem>>[vector<16xi32>, vector<16xi32>], vector<16xf32>,
            tpu.vector_store_idx %arg8[%broadcast_in_dim3A, %iota3A, %broadcast_in_dim3A_344], %gather3A_349 : memref<4x16x128xf32, #tpu.memory_space<vmem>>[vector<16xi32>, vector<16xi32>, vector<16xi32>], vector<16xf32>,
            %broadcast_in_dim3A_350 = arith.constant 6 : i32
            %broadcast_in_dim3A_351 = vector.broadcast %broadcast_in_dim3A_350 : i32 to vector<16xi32>
            %gather3A_352 = arith.constant 0 : i32
            %gather3A_353 = arith.constant 0 : i32
            %gather3A_354 = tpu.memref_slice %arg7[%select_n3A_259, %gather3A_352, %gather3A_353] : memref<2x64x512xf32, #tpu.memory_space<vmem>> -> memref<1x64x512xf32, #tpu.memory_space<vmem>>
            %gather3A_355 = tpu.memref_squeeze %gather3A_354 : memref<1x64x512xf32, #tpu.memory_space<vmem>> -> memref<64x512xf32, #tpu.memory_space<vmem>>
            %gather3A_356 = tpu.vector_load_idx %gather3A_355[%broadcast_in_dim3A_351, %and3A_308] : memref<64x512xf32, #tpu.memory_space<vmem>>[vector<16xi32>, vector<16xi32>], vector<16xf32>,
            tpu.vector_store_idx %arg8[%broadcast_in_dim3A, %iota3A, %broadcast_in_dim3A_351], %gather3A_356 : memref<4x16x128xf32, #tpu.memory_space<vmem>>[vector<16xi32>, vector<16xi32>, vector<16xi32>], vector<16xf32>,
            %broadcast_in_dim3A_357 = arith.constant 7 : i32
            %broadcast_in_dim3A_358 = vector.broadcast %broadcast_in_dim3A_357 : i32 to vector<16xi32>
            %gather3A_359 = arith.constant 0 : i32
            %gather3A_360 = arith.constant 0 : i32
            %gather3A_361 = tpu.memref_slice %arg7[%select_n3A_259, %gather3A_359, %gather3A_360] : memref<2x64x512xf32, #tpu.memory_space<vmem>> -> memref<1x64x512xf32, #tpu.memory_space<vmem>>
            %gather3A_362 = tpu.memref_squeeze %gather3A_361 : memref<1x64x512xf32, #tpu.memory_space<vmem>> -> memref<64x512xf32, #tpu.memory_space<vmem>>
            %gather3A_363 = tpu.vector_load_idx %gather3A_362[%broadcast_in_dim3A_358, %and3A_308] : memref<64x512xf32, #tpu.memory_space<vmem>>[vector<16xi32>, vector<16xi32>], vector<16xf32>,
            tpu.vector_store_idx %arg8[%broadcast_in_dim3A, %iota3A, %broadcast_in_dim3A_358], %gather3A_363 : memref<4x16x128xf32, #tpu.memory_space<vmem>>[vector<16xi32>, vector<16xi32>, vector<16xi32>], vector<16xf32>,
            %broadcast_in_dim3A_364 = arith.constant 8 : i32
            %broadcast_in_dim3A_365 = vector.broadcast %broadcast_in_dim3A_364 : i32 to vector<16xi32>
            %gather3A_366 = arith.constant 0 : i32
            %gather3A_367 = arith.constant 0 : i32
            %gather3A_368 = tpu.memref_slice %arg7[%select_n3A_259, %gather3A_366, %gather3A_367] : memref<2x64x512xf32, #tpu.memory_space<vmem>> -> memref<1x64x512xf32, #tpu.memory_space<vmem>>
            %gather3A_369 = tpu.memref_squeeze %gather3A_368 : memref<1x64x512xf32, #tpu.memory_space<vmem>> -> memref<64x512xf32, #tpu.memory_space<vmem>>
            %gather3A_370 = tpu.vector_load_idx %gather3A_369[%broadcast_in_dim3A_365, %and3A_308] : memref<64x512xf32, #tpu.memory_space<vmem>>[vector<16xi32>, vector<16xi32>], vector<16xf32>,
            tpu.vector_store_idx %arg8[%broadcast_in_dim3A, %iota3A, %broadcast_in_dim3A_365], %gather3A_370 : memref<4x16x128xf32, #tpu.memory_space<vmem>>[vector<16xi32>, vector<16xi32>, vector<16xi32>], vector<16xf32>,
            %broadcast_in_dim3A_371 = arith.constant 9 : i32
            %broadcast_in_dim3A_372 = vector.broadcast %broadcast_in_dim3A_371 : i32 to vector<16xi32>
            %gather3A_373 = arith.constant 0 : i32
            %gather3A_374 = arith.constant 0 : i32
            %gather3A_375 = tpu.memref_slice %arg7[%select_n3A_259, %gather3A_373, %gather3A_374] : memref<2x64x512xf32, #tpu.memory_space<vmem>> -> memref<1x64x512xf32, #tpu.memory_space<vmem>>
            %gather3A_376 = tpu.memref_squeeze %gather3A_375 : memref<1x64x512xf32, #tpu.memory_space<vmem>> -> memref<64x512xf32, #tpu.memory_space<vmem>>
            %gather3A_377 = tpu.vector_load_idx %gather3A_376[%broadcast_in_dim3A_372, %and3A_308] : memref<64x512xf32, #tpu.memory_space<vmem>>[vector<16xi32>, vector<16xi32>], vector<16xf32>,
            tpu.vector_store_idx %arg8[%broadcast_in_dim3A, %iota3A, %broadcast_in_dim3A_372], %gather3A_377 : memref<4x16x128xf32, #tpu.memory_space<vmem>>[vector<16xi32>, vector<16xi32>, vector<16xi32>], vector<16xf32>,
            %broadcast_in_dim3A_378 = arith.constant 10 : i32
            %broadcast_in_dim3A_379 = vector.broadcast %broadcast_in_dim3A_378 : i32 to vector<16xi32>
            %gather3A_380 = arith.constant 0 : i32
            %gather3A_381 = arith.constant 0 : i32
            %gather3A_382 = tpu.memref_slice %arg7[%select_n3A_259, %gather3A_380, %gather3A_381] : memref<2x64x512xf32, #tpu.memory_space<vmem>> -> memref<1x64x512xf32, #tpu.memory_space<vmem>>
            %gather3A_383 = tpu.memref_squeeze %gather3A_382 : memref<1x64x512xf32, #tpu.memory_space<vmem>> -> memref<64x512xf32, #tpu.memory_space<vmem>>
            %gather3A_384 = tpu.vector_load_idx %gather3A_383[%broadcast_in_dim3A_379, %and3A_308] : memref<64x512xf32, #tpu.memory_space<vmem>>[vector<16xi32>, vector<16xi32>], vector<16xf32>,
            tpu.vector_store_idx %arg8[%broadcast_in_dim3A, %iota3A, %broadcast_in_dim3A_379], %gather3A_384 : memref<4x16x128xf32, #tpu.memory_space<vmem>>[vector<16xi32>, vector<16xi32>, vector<16xi32>], vector<16xf32>,
            %broadcast_in_dim3A_385 = arith.constant 11 : i32
            %broadcast_in_dim3A_386 = vector.broadcast %broadcast_in_dim3A_385 : i32 to vector<16xi32>
            %gather3A_387 = arith.constant 0 : i32
            %gather3A_388 = arith.constant 0 : i32
            %gather3A_389 = tpu.memref_slice %arg7[%select_n3A_259, %gather3A_387, %gather3A_388] : memref<2x64x512xf32, #tpu.memory_space<vmem>> -> memref<1x64x512xf32, #tpu.memory_space<vmem>>
            %gather3A_390 = tpu.memref_squeeze %gather3A_389 : memref<1x64x512xf32, #tpu.memory_space<vmem>> -> memref<64x512xf32, #tpu.memory_space<vmem>>
            %gather3A_391 = tpu.vector_load_idx %gather3A_390[%broadcast_in_dim3A_386, %and3A_308] : memref<64x512xf32, #tpu.memory_space<vmem>>[vector<16xi32>, vector<16xi32>], vector<16xf32>,
            tpu.vector_store_idx %arg8[%broadcast_in_dim3A, %iota3A, %broadcast_in_dim3A_386], %gather3A_391 : memref<4x16x128xf32, #tpu.memory_space<vmem>>[vector<16xi32>, vector<16xi32>, vector<16xi32>], vector<16xf32>,
            %broadcast_in_dim3A_392 = arith.constant 12 : i32
            %broadcast_in_dim3A_393 = vector.broadcast %broadcast_in_dim3A_392 : i32 to vector<16xi32>
            %gather3A_394 = arith.constant 0 : i32
            %gather3A_395 = arith.constant 0 : i32
            %gather3A_396 = tpu.memref_slice %arg7[%select_n3A_259, %gather3A_394, %gather3A_395] : memref<2x64x512xf32, #tpu.memory_space<vmem>> -> memref<1x64x512xf32, #tpu.memory_space<vmem>>
            %gather3A_397 = tpu.memref_squeeze %gather3A_396 : memref<1x64x512xf32, #tpu.memory_space<vmem>> -> memref<64x512xf32, #tpu.memory_space<vmem>>
            %gather3A_398 = tpu.vector_load_idx %gather3A_397[%broadcast_in_dim3A_393, %and3A_308] : memref<64x512xf32, #tpu.memory_space<vmem>>[vector<16xi32>, vector<16xi32>], vector<16xf32>,
            tpu.vector_store_idx %arg8[%broadcast_in_dim3A, %iota3A, %broadcast_in_dim3A_393], %gather3A_398 : memref<4x16x128xf32, #tpu.memory_space<vmem>>[vector<16xi32>, vector<16xi32>, vector<16xi32>], vector<16xf32>,
            %broadcast_in_dim3A_399 = arith.constant 13 : i32
            %broadcast_in_dim3A_400 = vector.broadcast %broadcast_in_dim3A_399 : i32 to vector<16xi32>
            %gather3A_401 = arith.constant 0 : i32
            %gather3A_402 = arith.constant 0 : i32
            %gather3A_403 = tpu.memref_slice %arg7[%select_n3A_259, %gather3A_401, %gather3A_402] : memref<2x64x512xf32, #tpu.memory_space<vmem>> -> memref<1x64x512xf32, #tpu.memory_space<vmem>>
            %gather3A_404 = tpu.memref_squeeze %gather3A_403 : memref<1x64x512xf32, #tpu.memory_space<vmem>> -> memref<64x512xf32, #tpu.memory_space<vmem>>
            %gather3A_405 = tpu.vector_load_idx %gather3A_404[%broadcast_in_dim3A_400, %and3A_308] : memref<64x512xf32, #tpu.memory_space<vmem>>[vector<16xi32>, vector<16xi32>], vector<16xf32>,
            tpu.vector_store_idx %arg8[%broadcast_in_dim3A, %iota3A, %broadcast_in_dim3A_400], %gather3A_405 : memref<4x16x128xf32, #tpu.memory_space<vmem>>[vector<16xi32>, vector<16xi32>, vector<16xi32>], vector<16xf32>,
            %broadcast_in_dim3A_406 = arith.constant 14 : i32
            %broadcast_in_dim3A_407 = vector.broadcast %broadcast_in_dim3A_406 : i32 to vector<16xi32>
            %gather3A_408 = arith.constant 0 : i32
            %gather3A_409 = arith.constant 0 : i32
            %gather3A_410 = tpu.memref_slice %arg7[%select_n3A_259, %gather3A_408, %gather3A_409] : memref<2x64x512xf32, #tpu.memory_space<vmem>> -> memref<1x64x512xf32, #tpu.memory_space<vmem>>
            %gather3A_411 = tpu.memref_squeeze %gather3A_410 : memref<1x64x512xf32, #tpu.memory_space<vmem>> -> memref<64x512xf32, #tpu.memory_space<vmem>>
            %gather3A_412 = tpu.vector_load_idx %gather3A_411[%broadcast_in_dim3A_407, %and3A_308] : memref<64x512xf32, #tpu.memory_space<vmem>>[vector<16xi32>, vector<16xi32>], vector<16xf32>,
            tpu.vector_store_idx %arg8[%broadcast_in_dim3A, %iota3A, %broadcast_in_dim3A_407], %gather3A_412 : memref<4x16x128xf32, #tpu.memory_space<vmem>>[vector<16xi32>, vector<16xi32>, vector<16xi32>], vector<16xf32>,
            %broadcast_in_dim3A_413 = arith.constant 15 : i32
            %broadcast_in_dim3A_414 = vector.broadcast %broadcast_in_dim3A_413 : i32 to vector<16xi32>
            %gather3A_415 = arith.constant 0 : i32
            %gather3A_416 = arith.constant 0 : i32
            %gather3A_417 = tpu.memref_slice %arg7[%select_n3A_259, %gather3A_415, %gather3A_416] : memref<2x64x512xf32, #tpu.memory_space<vmem>> -> memref<1x64x512xf32, #tpu.memory_space<vmem>>
            %gather3A_418 = tpu.memref_squeeze %gather3A_417 : memref<1x64x512xf32, #tpu.memory_space<vmem>> -> memref<64x512xf32, #tpu.memory_space<vmem>>
            %gather3A_419 = tpu.vector_load_idx %gather3A_418[%broadcast_in_dim3A_414, %and3A_308] : memref<64x512xf32, #tpu.memory_space<vmem>>[vector<16xi32>, vector<16xi32>], vector<16xf32>,
            tpu.vector_store_idx %arg8[%broadcast_in_dim3A, %iota3A, %broadcast_in_dim3A_414], %gather3A_419 : memref<4x16x128xf32, #tpu.memory_space<vmem>>[vector<16xi32>, vector<16xi32>, vector<16xi32>], vector<16xf32>,
            %broadcast_in_dim3A_420 = arith.constant 16 : i32
            %broadcast_in_dim3A_421 = vector.broadcast %broadcast_in_dim3A_420 : i32 to vector<16xi32>
            %gather3A_422 = arith.constant 0 : i32
            %gather3A_423 = arith.constant 0 : i32
            %gather3A_424 = tpu.memref_slice %arg7[%select_n3A_259, %gather3A_422, %gather3A_423] : memref<2x64x512xf32, #tpu.memory_space<vmem>> -> memref<1x64x512xf32, #tpu.memory_space<vmem>>
            %gather3A_425 = tpu.memref_squeeze %gather3A_424 : memref<1x64x512xf32, #tpu.memory_space<vmem>> -> memref<64x512xf32, #tpu.memory_space<vmem>>
            %gather3A_426 = tpu.vector_load_idx %gather3A_425[%broadcast_in_dim3A_421, %and3A_308] : memref<64x512xf32, #tpu.memory_space<vmem>>[vector<16xi32>, vector<16xi32>], vector<16xf32>,
            tpu.vector_store_idx %arg8[%broadcast_in_dim3A, %iota3A, %broadcast_in_dim3A_421], %gather3A_426 : memref<4x16x128xf32, #tpu.memory_space<vmem>>[vector<16xi32>, vector<16xi32>, vector<16xi32>], vector<16xf32>,
            %broadcast_in_dim3A_427 = arith.constant 17 : i32
            %broadcast_in_dim3A_428 = vector.broadcast %broadcast_in_dim3A_427 : i32 to vector<16xi32>
            %gather3A_429 = arith.constant 0 : i32
            %gather3A_430 = arith.constant 0 : i32
            %gather3A_431 = tpu.memref_slice %arg7[%select_n3A_259, %gather3A_429, %gather3A_430] : memref<2x64x512xf32, #tpu.memory_space<vmem>> -> memref<1x64x512xf32, #tpu.memory_space<vmem>>
            %gather3A_432 = tpu.memref_squeeze %gather3A_431 : memref<1x64x512xf32, #tpu.memory_space<vmem>> -> memref<64x512xf32, #tpu.memory_space<vmem>>
            %gather3A_433 = tpu.vector_load_idx %gather3A_432[%broadcast_in_dim3A_428, %and3A_308] : memref<64x512xf32, #tpu.memory_space<vmem>>[vector<16xi32>, vector<16xi32>], vector<16xf32>,
            tpu.vector_store_idx %arg8[%broadcast_in_dim3A, %iota3A, %broadcast_in_dim3A_428], %gather3A_433 : memref<4x16x128xf32, #tpu.memory_space<vmem>>[vector<16xi32>, vector<16xi32>, vector<16xi32>], vector<16xf32>,
            %broadcast_in_dim3A_434 = arith.constant 18 : i32
            %broadcast_in_dim3A_435 = vector.broadcast %broadcast_in_dim3A_434 : i32 to vector<16xi32>
            %gather3A_436 = arith.constant 0 : i32
            %gather3A_437 = arith.constant 0 : i32
            %gather3A_438 = tpu.memref_slice %arg7[%select_n3A_259, %gather3A_436, %gather3A_437] : memref<2x64x512xf32, #tpu.memory_space<vmem>> -> memref<1x64x512xf32, #tpu.memory_space<vmem>>
            %gather3A_439 = tpu.memref_squeeze %gather3A_438 : memref<1x64x512xf32, #tpu.memory_space<vmem>> -> memref<64x512xf32, #tpu.memory_space<vmem>>
            %gather3A_440 = tpu.vector_load_idx %gather3A_439[%broadcast_in_dim3A_435, %and3A_308] : memref<64x512xf32, #tpu.memory_space<vmem>>[vector<16xi32>, vector<16xi32>], vector<16xf32>,
            tpu.vector_store_idx %arg8[%broadcast_in_dim3A, %iota3A, %broadcast_in_dim3A_435], %gather3A_440 : memref<4x16x128xf32, #tpu.memory_space<vmem>>[vector<16xi32>, vector<16xi32>, vector<16xi32>], vector<16xf32>,
            %broadcast_in_dim3A_441 = arith.constant 19 : i32
            %broadcast_in_dim3A_442 = vector.broadcast %broadcast_in_dim3A_441 : i32 to vector<16xi32>
            %gather3A_443 = arith.constant 0 : i32
            %gather3A_444 = arith.constant 0 : i32
            %gather3A_445 = tpu.memref_slice %arg7[%select_n3A_259, %gather3A_443, %gather3A_444] : memref<2x64x512xf32, #tpu.memory_space<vmem>> -> memref<1x64x512xf32, #tpu.memory_space<vmem>>
            %gather3A_446 = tpu.memref_squeeze %gather3A_445 : memref<1x64x512xf32, #tpu.memory_space<vmem>> -> memref<64x512xf32, #tpu.memory_space<vmem>>
            %gather3A_447 = tpu.vector_load_idx %gather3A_446[%broadcast_in_dim3A_442, %and3A_308] : memref<64x512xf32, #tpu.memory_space<vmem>>[vector<16xi32>, vector<16xi32>], vector<16xf32>,
            tpu.vector_store_idx %arg8[%broadcast_in_dim3A, %iota3A, %broadcast_in_dim3A_442], %gather3A_447 : memref<4x16x128xf32, #tpu.memory_space<vmem>>[vector<16xi32>, vector<16xi32>, vector<16xi32>], vector<16xf32>,
            %broadcast_in_dim3A_448 = arith.constant 20 : i32
            %broadcast_in_dim3A_449 = vector.broadcast %broadcast_in_dim3A_448 : i32 to vector<16xi32>
            %gather3A_450 = arith.constant 0 : i32
            %gather3A_451 = arith.constant 0 : i32
            %gather3A_452 = tpu.memref_slice %arg7[%select_n3A_259, %gather3A_450, %gather3A_451] : memref<2x64x512xf32, #tpu.memory_space<vmem>> -> memref<1x64x512xf32, #tpu.memory_space<vmem>>
            %gather3A_453 = tpu.memref_squeeze %gather3A_452 : memref<1x64x512xf32, #tpu.memory_space<vmem>> -> memref<64x512xf32, #tpu.memory_space<vmem>>
            %gather3A_454 = tpu.vector_load_idx %gather3A_453[%broadcast_in_dim3A_449, %and3A_308] : memref<64x512xf32, #tpu.memory_space<vmem>>[vector<16xi32>, vector<16xi32>], vector<16xf32>,
            tpu.vector_store_idx %arg8[%broadcast_in_dim3A, %iota3A, %broadcast_in_dim3A_449], %gather3A_454 : memref<4x16x128xf32, #tpu.memory_space<vmem>>[vector<16xi32>, vector<16xi32>, vector<16xi32>], vector<16xf32>,
            %broadcast_in_dim3A_455 = arith.constant 21 : i32
            %broadcast_in_dim3A_456 = vector.broadcast %broadcast_in_dim3A_455 : i32 to vector<16xi32>
            %gather3A_457 = arith.constant 0 : i32
            %gather3A_458 = arith.constant 0 : i32
            %gather3A_459 = tpu.memref_slice %arg7[%select_n3A_259, %gather3A_457, %gather3A_458] : memref<2x64x512xf32, #tpu.memory_space<vmem>> -> memref<1x64x512xf32, #tpu.memory_space<vmem>>
            %gather3A_460 = tpu.memref_squeeze %gather3A_459 : memref<1x64x512xf32, #tpu.memory_space<vmem>> -> memref<64x512xf32, #tpu.memory_space<vmem>>
            %gather3A_461 = tpu.vector_load_idx %gather3A_460[%broadcast_in_dim3A_456, %and3A_308] : memref<64x512xf32, #tpu.memory_space<vmem>>[vector<16xi32>, vector<16xi32>], vector<16xf32>,
            tpu.vector_store_idx %arg8[%broadcast_in_dim3A, %iota3A, %broadcast_in_dim3A_456], %gather3A_461 : memref<4x16x128xf32, #tpu.memory_space<vmem>>[vector<16xi32>, vector<16xi32>, vector<16xi32>], vector<16xf32>,
            %broadcast_in_dim3A_462 = arith.constant 22 : i32
            %broadcast_in_dim3A_463 = vector.broadcast %broadcast_in_dim3A_462 : i32 to vector<16xi32>
            %gather3A_464 = arith.constant 0 : i32
            %gather3A_465 = arith.constant 0 : i32
            %gather3A_466 = tpu.memref_slice %arg7[%select_n3A_259, %gather3A_464, %gather3A_465] : memref<2x64x512xf32, #tpu.memory_space<vmem>> -> memref<1x64x512xf32, #tpu.memory_space<vmem>>
            %gather3A_467 = tpu.memref_squeeze %gather3A_466 : memref<1x64x512xf32, #tpu.memory_space<vmem>> -> memref<64x512xf32, #tpu.memory_space<vmem>>
            %gather3A_468 = tpu.vector_load_idx %gather3A_467[%broadcast_in_dim3A_463, %and3A_308] : memref<64x512xf32, #tpu.memory_space<vmem>>[vector<16xi32>, vector<16xi32>], vector<16xf32>,
            tpu.vector_store_idx %arg8[%broadcast_in_dim3A, %iota3A, %broadcast_in_dim3A_463], %gather3A_468 : memref<4x16x128xf32, #tpu.memory_space<vmem>>[vector<16xi32>, vector<16xi32>, vector<16xi32>], vector<16xf32>,
            %broadcast_in_dim3A_469 = arith.constant 23 : i32
            %broadcast_in_dim3A_470 = vector.broadcast %broadcast_in_dim3A_469 : i32 to vector<16xi32>
            %gather3A_471 = arith.constant 0 : i32
            %gather3A_472 = arith.constant 0 : i32
            %gather3A_473 = tpu.memref_slice %arg7[%select_n3A_259, %gather3A_471, %gather3A_472] : memref<2x64x512xf32, #tpu.memory_space<vmem>> -> memref<1x64x512xf32, #tpu.memory_space<vmem>>
            %gather3A_474 = tpu.memref_squeeze %gather3A_473 : memref<1x64x512xf32, #tpu.memory_space<vmem>> -> memref<64x512xf32, #tpu.memory_space<vmem>>
            %gather3A_475 = tpu.vector_load_idx %gather3A_474[%broadcast_in_dim3A_470, %and3A_308] : memref<64x512xf32, #tpu.memory_space<vmem>>[vector<16xi32>, vector<16xi32>], vector<16xf32>,
            tpu.vector_store_idx %arg8[%broadcast_in_dim3A, %iota3A, %broadcast_in_dim3A_470], %gather3A_475 : memref<4x16x128xf32, #tpu.memory_space<vmem>>[vector<16xi32>, vector<16xi32>, vector<16xi32>], vector<16xf32>,
            %broadcast_in_dim3A_476 = arith.constant 24 : i32
            %broadcast_in_dim3A_477 = vector.broadcast %broadcast_in_dim3A_476 : i32 to vector<16xi32>
            %gather3A_478 = arith.constant 0 : i32
            %gather3A_479 = arith.constant 0 : i32
            %gather3A_480 = tpu.memref_slice %arg7[%select_n3A_259, %gather3A_478, %gather3A_479] : memref<2x64x512xf32, #tpu.memory_space<vmem>> -> memref<1x64x512xf32, #tpu.memory_space<vmem>>
            %gather3A_481 = tpu.memref_squeeze %gather3A_480 : memref<1x64x512xf32, #tpu.memory_space<vmem>> -> memref<64x512xf32, #tpu.memory_space<vmem>>
            %gather3A_482 = tpu.vector_load_idx %gather3A_481[%broadcast_in_dim3A_477, %and3A_308] : memref<64x512xf32, #tpu.memory_space<vmem>>[vector<16xi32>, vector<16xi32>], vector<16xf32>,
            tpu.vector_store_idx %arg8[%broadcast_in_dim3A, %iota3A, %broadcast_in_dim3A_477], %gather3A_482 : memref<4x16x128xf32, #tpu.memory_space<vmem>>[vector<16xi32>, vector<16xi32>, vector<16xi32>], vector<16xf32>,
            %broadcast_in_dim3A_483 = arith.constant 25 : i32
            %broadcast_in_dim3A_484 = vector.broadcast %broadcast_in_dim3A_483 : i32 to vector<16xi32>
            %gather3A_485 = arith.constant 0 : i32
            %gather3A_486 = arith.constant 0 : i32
            %gather3A_487 = tpu.memref_slice %arg7[%select_n3A_259, %gather3A_485, %gather3A_486] : memref<2x64x512xf32, #tpu.memory_space<vmem>> -> memref<1x64x512xf32, #tpu.memory_space<vmem>>
            %gather3A_488 = tpu.memref_squeeze %gather3A_487 : memref<1x64x512xf32, #tpu.memory_space<vmem>> -> memref<64x512xf32, #tpu.memory_space<vmem>>
            %gather3A_489 = tpu.vector_load_idx %gather3A_488[%broadcast_in_dim3A_484, %and3A_308] : memref<64x512xf32, #tpu.memory_space<vmem>>[vector<16xi32>, vector<16xi32>], vector<16xf32>,
            tpu.vector_store_idx %arg8[%broadcast_in_dim3A, %iota3A, %broadcast_in_dim3A_484], %gather3A_489 : memref<4x16x128xf32, #tpu.memory_space<vmem>>[vector<16xi32>, vector<16xi32>, vector<16xi32>], vector<16xf32>,
            %broadcast_in_dim3A_490 = arith.constant 26 : i32
            %broadcast_in_dim3A_491 = vector.broadcast %broadcast_in_dim3A_490 : i32 to vector<16xi32>
            %gather3A_492 = arith.constant 0 : i32
            %gather3A_493 = arith.constant 0 : i32
            %gather3A_494 = tpu.memref_slice %arg7[%select_n3A_259, %gather3A_492, %gather3A_493] : memref<2x64x512xf32, #tpu.memory_space<vmem>> -> memref<1x64x512xf32, #tpu.memory_space<vmem>>
            %gather3A_495 = tpu.memref_squeeze %gather3A_494 : memref<1x64x512xf32, #tpu.memory_space<vmem>> -> memref<64x512xf32, #tpu.memory_space<vmem>>
            %gather3A_496 = tpu.vector_load_idx %gather3A_495[%broadcast_in_dim3A_491, %and3A_308] : memref<64x512xf32, #tpu.memory_space<vmem>>[vector<16xi32>, vector<16xi32>], vector<16xf32>,
            tpu.vector_store_idx %arg8[%broadcast_in_dim3A, %iota3A, %broadcast_in_dim3A_491], %gather3A_496 : memref<4x16x128xf32, #tpu.memory_space<vmem>>[vector<16xi32>, vector<16xi32>, vector<16xi32>], vector<16xf32>,
            %broadcast_in_dim3A_497 = arith.constant 27 : i32
            %broadcast_in_dim3A_498 = vector.broadcast %broadcast_in_dim3A_497 : i32 to vector<16xi32>
            %gather3A_499 = arith.constant 0 : i32
            %gather3A_500 = arith.constant 0 : i32
            %gather3A_501 = tpu.memref_slice %arg7[%select_n3A_259, %gather3A_499, %gather3A_500] : memref<2x64x512xf32, #tpu.memory_space<vmem>> -> memref<1x64x512xf32, #tpu.memory_space<vmem>>
            %gather3A_502 = tpu.memref_squeeze %gather3A_501 : memref<1x64x512xf32, #tpu.memory_space<vmem>> -> memref<64x512xf32, #tpu.memory_space<vmem>>
            %gather3A_503 = tpu.vector_load_idx %gather3A_502[%broadcast_in_dim3A_498, %and3A_308] : memref<64x512xf32, #tpu.memory_space<vmem>>[vector<16xi32>, vector<16xi32>], vector<16xf32>,
            tpu.vector_store_idx %arg8[%broadcast_in_dim3A, %iota3A, %broadcast_in_dim3A_498], %gather3A_503 : memref<4x16x128xf32, #tpu.memory_space<vmem>>[vector<16xi32>, vector<16xi32>, vector<16xi32>], vector<16xf32>,
            %broadcast_in_dim3A_504 = arith.constant 28 : i32
            %broadcast_in_dim3A_505 = vector.broadcast %broadcast_in_dim3A_504 : i32 to vector<16xi32>
            %gather3A_506 = arith.constant 0 : i32
            %gather3A_507 = arith.constant 0 : i32
            %gather3A_508 = tpu.memref_slice %arg7[%select_n3A_259, %gather3A_506, %gather3A_507] : memref<2x64x512xf32, #tpu.memory_space<vmem>> -> memref<1x64x512xf32, #tpu.memory_space<vmem>>
            %gather3A_509 = tpu.memref_squeeze %gather3A_508 : memref<1x64x512xf32, #tpu.memory_space<vmem>> -> memref<64x512xf32, #tpu.memory_space<vmem>>
            %gather3A_510 = tpu.vector_load_idx %gather3A_509[%broadcast_in_dim3A_505, %and3A_308] : memref<64x512xf32, #tpu.memory_space<vmem>>[vector<16xi32>, vector<16xi32>], vector<16xf32>,
            tpu.vector_store_idx %arg8[%broadcast_in_dim3A, %iota3A, %broadcast_in_dim3A_505], %gather3A_510 : memref<4x16x128xf32, #tpu.memory_space<vmem>>[vector<16xi32>, vector<16xi32>, vector<16xi32>], vector<16xf32>,
            %broadcast_in_dim3A_511 = arith.constant 29 : i32
            %broadcast_in_dim3A_512 = vector.broadcast %broadcast_in_dim3A_511 : i32 to vector<16xi32>
            %gather3A_513 = arith.constant 0 : i32
            %gather3A_514 = arith.constant 0 : i32
            %gather3A_515 = tpu.memref_slice %arg7[%select_n3A_259, %gather3A_513, %gather3A_514] : memref<2x64x512xf32, #tpu.memory_space<vmem>> -> memref<1x64x512xf32, #tpu.memory_space<vmem>>
            %gather3A_516 = tpu.memref_squeeze %gather3A_515 : memref<1x64x512xf32, #tpu.memory_space<vmem>> -> memref<64x512xf32, #tpu.memory_space<vmem>>
            %gather3A_517 = tpu.vector_load_idx %gather3A_516[%broadcast_in_dim3A_512, %and3A_308] : memref<64x512xf32, #tpu.memory_space<vmem>>[vector<16xi32>, vector<16xi32>], vector<16xf32>,
            tpu.vector_store_idx %arg8[%broadcast_in_dim3A, %iota3A, %broadcast_in_dim3A_512], %gather3A_517 : memref<4x16x128xf32, #tpu.memory_space<vmem>>[vector<16xi32>, vector<16xi32>, vector<16xi32>], vector<16xf32>,
            %broadcast_in_dim3A_518 = arith.constant 30 : i32
            %broadcast_in_dim3A_519 = vector.broadcast %broadcast_in_dim3A_518 : i32 to vector<16xi32>
            %gather3A_520 = arith.constant 0 : i32
            %gather3A_521 = arith.constant 0 : i32
            %gather3A_522 = tpu.memref_slice %arg7[%select_n3A_259, %gather3A_520, %gather3A_521] : memref<2x64x512xf32, #tpu.memory_space<vmem>> -> memref<1x64x512xf32, #tpu.memory_space<vmem>>
            %gather3A_523 = tpu.memref_squeeze %gather3A_522 : memref<1x64x512xf32, #tpu.memory_space<vmem>> -> memref<64x512xf32, #tpu.memory_space<vmem>>
            %gather3A_524 = tpu.vector_load_idx %gather3A_523[%broadcast_in_dim3A_519, %and3A_308] : memref<64x512xf32, #tpu.memory_space<vmem>>[vector<16xi32>, vector<16xi32>], vector<16xf32>,
            tpu.vector_store_idx %arg8[%broadcast_in_dim3A, %iota3A, %broadcast_in_dim3A_519], %gather3A_524 : memref<4x16x128xf32, #tpu.memory_space<vmem>>[vector<16xi32>, vector<16xi32>, vector<16xi32>], vector<16xf32>,
            %broadcast_in_dim3A_525 = arith.constant 31 : i32
            %broadcast_in_dim3A_526 = vector.broadcast %broadcast_in_dim3A_525 : i32 to vector<16xi32>
            %gather3A_527 = arith.constant 0 : i32
            %gather3A_528 = arith.constant 0 : i32
            %gather3A_529 = tpu.memref_slice %arg7[%select_n3A_259, %gather3A_527, %gather3A_528] : memref<2x64x512xf32, #tpu.memory_space<vmem>> -> memref<1x64x512xf32, #tpu.memory_space<vmem>>
            %gather3A_530 = tpu.memref_squeeze %gather3A_529 : memref<1x64x512xf32, #tpu.memory_space<vmem>> -> memref<64x512xf32, #tpu.memory_space<vmem>>
            %gather3A_531 = tpu.vector_load_idx %gather3A_530[%broadcast_in_dim3A_526, %and3A_308] : memref<64x512xf32, #tpu.memory_space<vmem>>[vector<16xi32>, vector<16xi32>], vector<16xf32>,
            tpu.vector_store_idx %arg8[%broadcast_in_dim3A, %iota3A, %broadcast_in_dim3A_526], %gather3A_531 : memref<4x16x128xf32, #tpu.memory_space<vmem>>[vector<16xi32>, vector<16xi32>, vector<16xi32>], vector<16xf32>,
            %broadcast_in_dim3A_532 = arith.constant 32 : i32
            %broadcast_in_dim3A_533 = vector.broadcast %broadcast_in_dim3A_532 : i32 to vector<16xi32>
            %gather3A_534 = arith.constant 0 : i32
            %gather3A_535 = arith.constant 0 : i32
            %gather3A_536 = tpu.memref_slice %arg7[%select_n3A_259, %gather3A_534, %gather3A_535] : memref<2x64x512xf32, #tpu.memory_space<vmem>> -> memref<1x64x512xf32, #tpu.memory_space<vmem>>
            %gather3A_537 = tpu.memref_squeeze %gather3A_536 : memref<1x64x512xf32, #tpu.memory_space<vmem>> -> memref<64x512xf32, #tpu.memory_space<vmem>>
            %gather3A_538 = tpu.vector_load_idx %gather3A_537[%broadcast_in_dim3A_533, %and3A_308] : memref<64x512xf32, #tpu.memory_space<vmem>>[vector<16xi32>, vector<16xi32>], vector<16xf32>,
            tpu.vector_store_idx %arg8[%broadcast_in_dim3A, %iota3A, %broadcast_in_dim3A_533], %gather3A_538 : memref<4x16x128xf32, #tpu.memory_space<vmem>>[vector<16xi32>, vector<16xi32>, vector<16xi32>], vector<16xf32>,
            %broadcast_in_dim3A_539 = arith.constant 33 : i32
            %broadcast_in_dim3A_540 = vector.broadcast %broadcast_in_dim3A_539 : i32 to vector<16xi32>
            %gather3A_541 = arith.constant 0 : i32
            %gather3A_542 = arith.constant 0 : i32
            %gather3A_543 = tpu.memref_slice %arg7[%select_n3A_259, %gather3A_541, %gather3A_542] : memref<2x64x512xf32, #tpu.memory_space<vmem>> -> memref<1x64x512xf32, #tpu.memory_space<vmem>>
            %gather3A_544 = tpu.memref_squeeze %gather3A_543 : memref<1x64x512xf32, #tpu.memory_space<vmem>> -> memref<64x512xf32, #tpu.memory_space<vmem>>
            %gather3A_545 = tpu.vector_load_idx %gather3A_544[%broadcast_in_dim3A_540, %and3A_308] : memref<64x512xf32, #tpu.memory_space<vmem>>[vector<16xi32>, vector<16xi32>], vector<16xf32>,
            tpu.vector_store_idx %arg8[%broadcast_in_dim3A, %iota3A, %broadcast_in_dim3A_540], %gather3A_545 : memref<4x16x128xf32, #tpu.memory_space<vmem>>[vector<16xi32>, vector<16xi32>, vector<16xi32>], vector<16xf32>,
            %broadcast_in_dim3A_546 = arith.constant 34 : i32
            %broadcast_in_dim3A_547 = vector.broadcast %broadcast_in_dim3A_546 : i32 to vector<16xi32>
            %gather3A_548 = arith.constant 0 : i32
            %gather3A_549 = arith.constant 0 : i32
            %gather3A_550 = tpu.memref_slice %arg7[%select_n3A_259, %gather3A_548, %gather3A_549] : memref<2x64x512xf32, #tpu.memory_space<vmem>> -> memref<1x64x512xf32, #tpu.memory_space<vmem>>
            %gather3A_551 = tpu.memref_squeeze %gather3A_550 : memref<1x64x512xf32, #tpu.memory_space<vmem>> -> memref<64x512xf32, #tpu.memory_space<vmem>>
            %gather3A_552 = tpu.vector_load_idx %gather3A_551[%broadcast_in_dim3A_547, %and3A_308] : memref<64x512xf32, #tpu.memory_space<vmem>>[vector<16xi32>, vector<16xi32>], vector<16xf32>,
            tpu.vector_store_idx %arg8[%broadcast_in_dim3A, %iota3A, %broadcast_in_dim3A_547], %gather3A_552 : memref<4x16x128xf32, #tpu.memory_space<vmem>>[vector<16xi32>, vector<16xi32>, vector<16xi32>], vector<16xf32>,
            %broadcast_in_dim3A_553 = arith.constant 35 : i32
            %broadcast_in_dim3A_554 = vector.broadcast %broadcast_in_dim3A_553 : i32 to vector<16xi32>
            %gather3A_555 = arith.constant 0 : i32
            %gather3A_556 = arith.constant 0 : i32
            %gather3A_557 = tpu.memref_slice %arg7[%select_n3A_259, %gather3A_555, %gather3A_556] : memref<2x64x512xf32, #tpu.memory_space<vmem>> -> memref<1x64x512xf32, #tpu.memory_space<vmem>>
            %gather3A_558 = tpu.memref_squeeze %gather3A_557 : memref<1x64x512xf32, #tpu.memory_space<vmem>> -> memref<64x512xf32, #tpu.memory_space<vmem>>
            %gather3A_559 = tpu.vector_load_idx %gather3A_558[%broadcast_in_dim3A_554, %and3A_308] : memref<64x512xf32, #tpu.memory_space<vmem>>[vector<16xi32>, vector<16xi32>], vector<16xf32>,
            tpu.vector_store_idx %arg8[%broadcast_in_dim3A, %iota3A, %broadcast_in_dim3A_554], %gather3A_559 : memref<4x16x128xf32, #tpu.memory_space<vmem>>[vector<16xi32>, vector<16xi32>, vector<16xi32>], vector<16xf32>,
            %broadcast_in_dim3A_560 = arith.constant 36 : i32
            %broadcast_in_dim3A_561 = vector.broadcast %broadcast_in_dim3A_560 : i32 to vector<16xi32>
            %gather3A_562 = arith.constant 0 : i32
            %gather3A_563 = arith.constant 0 : i32
            %gather3A_564 = tpu.memref_slice %arg7[%select_n3A_259, %gather3A_562, %gather3A_563] : memref<2x64x512xf32, #tpu.memory_space<vmem>> -> memref<1x64x512xf32, #tpu.memory_space<vmem>>
            %gather3A_565 = tpu.memref_squeeze %gather3A_564 : memref<1x64x512xf32, #tpu.memory_space<vmem>> -> memref<64x512xf32, #tpu.memory_space<vmem>>
            %gather3A_566 = tpu.vector_load_idx %gather3A_565[%broadcast_in_dim3A_561, %and3A_308] : memref<64x512xf32, #tpu.memory_space<vmem>>[vector<16xi32>, vector<16xi32>], vector<16xf32>,
            tpu.vector_store_idx %arg8[%broadcast_in_dim3A, %iota3A, %broadcast_in_dim3A_561], %gather3A_566 : memref<4x16x128xf32, #tpu.memory_space<vmem>>[vector<16xi32>, vector<16xi32>, vector<16xi32>], vector<16xf32>,
            %broadcast_in_dim3A_567 = arith.constant 37 : i32
            %broadcast_in_dim3A_568 = vector.broadcast %broadcast_in_dim3A_567 : i32 to vector<16xi32>
            %gather3A_569 = arith.constant 0 : i32
            %gather3A_570 = arith.constant 0 : i32
            %gather3A_571 = tpu.memref_slice %arg7[%select_n3A_259, %gather3A_569, %gather3A_570] : memref<2x64x512xf32, #tpu.memory_space<vmem>> -> memref<1x64x512xf32, #tpu.memory_space<vmem>>
            %gather3A_572 = tpu.memref_squeeze %gather3A_571 : memref<1x64x512xf32, #tpu.memory_space<vmem>> -> memref<64x512xf32, #tpu.memory_space<vmem>>
            %gather3A_573 = tpu.vector_load_idx %gather3A_572[%broadcast_in_dim3A_568, %and3A_308] : memref<64x512xf32, #tpu.memory_space<vmem>>[vector<16xi32>, vector<16xi32>], vector<16xf32>,
            tpu.vector_store_idx %arg8[%broadcast_in_dim3A, %iota3A, %broadcast_in_dim3A_568], %gather3A_573 : memref<4x16x128xf32, #tpu.memory_space<vmem>>[vector<16xi32>, vector<16xi32>, vector<16xi32>], vector<16xf32>,
            %broadcast_in_dim3A_574 = arith.constant 38 : i32
            %broadcast_in_dim3A_575 = vector.broadcast %broadcast_in_dim3A_574 : i32 to vector<16xi32>
            %gather3A_576 = arith.constant 0 : i32
            %gather3A_577 = arith.constant 0 : i32
            %gather3A_578 = tpu.memref_slice %arg7[%select_n3A_259, %gather3A_576, %gather3A_577] : memref<2x64x512xf32, #tpu.memory_space<vmem>> -> memref<1x64x512xf32, #tpu.memory_space<vmem>>
            %gather3A_579 = tpu.memref_squeeze %gather3A_578 : memref<1x64x512xf32, #tpu.memory_space<vmem>> -> memref<64x512xf32, #tpu.memory_space<vmem>>
            %gather3A_580 = tpu.vector_load_idx %gather3A_579[%broadcast_in_dim3A_575, %and3A_308] : memref<64x512xf32, #tpu.memory_space<vmem>>[vector<16xi32>, vector<16xi32>], vector<16xf32>,
            tpu.vector_store_idx %arg8[%broadcast_in_dim3A, %iota3A, %broadcast_in_dim3A_575], %gather3A_580 : memref<4x16x128xf32, #tpu.memory_space<vmem>>[vector<16xi32>, vector<16xi32>, vector<16xi32>], vector<16xf32>,
            %broadcast_in_dim3A_581 = arith.constant 39 : i32
            %broadcast_in_dim3A_582 = vector.broadcast %broadcast_in_dim3A_581 : i32 to vector<16xi32>
            %gather3A_583 = arith.constant 0 : i32
            %gather3A_584 = arith.constant 0 : i32
            %gather3A_585 = tpu.memref_slice %arg7[%select_n3A_259, %gather3A_583, %gather3A_584] : memref<2x64x512xf32, #tpu.memory_space<vmem>> -> memref<1x64x512xf32, #tpu.memory_space<vmem>>
            %gather3A_586 = tpu.memref_squeeze %gather3A_585 : memref<1x64x512xf32, #tpu.memory_space<vmem>> -> memref<64x512xf32, #tpu.memory_space<vmem>>
            %gather3A_587 = tpu.vector_load_idx %gather3A_586[%broadcast_in_dim3A_582, %and3A_308] : memref<64x512xf32, #tpu.memory_space<vmem>>[vector<16xi32>, vector<16xi32>], vector<16xf32>,
            tpu.vector_store_idx %arg8[%broadcast_in_dim3A, %iota3A, %broadcast_in_dim3A_582], %gather3A_587 : memref<4x16x128xf32, #tpu.memory_space<vmem>>[vector<16xi32>, vector<16xi32>, vector<16xi32>], vector<16xf32>,
            %broadcast_in_dim3A_588 = arith.constant 40 : i32
            %broadcast_in_dim3A_589 = vector.broadcast %broadcast_in_dim3A_588 : i32 to vector<16xi32>
            %gather3A_590 = arith.constant 0 : i32
            %gather3A_591 = arith.constant 0 : i32
            %gather3A_592 = tpu.memref_slice %arg7[%select_n3A_259, %gather3A_590, %gather3A_591] : memref<2x64x512xf32, #tpu.memory_space<vmem>> -> memref<1x64x512xf32, #tpu.memory_space<vmem>>
            %gather3A_593 = tpu.memref_squeeze %gather3A_592 : memref<1x64x512xf32, #tpu.memory_space<vmem>> -> memref<64x512xf32, #tpu.memory_space<vmem>>
            %gather3A_594 = tpu.vector_load_idx %gather3A_593[%broadcast_in_dim3A_589, %and3A_308] : memref<64x512xf32, #tpu.memory_space<vmem>>[vector<16xi32>, vector<16xi32>], vector<16xf32>,
            tpu.vector_store_idx %arg8[%broadcast_in_dim3A, %iota3A, %broadcast_in_dim3A_589], %gather3A_594 : memref<4x16x128xf32, #tpu.memory_space<vmem>>[vector<16xi32>, vector<16xi32>, vector<16xi32>], vector<16xf32>,
            %broadcast_in_dim3A_595 = arith.constant 41 : i32
            %broadcast_in_dim3A_596 = vector.broadcast %broadcast_in_dim3A_595 : i32 to vector<16xi32>
            %gather3A_597 = arith.constant 0 : i32
            %gather3A_598 = arith.constant 0 : i32
            %gather3A_599 = tpu.memref_slice %arg7[%select_n3A_259, %gather3A_597, %gather3A_598] : memref<2x64x512xf32, #tpu.memory_space<vmem>> -> memref<1x64x512xf32, #tpu.memory_space<vmem>>
            %gather3A_600 = tpu.memref_squeeze %gather3A_599 : memref<1x64x512xf32, #tpu.memory_space<vmem>> -> memref<64x512xf32, #tpu.memory_space<vmem>>
            %gather3A_601 = tpu.vector_load_idx %gather3A_600[%broadcast_in_dim3A_596, %and3A_308] : memref<64x512xf32, #tpu.memory_space<vmem>>[vector<16xi32>, vector<16xi32>], vector<16xf32>,
            tpu.vector_store_idx %arg8[%broadcast_in_dim3A, %iota3A, %broadcast_in_dim3A_596], %gather3A_601 : memref<4x16x128xf32, #tpu.memory_space<vmem>>[vector<16xi32>, vector<16xi32>, vector<16xi32>], vector<16xf32>,
            %broadcast_in_dim3A_602 = arith.constant 42 : i32
            %broadcast_in_dim3A_603 = vector.broadcast %broadcast_in_dim3A_602 : i32 to vector<16xi32>
            %gather3A_604 = arith.constant 0 : i32
            %gather3A_605 = arith.constant 0 : i32
            %gather3A_606 = tpu.memref_slice %arg7[%select_n3A_259, %gather3A_604, %gather3A_605] : memref<2x64x512xf32, #tpu.memory_space<vmem>> -> memref<1x64x512xf32, #tpu.memory_space<vmem>>
            %gather3A_607 = tpu.memref_squeeze %gather3A_606 : memref<1x64x512xf32, #tpu.memory_space<vmem>> -> memref<64x512xf32, #tpu.memory_space<vmem>>
            %gather3A_608 = tpu.vector_load_idx %gather3A_607[%broadcast_in_dim3A_603, %and3A_308] : memref<64x512xf32, #tpu.memory_space<vmem>>[vector<16xi32>, vector<16xi32>], vector<16xf32>,
            tpu.vector_store_idx %arg8[%broadcast_in_dim3A, %iota3A, %broadcast_in_dim3A_603], %gather3A_608 : memref<4x16x128xf32, #tpu.memory_space<vmem>>[vector<16xi32>, vector<16xi32>, vector<16xi32>], vector<16xf32>,
            %broadcast_in_dim3A_609 = arith.constant 43 : i32
            %broadcast_in_dim3A_610 = vector.broadcast %broadcast_in_dim3A_609 : i32 to vector<16xi32>
            %gather3A_611 = arith.constant 0 : i32
            %gather3A_612 = arith.constant 0 : i32
            %gather3A_613 = tpu.memref_slice %arg7[%select_n3A_259, %gather3A_611, %gather3A_612] : memref<2x64x512xf32, #tpu.memory_space<vmem>> -> memref<1x64x512xf32, #tpu.memory_space<vmem>>
            %gather3A_614 = tpu.memref_squeeze %gather3A_613 : memref<1x64x512xf32, #tpu.memory_space<vmem>> -> memref<64x512xf32, #tpu.memory_space<vmem>>
            %gather3A_615 = tpu.vector_load_idx %gather3A_614[%broadcast_in_dim3A_610, %and3A_308] : memref<64x512xf32, #tpu.memory_space<vmem>>[vector<16xi32>, vector<16xi32>], vector<16xf32>,
            tpu.vector_store_idx %arg8[%broadcast_in_dim3A, %iota3A, %broadcast_in_dim3A_610], %gather3A_615 : memref<4x16x128xf32, #tpu.memory_space<vmem>>[vector<16xi32>, vector<16xi32>, vector<16xi32>], vector<16xf32>,
            %broadcast_in_dim3A_616 = arith.constant 44 : i32
            %broadcast_in_dim3A_617 = vector.broadcast %broadcast_in_dim3A_616 : i32 to vector<16xi32>
            %gather3A_618 = arith.constant 0 : i32
            %gather3A_619 = arith.constant 0 : i32
            %gather3A_620 = tpu.memref_slice %arg7[%select_n3A_259, %gather3A_618, %gather3A_619] : memref<2x64x512xf32, #tpu.memory_space<vmem>> -> memref<1x64x512xf32, #tpu.memory_space<vmem>>
            %gather3A_621 = tpu.memref_squeeze %gather3A_620 : memref<1x64x512xf32, #tpu.memory_space<vmem>> -> memref<64x512xf32, #tpu.memory_space<vmem>>
            %gather3A_622 = tpu.vector_load_idx %gather3A_621[%broadcast_in_dim3A_617, %and3A_308] : memref<64x512xf32, #tpu.memory_space<vmem>>[vector<16xi32>, vector<16xi32>], vector<16xf32>,
            tpu.vector_store_idx %arg8[%broadcast_in_dim3A, %iota3A, %broadcast_in_dim3A_617], %gather3A_622 : memref<4x16x128xf32, #tpu.memory_space<vmem>>[vector<16xi32>, vector<16xi32>, vector<16xi32>], vector<16xf32>,
            %broadcast_in_dim3A_623 = arith.constant 45 : i32
            %broadcast_in_dim3A_624 = vector.broadcast %broadcast_in_dim3A_623 : i32 to vector<16xi32>
            %gather3A_625 = arith.constant 0 : i32
            %gather3A_626 = arith.constant 0 : i32
            %gather3A_627 = tpu.memref_slice %arg7[%select_n3A_259, %gather3A_625, %gather3A_626] : memref<2x64x512xf32, #tpu.memory_space<vmem>> -> memref<1x64x512xf32, #tpu.memory_space<vmem>>
            %gather3A_628 = tpu.memref_squeeze %gather3A_627 : memref<1x64x512xf32, #tpu.memory_space<vmem>> -> memref<64x512xf32, #tpu.memory_space<vmem>>
            %gather3A_629 = tpu.vector_load_idx %gather3A_628[%broadcast_in_dim3A_624, %and3A_308] : memref<64x512xf32, #tpu.memory_space<vmem>>[vector<16xi32>, vector<16xi32>], vector<16xf32>,
            tpu.vector_store_idx %arg8[%broadcast_in_dim3A, %iota3A, %broadcast_in_dim3A_624], %gather3A_629 : memref<4x16x128xf32, #tpu.memory_space<vmem>>[vector<16xi32>, vector<16xi32>, vector<16xi32>], vector<16xf32>,
            %broadcast_in_dim3A_630 = arith.constant 46 : i32
            %broadcast_in_dim3A_631 = vector.broadcast %broadcast_in_dim3A_630 : i32 to vector<16xi32>
            %gather3A_632 = arith.constant 0 : i32
            %gather3A_633 = arith.constant 0 : i32
            %gather3A_634 = tpu.memref_slice %arg7[%select_n3A_259, %gather3A_632, %gather3A_633] : memref<2x64x512xf32, #tpu.memory_space<vmem>> -> memref<1x64x512xf32, #tpu.memory_space<vmem>>
            %gather3A_635 = tpu.memref_squeeze %gather3A_634 : memref<1x64x512xf32, #tpu.memory_space<vmem>> -> memref<64x512xf32, #tpu.memory_space<vmem>>
            %gather3A_636 = tpu.vector_load_idx %gather3A_635[%broadcast_in_dim3A_631, %and3A_308] : memref<64x512xf32, #tpu.memory_space<vmem>>[vector<16xi32>, vector<16xi32>], vector<16xf32>,
            tpu.vector_store_idx %arg8[%broadcast_in_dim3A, %iota3A, %broadcast_in_dim3A_631], %gather3A_636 : memref<4x16x128xf32, #tpu.memory_space<vmem>>[vector<16xi32>, vector<16xi32>, vector<16xi32>], vector<16xf32>,
            %broadcast_in_dim3A_637 = arith.constant 47 : i32
            %broadcast_in_dim3A_638 = vector.broadcast %broadcast_in_dim3A_637 : i32 to vector<16xi32>
            %gather3A_639 = arith.constant 0 : i32
            %gather3A_640 = arith.constant 0 : i32
            %gather3A_641 = tpu.memref_slice %arg7[%select_n3A_259, %gather3A_639, %gather3A_640] : memref<2x64x512xf32, #tpu.memory_space<vmem>> -> memref<1x64x512xf32, #tpu.memory_space<vmem>>
            %gather3A_642 = tpu.memref_squeeze %gather3A_641 : memref<1x64x512xf32, #tpu.memory_space<vmem>> -> memref<64x512xf32, #tpu.memory_space<vmem>>
            %gather3A_643 = tpu.vector_load_idx %gather3A_642[%broadcast_in_dim3A_638, %and3A_308] : memref<64x512xf32, #tpu.memory_space<vmem>>[vector<16xi32>, vector<16xi32>], vector<16xf32>,
            tpu.vector_store_idx %arg8[%broadcast_in_dim3A, %iota3A, %broadcast_in_dim3A_638], %gather3A_643 : memref<4x16x128xf32, #tpu.memory_space<vmem>>[vector<16xi32>, vector<16xi32>, vector<16xi32>], vector<16xf32>,
            %broadcast_in_dim3A_644 = arith.constant 48 : i32
            %broadcast_in_dim3A_645 = vector.broadcast %broadcast_in_dim3A_644 : i32 to vector<16xi32>
            %gather3A_646 = arith.constant 0 : i32
            %gather3A_647 = arith.constant 0 : i32
            %gather3A_648 = tpu.memref_slice %arg7[%select_n3A_259, %gather3A_646, %gather3A_647] : memref<2x64x512xf32, #tpu.memory_space<vmem>> -> memref<1x64x512xf32, #tpu.memory_space<vmem>>
            %gather3A_649 = tpu.memref_squeeze %gather3A_648 : memref<1x64x512xf32, #tpu.memory_space<vmem>> -> memref<64x512xf32, #tpu.memory_space<vmem>>
            %gather3A_650 = tpu.vector_load_idx %gather3A_649[%broadcast_in_dim3A_645, %and3A_308] : memref<64x512xf32, #tpu.memory_space<vmem>>[vector<16xi32>, vector<16xi32>], vector<16xf32>,
            tpu.vector_store_idx %arg8[%broadcast_in_dim3A, %iota3A, %broadcast_in_dim3A_645], %gather3A_650 : memref<4x16x128xf32, #tpu.memory_space<vmem>>[vector<16xi32>, vector<16xi32>, vector<16xi32>], vector<16xf32>,
            %broadcast_in_dim3A_651 = arith.constant 49 : i32
            %broadcast_in_dim3A_652 = vector.broadcast %broadcast_in_dim3A_651 : i32 to vector<16xi32>
            %gather3A_653 = arith.constant 0 : i32
            %gather3A_654 = arith.constant 0 : i32
            %gather3A_655 = tpu.memref_slice %arg7[%select_n3A_259, %gather3A_653, %gather3A_654] : memref<2x64x512xf32, #tpu.memory_space<vmem>> -> memref<1x64x512xf32, #tpu.memory_space<vmem>>
            %gather3A_656 = tpu.memref_squeeze %gather3A_655 : memref<1x64x512xf32, #tpu.memory_space<vmem>> -> memref<64x512xf32, #tpu.memory_space<vmem>>
            %gather3A_657 = tpu.vector_load_idx %gather3A_656[%broadcast_in_dim3A_652, %and3A_308] : memref<64x512xf32, #tpu.memory_space<vmem>>[vector<16xi32>, vector<16xi32>], vector<16xf32>,
            tpu.vector_store_idx %arg8[%broadcast_in_dim3A, %iota3A, %broadcast_in_dim3A_652], %gather3A_657 : memref<4x16x128xf32, #tpu.memory_space<vmem>>[vector<16xi32>, vector<16xi32>, vector<16xi32>], vector<16xf32>,
            %broadcast_in_dim3A_658 = arith.constant 50 : i32
            %broadcast_in_dim3A_659 = vector.broadcast %broadcast_in_dim3A_658 : i32 to vector<16xi32>
            %gather3A_660 = arith.constant 0 : i32
            %gather3A_661 = arith.constant 0 : i32
            %gather3A_662 = tpu.memref_slice %arg7[%select_n3A_259, %gather3A_660, %gather3A_661] : memref<2x64x512xf32, #tpu.memory_space<vmem>> -> memref<1x64x512xf32, #tpu.memory_space<vmem>>
            %gather3A_663 = tpu.memref_squeeze %gather3A_662 : memref<1x64x512xf32, #tpu.memory_space<vmem>> -> memref<64x512xf32, #tpu.memory_space<vmem>>
            %gather3A_664 = tpu.vector_load_idx %gather3A_663[%broadcast_in_dim3A_659, %and3A_308] : memref<64x512xf32, #tpu.memory_space<vmem>>[vector<16xi32>, vector<16xi32>], vector<16xf32>,
            tpu.vector_store_idx %arg8[%broadcast_in_dim3A, %iota3A, %broadcast_in_dim3A_659], %gather3A_664 : memref<4x16x128xf32, #tpu.memory_space<vmem>>[vector<16xi32>, vector<16xi32>, vector<16xi32>], vector<16xf32>,
            %broadcast_in_dim3A_665 = arith.constant 51 : i32
            %broadcast_in_dim3A_666 = vector.broadcast %broadcast_in_dim3A_665 : i32 to vector<16xi32>
            %gather3A_667 = arith.constant 0 : i32
            %gather3A_668 = arith.constant 0 : i32
            %gather3A_669 = tpu.memref_slice %arg7[%select_n3A_259, %gather3A_667, %gather3A_668] : memref<2x64x512xf32, #tpu.memory_space<vmem>> -> memref<1x64x512xf32, #tpu.memory_space<vmem>>
            %gather3A_670 = tpu.memref_squeeze %gather3A_669 : memref<1x64x512xf32, #tpu.memory_space<vmem>> -> memref<64x512xf32, #tpu.memory_space<vmem>>
            %gather3A_671 = tpu.vector_load_idx %gather3A_670[%broadcast_in_dim3A_666, %and3A_308] : memref<64x512xf32, #tpu.memory_space<vmem>>[vector<16xi32>, vector<16xi32>], vector<16xf32>,
            tpu.vector_store_idx %arg8[%broadcast_in_dim3A, %iota3A, %broadcast_in_dim3A_666], %gather3A_671 : memref<4x16x128xf32, #tpu.memory_space<vmem>>[vector<16xi32>, vector<16xi32>, vector<16xi32>], vector<16xf32>,
            %broadcast_in_dim3A_672 = arith.constant 52 : i32
            %broadcast_in_dim3A_673 = vector.broadcast %broadcast_in_dim3A_672 : i32 to vector<16xi32>
            %gather3A_674 = arith.constant 0 : i32
            %gather3A_675 = arith.constant 0 : i32
            %gather3A_676 = tpu.memref_slice %arg7[%select_n3A_259, %gather3A_674, %gather3A_675] : memref<2x64x512xf32, #tpu.memory_space<vmem>> -> memref<1x64x512xf32, #tpu.memory_space<vmem>>
            %gather3A_677 = tpu.memref_squeeze %gather3A_676 : memref<1x64x512xf32, #tpu.memory_space<vmem>> -> memref<64x512xf32, #tpu.memory_space<vmem>>
            %gather3A_678 = tpu.vector_load_idx %gather3A_677[%broadcast_in_dim3A_673, %and3A_308] : memref<64x512xf32, #tpu.memory_space<vmem>>[vector<16xi32>, vector<16xi32>], vector<16xf32>,
            tpu.vector_store_idx %arg8[%broadcast_in_dim3A, %iota3A, %broadcast_in_dim3A_673], %gather3A_678 : memref<4x16x128xf32, #tpu.memory_space<vmem>>[vector<16xi32>, vector<16xi32>, vector<16xi32>], vector<16xf32>,
            %broadcast_in_dim3A_679 = arith.constant 53 : i32
            %broadcast_in_dim3A_680 = vector.broadcast %broadcast_in_dim3A_679 : i32 to vector<16xi32>
            %gather3A_681 = arith.constant 0 : i32
            %gather3A_682 = arith.constant 0 : i32
            %gather3A_683 = tpu.memref_slice %arg7[%select_n3A_259, %gather3A_681, %gather3A_682] : memref<2x64x512xf32, #tpu.memory_space<vmem>> -> memref<1x64x512xf32, #tpu.memory_space<vmem>>
            %gather3A_684 = tpu.memref_squeeze %gather3A_683 : memref<1x64x512xf32, #tpu.memory_space<vmem>> -> memref<64x512xf32, #tpu.memory_space<vmem>>
            %gather3A_685 = tpu.vector_load_idx %gather3A_684[%broadcast_in_dim3A_680, %and3A_308] : memref<64x512xf32, #tpu.memory_space<vmem>>[vector<16xi32>, vector<16xi32>], vector<16xf32>,
            tpu.vector_store_idx %arg8[%broadcast_in_dim3A, %iota3A, %broadcast_in_dim3A_680], %gather3A_685 : memref<4x16x128xf32, #tpu.memory_space<vmem>>[vector<16xi32>, vector<16xi32>, vector<16xi32>], vector<16xf32>,
            %broadcast_in_dim3A_686 = arith.constant 54 : i32
            %broadcast_in_dim3A_687 = vector.broadcast %broadcast_in_dim3A_686 : i32 to vector<16xi32>
            %gather3A_688 = arith.constant 0 : i32
            %gather3A_689 = arith.constant 0 : i32
            %gather3A_690 = tpu.memref_slice %arg7[%select_n3A_259, %gather3A_688, %gather3A_689] : memref<2x64x512xf32, #tpu.memory_space<vmem>> -> memref<1x64x512xf32, #tpu.memory_space<vmem>>
            %gather3A_691 = tpu.memref_squeeze %gather3A_690 : memref<1x64x512xf32, #tpu.memory_space<vmem>> -> memref<64x512xf32, #tpu.memory_space<vmem>>
            %gather3A_692 = tpu.vector_load_idx %gather3A_691[%broadcast_in_dim3A_687, %and3A_308] : memref<64x512xf32, #tpu.memory_space<vmem>>[vector<16xi32>, vector<16xi32>], vector<16xf32>,
            tpu.vector_store_idx %arg8[%broadcast_in_dim3A, %iota3A, %broadcast_in_dim3A_687], %gather3A_692 : memref<4x16x128xf32, #tpu.memory_space<vmem>>[vector<16xi32>, vector<16xi32>, vector<16xi32>], vector<16xf32>,
            %broadcast_in_dim3A_693 = arith.constant 55 : i32
            %broadcast_in_dim3A_694 = vector.broadcast %broadcast_in_dim3A_693 : i32 to vector<16xi32>
            %gather3A_695 = arith.constant 0 : i32
            %gather3A_696 = arith.constant 0 : i32
            %gather3A_697 = tpu.memref_slice %arg7[%select_n3A_259, %gather3A_695, %gather3A_696] : memref<2x64x512xf32, #tpu.memory_space<vmem>> -> memref<1x64x512xf32, #tpu.memory_space<vmem>>
            %gather3A_698 = tpu.memref_squeeze %gather3A_697 : memref<1x64x512xf32, #tpu.memory_space<vmem>> -> memref<64x512xf32, #tpu.memory_space<vmem>>
            %gather3A_699 = tpu.vector_load_idx %gather3A_698[%broadcast_in_dim3A_694, %and3A_308] : memref<64x512xf32, #tpu.memory_space<vmem>>[vector<16xi32>, vector<16xi32>], vector<16xf32>,
            tpu.vector_store_idx %arg8[%broadcast_in_dim3A, %iota3A, %broadcast_in_dim3A_694], %gather3A_699 : memref<4x16x128xf32, #tpu.memory_space<vmem>>[vector<16xi32>, vector<16xi32>, vector<16xi32>], vector<16xf32>,
            %broadcast_in_dim3A_700 = arith.constant 56 : i32
            %broadcast_in_dim3A_701 = vector.broadcast %broadcast_in_dim3A_700 : i32 to vector<16xi32>
            %gather3A_702 = arith.constant 0 : i32
            %gather3A_703 = arith.constant 0 : i32
            %gather3A_704 = tpu.memref_slice %arg7[%select_n3A_259, %gather3A_702, %gather3A_703] : memref<2x64x512xf32, #tpu.memory_space<vmem>> -> memref<1x64x512xf32, #tpu.memory_space<vmem>>
            %gather3A_705 = tpu.memref_squeeze %gather3A_704 : memref<1x64x512xf32, #tpu.memory_space<vmem>> -> memref<64x512xf32, #tpu.memory_space<vmem>>
            %gather3A_706 = tpu.vector_load_idx %gather3A_705[%broadcast_in_dim3A_701, %and3A_308] : memref<64x512xf32, #tpu.memory_space<vmem>>[vector<16xi32>, vector<16xi32>], vector<16xf32>,
            tpu.vector_store_idx %arg8[%broadcast_in_dim3A, %iota3A, %broadcast_in_dim3A_701], %gather3A_706 : memref<4x16x128xf32, #tpu.memory_space<vmem>>[vector<16xi32>, vector<16xi32>, vector<16xi32>], vector<16xf32>,
            %broadcast_in_dim3A_707 = arith.constant 57 : i32
            %broadcast_in_dim3A_708 = vector.broadcast %broadcast_in_dim3A_707 : i32 to vector<16xi32>
            %gather3A_709 = arith.constant 0 : i32
            %gather3A_710 = arith.constant 0 : i32
            %gather3A_711 = tpu.memref_slice %arg7[%select_n3A_259, %gather3A_709, %gather3A_710] : memref<2x64x512xf32, #tpu.memory_space<vmem>> -> memref<1x64x512xf32, #tpu.memory_space<vmem>>
            %gather3A_712 = tpu.memref_squeeze %gather3A_711 : memref<1x64x512xf32, #tpu.memory_space<vmem>> -> memref<64x512xf32, #tpu.memory_space<vmem>>
            %gather3A_713 = tpu.vector_load_idx %gather3A_712[%broadcast_in_dim3A_708, %and3A_308] : memref<64x512xf32, #tpu.memory_space<vmem>>[vector<16xi32>, vector<16xi32>], vector<16xf32>,
            tpu.vector_store_idx %arg8[%broadcast_in_dim3A, %iota3A, %broadcast_in_dim3A_708], %gather3A_713 : memref<4x16x128xf32, #tpu.memory_space<vmem>>[vector<16xi32>, vector<16xi32>, vector<16xi32>], vector<16xf32>,
            %broadcast_in_dim3A_714 = arith.constant 58 : i32
            %broadcast_in_dim3A_715 = vector.broadcast %broadcast_in_dim3A_714 : i32 to vector<16xi32>
            %gather3A_716 = arith.constant 0 : i32
            %gather3A_717 = arith.constant 0 : i32
            %gather3A_718 = tpu.memref_slice %arg7[%select_n3A_259, %gather3A_716, %gather3A_717] : memref<2x64x512xf32, #tpu.memory_space<vmem>> -> memref<1x64x512xf32, #tpu.memory_space<vmem>>
            %gather3A_719 = tpu.memref_squeeze %gather3A_718 : memref<1x64x512xf32, #tpu.memory_space<vmem>> -> memref<64x512xf32, #tpu.memory_space<vmem>>
            %gather3A_720 = tpu.vector_load_idx %gather3A_719[%broadcast_in_dim3A_715, %and3A_308] : memref<64x512xf32, #tpu.memory_space<vmem>>[vector<16xi32>, vector<16xi32>], vector<16xf32>,
            tpu.vector_store_idx %arg8[%broadcast_in_dim3A, %iota3A, %broadcast_in_dim3A_715], %gather3A_720 : memref<4x16x128xf32, #tpu.memory_space<vmem>>[vector<16xi32>, vector<16xi32>, vector<16xi32>], vector<16xf32>,
            %broadcast_in_dim3A_721 = arith.constant 59 : i32
            %broadcast_in_dim3A_722 = vector.broadcast %broadcast_in_dim3A_721 : i32 to vector<16xi32>
            %gather3A_723 = arith.constant 0 : i32
            %gather3A_724 = arith.constant 0 : i32
            %gather3A_725 = tpu.memref_slice %arg7[%select_n3A_259, %gather3A_723, %gather3A_724] : memref<2x64x512xf32, #tpu.memory_space<vmem>> -> memref<1x64x512xf32, #tpu.memory_space<vmem>>
            %gather3A_726 = tpu.memref_squeeze %gather3A_725 : memref<1x64x512xf32, #tpu.memory_space<vmem>> -> memref<64x512xf32, #tpu.memory_space<vmem>>
            %gather3A_727 = tpu.vector_load_idx %gather3A_726[%broadcast_in_dim3A_722, %and3A_308] : memref<64x512xf32, #tpu.memory_space<vmem>>[vector<16xi32>, vector<16xi32>], vector<16xf32>,
            tpu.vector_store_idx %arg8[%broadcast_in_dim3A, %iota3A, %broadcast_in_dim3A_722], %gather3A_727 : memref<4x16x128xf32, #tpu.memory_space<vmem>>[vector<16xi32>, vector<16xi32>, vector<16xi32>], vector<16xf32>,
            %broadcast_in_dim3A_728 = arith.constant 60 : i32
            %broadcast_in_dim3A_729 = vector.broadcast %broadcast_in_dim3A_728 : i32 to vector<16xi32>
            %gather3A_730 = arith.constant 0 : i32
            %gather3A_731 = arith.constant 0 : i32
            %gather3A_732 = tpu.memref_slice %arg7[%select_n3A_259, %gather3A_730, %gather3A_731] : memref<2x64x512xf32, #tpu.memory_space<vmem>> -> memref<1x64x512xf32, #tpu.memory_space<vmem>>
            %gather3A_733 = tpu.memref_squeeze %gather3A_732 : memref<1x64x512xf32, #tpu.memory_space<vmem>> -> memref<64x512xf32, #tpu.memory_space<vmem>>
            %gather3A_734 = tpu.vector_load_idx %gather3A_733[%broadcast_in_dim3A_729, %and3A_308] : memref<64x512xf32, #tpu.memory_space<vmem>>[vector<16xi32>, vector<16xi32>], vector<16xf32>,
            tpu.vector_store_idx %arg8[%broadcast_in_dim3A, %iota3A, %broadcast_in_dim3A_729], %gather3A_734 : memref<4x16x128xf32, #tpu.memory_space<vmem>>[vector<16xi32>, vector<16xi32>, vector<16xi32>], vector<16xf32>,
            %broadcast_in_dim3A_735 = arith.constant 61 : i32
            %broadcast_in_dim3A_736 = vector.broadcast %broadcast_in_dim3A_735 : i32 to vector<16xi32>
            %gather3A_737 = arith.constant 0 : i32
            %gather3A_738 = arith.constant 0 : i32
            %gather3A_739 = tpu.memref_slice %arg7[%select_n3A_259, %gather3A_737, %gather3A_738] : memref<2x64x512xf32, #tpu.memory_space<vmem>> -> memref<1x64x512xf32, #tpu.memory_space<vmem>>
            %gather3A_740 = tpu.memref_squeeze %gather3A_739 : memref<1x64x512xf32, #tpu.memory_space<vmem>> -> memref<64x512xf32, #tpu.memory_space<vmem>>
            %gather3A_741 = tpu.vector_load_idx %gather3A_740[%broadcast_in_dim3A_736, %and3A_308] : memref<64x512xf32, #tpu.memory_space<vmem>>[vector<16xi32>, vector<16xi32>], vector<16xf32>,
            tpu.vector_store_idx %arg8[%broadcast_in_dim3A, %iota3A, %broadcast_in_dim3A_736], %gather3A_741 : memref<4x16x128xf32, #tpu.memory_space<vmem>>[vector<16xi32>, vector<16xi32>, vector<16xi32>], vector<16xf32>,
            %broadcast_in_dim3A_742 = arith.constant 62 : i32
            %broadcast_in_dim3A_743 = vector.broadcast %broadcast_in_dim3A_742 : i32 to vector<16xi32>
            %gather3A_744 = arith.constant 0 : i32
            %gather3A_745 = arith.constant 0 : i32
            %gather3A_746 = tpu.memref_slice %arg7[%select_n3A_259, %gather3A_744, %gather3A_745] : memref<2x64x512xf32, #tpu.memory_space<vmem>> -> memref<1x64x512xf32, #tpu.memory_space<vmem>>
            %gather3A_747 = tpu.memref_squeeze %gather3A_746 : memref<1x64x512xf32, #tpu.memory_space<vmem>> -> memref<64x512xf32, #tpu.memory_space<vmem>>
            %gather3A_748 = tpu.vector_load_idx %gather3A_747[%broadcast_in_dim3A_743, %and3A_308] : memref<64x512xf32, #tpu.memory_space<vmem>>[vector<16xi32>, vector<16xi32>], vector<16xf32>,
            tpu.vector_store_idx %arg8[%broadcast_in_dim3A, %iota3A, %broadcast_in_dim3A_743], %gather3A_748 : memref<4x16x128xf32, #tpu.memory_space<vmem>>[vector<16xi32>, vector<16xi32>, vector<16xi32>], vector<16xf32>,
            %broadcast_in_dim3A_749 = arith.constant 63 : i32
            %broadcast_in_dim3A_750 = vector.broadcast %broadcast_in_dim3A_749 : i32 to vector<16xi32>
            %gather3A_751 = arith.constant 0 : i32
            %gather3A_752 = arith.constant 0 : i32
            %gather3A_753 = tpu.memref_slice %arg7[%select_n3A_259, %gather3A_751, %gather3A_752] : memref<2x64x512xf32, #tpu.memory_space<vmem>> -> memref<1x64x512xf32, #tpu.memory_space<vmem>>
            %gather3A_754 = tpu.memref_squeeze %gather3A_753 : memref<1x64x512xf32, #tpu.memory_space<vmem>> -> memref<64x512xf32, #tpu.memory_space<vmem>>
            %gather3A_755 = tpu.vector_load_idx %gather3A_754[%broadcast_in_dim3A_750, %and3A_308] : memref<64x512xf32, #tpu.memory_space<vmem>>[vector<16xi32>, vector<16xi32>], vector<16xf32>,
            tpu.vector_store_idx %arg8[%broadcast_in_dim3A, %iota3A, %broadcast_in_dim3A_750], %gather3A_755 : memref<4x16x128xf32, #tpu.memory_space<vmem>>[vector<16xi32>, vector<16xi32>, vector<16xi32>], vector<16xf32>,
            %and3A_756 = arith.constant 16383 : i32
            %and3A_757 = vector.broadcast %and3A_756 : i32 to vector<16xi32>
            %and3A_758 = arith.andi %get3A_265, %and3A_757 : vector<16xi32>
            %add3A_759 = arith.constant 16384 : i32
            %add3A_760 = vector.broadcast %add3A_759 : i32 to vector<16xi32>
            %add3A_761 = arith.addi %add3A_760, %iota3A : vector<16xi32>
            %select_n3A_762 = arith.select %and3A_274, %and3A_758, %add3A_761 : vector<16xi1>, vector<16xi32>
            %dma_start3A_763 = arith.constant 0 : i32
            %dma_start3A_764 = arith.constant 0 : i32
            %dma_start3A_765 = tpu.memref_slice %arg8[%select_n3A_298, %dma_start3A_763, %dma_start3A_764] : memref<4x16x128xf32, #tpu.memory_space<vmem>> -> memref<1x16x128xf32, #tpu.memory_space<vmem>>
            %dma_start3A_766 = tpu.memref_squeeze %dma_start3A_765 : memref<1x16x128xf32, #tpu.memory_space<vmem>> -> memref<16x128xf32, #tpu.memory_space<vmem>>
            %dma_start3A_767 = arith.constant 0 : i32
            %dma_start3A_768 = arith.constant 0 : i32
            %dma_start3A_769 = tpu.memref_slice %arg4[%dma_start3A_767, %dma_start3A_768] : memref<16400x128xf32, #tpu.memory_space<hbm>> -> memref<16400x128xf32, #tpu.memory_space<hbm>>
            tpu.enqueue_indirect_dma source(%dma_start3A_766 : memref<16x128xf32, #tpu.memory_space<vmem>>) target(%dma_start3A_769 : memref<16400x128xf32, #tpu.memory_space<hbm>>) offsets(%select_n3A_762 : vector<16xi32>) semaphore(%arg10 : memref<!tpu.dma_semaphore, #tpu.memory_space<semaphore_mem>>)
            %add3A_770 = arith.constant 1 : i32
            %add3A_771 = arith.addi %while3A_263, %add3A_770 : i32
            scf.yield %add3A_771 : i32
          } else {
            scf.yield %while3A_263 : i32
          }
          %add3A_280 = arith.addi %while3A_262, %squeeze3A : i32
          %eq3A_281 = arith.constant 16 : i32
          %eq3A_282 = arith.cmpi eq, %squeeze3A, %eq3A_281 : i32
          scf.yield %add3A_280, %cond3A_279, %eq3A_282 : i32, i32, i1
        }
        scf.yield %while3A_261#0, %while3A_261#1 : i32, i32
      } else {
        scf.yield %scan3A_212, %scan3A_213 : i32, i32
      }
      scf.yield %cond3A_217#0, %cond3A_217#1 : i32, i32
    }
    %scan3A_198 = arith.constant 62 : i32
    %min3A_199 = arith.constant 4 : i32
    %min3A_200 = arith.minsi %scan3A_197#1, %min3A_199 : i32
    %while3A_201 = arith.constant 0 : i32
    %while3A_202 = arith.constant 0 : i32
    %while3A_203 = arith.subi %min3A_200, %while3A_202 : i32
    %while3A_204 = arith.addi %while3A_202, %while3A_203 : i32
    %while3A_205 = arith.constant 1 : i32
    %while3A_206 = arith.divsi %while3A_203, %while3A_205 : i32
    %while3A_207 = arith.muli %while3A_206, %while3A_205 : i32
    %while3A_208 = arith.addi %while3A_202, %while3A_207 : i32
    %while3A_209 = arith.constant 1 : i32
    scf.for %while3A_211 = %while3A_202 to %while3A_208 step %while3A_209  : i32 {
      %dma_wait3A = arith.constant 0 : i32
      %dma_wait3A_212 = arith.constant 0 : i32
      %dma_wait3A_213 = arith.constant 0 : i32
      %dma_wait3A_214 = tpu.memref_slice %arg8[%dma_wait3A, %dma_wait3A_212, %dma_wait3A_213] : memref<4x16x128xf32, #tpu.memory_space<vmem>> -> memref<1x16x128xf32, #tpu.memory_space<vmem>>
      %dma_wait3A_215 = tpu.memref_squeeze %dma_wait3A_214 : memref<1x16x128xf32, #tpu.memory_space<vmem>> -> memref<16x128xf32, #tpu.memory_space<vmem>>
      %dma_wait3A_216 = arith.constant 0 : i32
      %dma_wait3A_217 = arith.constant 0 : i32
      %dma_wait3A_218 = tpu.memref_slice %arg4[%dma_wait3A_216, %dma_wait3A_217] : memref<16400x128xf32, #tpu.memory_space<hbm>> -> memref<16x128xf32, #tpu.memory_space<hbm>>
      %dma_wait3A_219 = arith.constant 0 : i32
      %dma_wait3A_220 = arith.constant 0 : i32
      %dma_wait3A_221 = tpu.memref_slice %arg8[%dma_wait3A, %dma_wait3A_219, %dma_wait3A_220] : memref<4x16x128xf32, #tpu.memory_space<vmem>> -> memref<1x16x128xf32, #tpu.memory_space<vmem>>
      %dma_wait3A_222 = tpu.memref_squeeze %dma_wait3A_221 : memref<1x16x128xf32, #tpu.memory_space<vmem>> -> memref<16x128xf32, #tpu.memory_space<vmem>>
      %dma_wait3A_223 = arith.constant 0 : i32
      %dma_wait3A_224 = arith.constant 0 : i32
      %dma_wait3A_225 = tpu.memref_slice %arg4[%dma_wait3A_223, %dma_wait3A_224] : memref<16400x128xf32, #tpu.memory_space<hbm>> -> memref<16x128xf32, #tpu.memory_space<hbm>>
      tpu.wait_dma2 semaphore(%arg10 : memref<!tpu.dma_semaphore, #tpu.memory_space<semaphore_mem>>) src(%dma_wait3A_225 : memref<16x128xf32, #tpu.memory_space<hbm>>) dst(%dma_wait3A_222 : memref<16x128xf32, #tpu.memory_space<vmem>>)
    }
    %while3A_210 = arith.constant 1 : i32
    scf.for %while3A_211 = %while3A_208 to %while3A_204 step %while3A_210  : i32 {
      %dma_wait3A = arith.constant 0 : i32
      %dma_wait3A_212 = arith.constant 0 : i32
      %dma_wait3A_213 = arith.constant 0 : i32
      %dma_wait3A_214 = tpu.memref_slice %arg8[%dma_wait3A, %dma_wait3A_212, %dma_wait3A_213] : memref<4x16x128xf32, #tpu.memory_space<vmem>> -> memref<1x16x128xf32, #tpu.memory_space<vmem>>
      %dma_wait3A_215 = tpu.memref_squeeze %dma_wait3A_214 : memref<1x16x128xf32, #tpu.memory_space<vmem>> -> memref<16x128xf32, #tpu.memory_space<vmem>>
      %dma_wait3A_216 = arith.constant 0 : i32
      %dma_wait3A_217 = arith.constant 0 : i32
      %dma_wait3A_218 = tpu.memref_slice %arg4[%dma_wait3A_216, %dma_wait3A_217] : memref<16400x128xf32, #tpu.memory_space<hbm>> -> memref<16x128xf32, #tpu.memory_space<hbm>>
      %dma_wait3A_219 = arith.constant 0 : i32
      %dma_wait3A_220 = arith.constant 0 : i32
      %dma_wait3A_221 = tpu.memref_slice %arg8[%dma_wait3A, %dma_wait3A_219, %dma_wait3A_220] : memref<4x16x128xf32, #tpu.memory_space<vmem>> -> memref<1x16x128xf32, #tpu.memory_space<vmem>>
      %dma_wait3A_222 = tpu.memref_squeeze %dma_wait3A_221 : memref<1x16x128xf32, #tpu.memory_space<vmem>> -> memref<16x128xf32, #tpu.memory_space<vmem>>
      %dma_wait3A_223 = arith.constant 0 : i32
      %dma_wait3A_224 = arith.constant 0 : i32
      %dma_wait3A_225 = tpu.memref_slice %arg4[%dma_wait3A_223, %dma_wait3A_224] : memref<16400x128xf32, #tpu.memory_space<hbm>> -> memref<16x128xf32, #tpu.memory_space<hbm>>
      tpu.wait_dma2 semaphore(%arg10 : memref<!tpu.dma_semaphore, #tpu.memory_space<semaphore_mem>>) src(%dma_wait3A_225 : memref<16x128xf32, #tpu.memory_space<hbm>>) dst(%dma_wait3A_222 : memref<16x128xf32, #tpu.memory_space<vmem>>)
    }
    return
  }
}

</mosaic_0001>

<sc_bundles>
// kernel: kernel.3.cloned.1.call-start
scs
__scs_entry_jumppad:
0x0: {  	(pc) =	sbr.rel $0x88, $3  }
0x1: {  	(tag) =	ssettag $0x0;
	lr =	simm.s32 $0x1  }
0x2: {  	[smem:$0x3F9F] =	sst lr;
	_ =	strace $0xD0000000  }
0x3: {  	_ = 	snop  }
0x4: {  	_ = 	snop  }
0x5: {  	_ = 	snop  }
0x6: {  	_ = 	snop  }
0x7: {  	_ = 	snop  }
__scs_overlays_trampoline_lowered:
0x8: {  	[smem:$0x3FAE] =	sst s0  }
0x9: {  	[smem:$0x3FAF] =	sst s1  }
0xa: {  	[smem:$0x3FB0] =	sst s2  }
0xb: {  	[smem:$0x3FB1] =	sst s3  }
0xc: {  	[smem:$0x3FB2] =	sst s4  }
0xd: {  	[smem:$0x3FB3] =	sst s5  }
0xe: {  	[smem:$0x3FB4] =	sst s6  }
0xf: {  	[smem:$0x3FB5] =	sst s7  }
0x10: {  	[smem:$0x3FB6] =	sst s8  }
0x11: {  	[smem:$0x3FB7] =	sst s9;
	s0 =	simm.s32 @!p0 $0x0  }
0x12: {  	s1 =	sld [smem:$0x3F9D];
	s0 =	simm.s32 @p0 $0x1  }
0x13: {  	[smem:$0x3FB8] =	sst s0;
	s0 =	simm.s32 @!p1 $0x0  }
0x14: {  	s2 =	sld [smem:$0x3F9C];
	s0 =	simm.s32 @p1 $0x1  }
0x15: {  	[smem:$0x3FB9] =	sst s0;
	s0 =	simm.s32 @!p2 $0x0  }
0x16: {  	s3 =	sld [smem:$0x3FDB];
	s0 =	simm.s32 @p2 $0x1  }
0x17: {  	s4 =	simm.s32 $0x1BF5;
	[smem:$0x3FBB] =	sst s0  }
0x18: {  	s0 =	sld [smem:$0x3F9E];
	_ =	swait.ge [sflag:s4], $0x0  }
0x19: {  	s7 =	sld [smem:$0x3F9F]  }
0x1a: {  	s8 =	sadd.s32 $0xFFFFE003, lr  }
0x1b: {  	s9 =	sadd.s32 $0xFFFFFEF7, lr;
	s5 =	simm.s32 $0xFFFFFFFF;
	p2 =	slt.u32 s8, $0xFFFFF086  }
0x1c: {  	p1 =	slt.u32 s9, $0xF7A;
	s5 =	simm.s32 @!p2 $0x0  }
0x1d: {  	s5 =	simm.s32 @p1 $0x1;
	p0 =	seq.s32 s7, s2  }
0x1e: {  	s7 =	smul.u32 @!p0 $0xF7A, s2;
	p2 =	seq.s32 @!p0 s5, $0x0  }
0x1f: {  	s9 =	smul.u32 $0xF7A, s1;
	s8 =	simm.s32 @!p0 $0x1BF5;
	p2 =	por !p2, p0  }
0x20: {  	[sflag:s8] =	ssyncset.s32 @!p0 $0xFFFFF086;
	s6 =	sadd.s32 @!p0 s3, s7;
	s7 =	simm.s32 @!p0 $0x108  }
0x21: {  	s3 =	sadd.s32 s3, s9;
	s6 =	sadd.s32 @!p0 $0x88, s6;
	s7 =	simm.s32 @p2 $0x1082  }
0x22: {  	[simem:s7], [sflag:s8] =	dma.local @!p0 [hbm:s6], $0xF7A  }
0x23: {  	s9 =	sor.u32 $0xD0000000, s2;
	s6 =	simm.s32 $0x108;
	_ =	swait.ge @!p0 [sflag:s8], $0x0  }
0x24: {  	s3 =	sadd.s32 $0x88, s3;
	s6 =	simm.s32 @!p1 $0x1082;
	[sflag:s4] =	ssyncset.s32 $0xFFFFF086  }
0x25: {  	[simem:s6], [sflag:s4] =	dma.local [hbm:s3], $0xF7A  }
0x26: {  	[smem:$0x3F9F] =	sst s1;
	(tag) =	ssettag s2;
	_ =	strace s9  }
0x27: {  	s1 =	sld [smem:$0x3FAF]  }
0x28: {  	s2 =	sld [smem:$0x3FB0]  }
0x29: {  	s4 =	sld [smem:$0x3FB2]  }
0x2a: {  	p0 =	seq.s32 s5, $0x0;
	s5 =	sld [smem:$0x3FB3]  }
0x2b: {  	s6 =	sld [smem:$0x3FB4]  }
0x2c: {  	s7 =	sld [smem:$0x3FB5]  }
0x2d: {  	s3 =	simm.s32 $0x108;
	s8 =	sld [smem:$0x3FB6]  }
0x2e: {  	s3 =	simm.s32 @!p0 $0x1082;
	s9 =	sld [smem:$0x3FB7]  }
0x2f: {  	lr =	sadd.s32 s0, s3;
	s0 =	sld [smem:$0x3FAE]  }
0x30: {  	s3 =	sld [smem:$0x3FB1]  }
0x31: {  	[smem:$0x3FBA] =	sst s10  }
0x32: {  	s10 =	sld [smem:$0x3FB8];
	_ =	sdelay $0x3  }
0x33: {  	p0 =	seq.s32 s10, $0x1;
	s10 =	sld [smem:$0x3FBA];
	_ =	sdelay $0x3  }
0x34: {  	[smem:$0x3FBA] =	sst s10  }
0x35: {  	s10 =	sld [smem:$0x3FB9];
	_ =	sdelay $0x3  }
0x36: {  	p1 =	seq.s32 s10, $0x1;
	s10 =	sld [smem:$0x3FBA];
	_ =	sdelay $0x3  }
0x37: {  	[smem:$0x3FBA] =	sst s10  }
0x38: {  	s10 =	sld [smem:$0x3FBB]  }
0x39: {  	_ = 	snop;
	(pc) =	sbr.ind lr, $3  }
0x3a: {  	_ = 	snop  }
0x3b: {  	_ = 	snop  }
0x3c: {  	p2 =	seq.s32 s10, $0x1;
	s10 =	sld [smem:$0x3FBA]  }
0x3d: {  	_ =	shalt  }
0x3e: {  	_ =	shalt  }
0x3f: {  	_ =	shalt  }
0x40: {  	_ =	shalt  }
0x41: {  	_ =	shalt  }
0x42: {  	_ =	shalt  }
0x43: {  	_ =	shalt  }
0x44: {  	_ =	shalt  }
0x45: {  	_ =	shalt  }
0x46: {  	_ =	shalt  }
0x47: {  	_ =	shalt  }
0x48: {  	_ =	shalt  }
0x49: {  	_ =	shalt  }
0x4a: {  	_ =	shalt  }
0x4b: {  	_ =	shalt  }
0x4c: {  	_ =	shalt  }
0x4d: {  	_ =	shalt  }
0x4e: {  	_ =	shalt  }
0x4f: {  	_ =	shalt  }
0x50: {  	_ =	shalt  }
0x51: {  	_ =	shalt  }
0x52: {  	_ =	shalt  }
0x53: {  	_ =	shalt  }
0x54: {  	_ =	shalt  }
0x55: {  	_ =	shalt  }
0x56: {  	_ =	shalt  }
0x57: {  	_ =	shalt  }
0x58: {  	_ =	shalt  }
0x59: {  	_ =	shalt  }
0x5a: {  	_ =	shalt  }
0x5b: {  	_ =	shalt  }
0x5c: {  	_ =	shalt  }
0x5d: {  	_ =	shalt  }
0x5e: {  	_ =	shalt  }
0x5f: {  	_ =	shalt  }
0x60: {  	_ =	shalt  }
0x61: {  	_ =	shalt  }
0x62: {  	_ =	shalt  }
0x63: {  	_ =	shalt  }
0x64: {  	_ =	shalt  }
0x65: {  	_ =	shalt  }
0x66: {  	_ =	shalt  }
0x67: {  	_ =	shalt  }
0x68: {  	_ =	shalt  }
0x69: {  	_ =	shalt  }
0x6a: {  	_ =	shalt  }
0x6b: {  	_ =	shalt  }
0x6c: {  	_ =	shalt  }
0x6d: {  	_ =	shalt  }
0x6e: {  	_ =	shalt  }
0x6f: {  	_ =	shalt  }
0x70: {  	_ =	shalt  }
0x71: {  	_ =	shalt  }
0x72: {  	_ =	shalt  }
0x73: {  	_ =	shalt  }
0x74: {  	_ =	shalt  }
0x75: {  	_ =	shalt  }
0x76: {  	_ =	shalt  }
0x77: {  	_ =	shalt  }
0x78: {  	_ =	shalt  }
0x79: {  	_ =	shalt  }
0x7a: {  	_ =	shalt  }
0x7b: {  	_ =	shalt  }
0x7c: {  	_ =	shalt  }
0x7d: {  	_ =	shalt  }
0x7e: {  	_ =	shalt  }
0x7f: {  	_ =	shalt  }
0x80: {  	_ =	shalt  }
0x81: {  	_ =	shalt  }
0x82: {  	_ =	shalt  }
0x83: {  	_ =	shalt  }
0x84: {  	_ =	shalt  }
0x85: {  	_ =	shalt  }
0x86: {  	_ =	shalt  }
0x87: {  	_ =	shalt  }
.Lfunc_end0:
.L_simem_size_0:
called_computation_lowered:
.L_overlay_start_0:
0x88: {  	s2 =	sld [smem:$0x3FD9]  }
0x89: {  	s3 =	sld [smem:$0x3FFE];
	_ =	sdelay $0x1  }
0x8a: {  	s1 =	srdreg.scid  }
0x8b: {  	s0 =	sand.u32 $0x1, s1  }
0x8c: {  	s17 =	sshll.u32 s0, $0xA;
	s2 =	sadd.s32 s3, s2  }
0x8d: {  	s2 =	sadd.s32 s2, s17  }
0x8e: {  	[smem:$0x3FC6] =	sst s2  }
0x8f: {  	_ = 	snop  }
0x90: {  	s2 =	sld [smem:$0x3FC9]  }
0x91: {  	s18 =	sld [smem:$0x3FC8];
	(tm) =	ssettm $0x1  }
0x92: {  	s4 =	sld [smem:$0x3FFB];
	_ =	sdelay $0x3  }
0x93: {  	_ =	strace s4  }
0x94: {  	s4 =	sld [smem:$0x3FFC];
	_ =	sdelay $0x3  }
0x95: {  	_ =	strace s4  }
0x96: {  	s4 =	sld [smem:$0x3FFD];
	_ =	sdelay $0x3  }
0x97: {  	_ =	strace s4  }
0x98: {  	_ =	strace $0x8FFFFFFF  }
0x99: {  	s19 =	sld [smem:$0x3FDB];
	_ =	sdelay $0x1  }
0x9a: {  	s5 =	simm.s32 $_scs_section_size  }
0x9b: {  	s6 =	simm.s32 $_size__tile_overlayer_lowered;
	s7 =	simm.s32 $_tile_overlayer_lowered  }
0x9c: {  	s22 =	simm.s32 $0x1BFF;
	s21 =	sshll.u32 s7, $0x1;
	s4 =	sadd.s32 s5, s19  }
0x9d: {  	s8 =	simm.s32 $0x0;
	s20 =	sshll.u32 s6, $0x1;
	s6 =	sadd.s32 s21, s4  }
0x9e: {  	[timem:s8], [sflag:s22] =	dma.local [hbm:s6], s20  }
0x9f: {  	_ =	swait.ge [sflag:s22], s20  }
0xa0: {  	s5 =	ssub.s32 $0x0, s20;
	[sflag:s22] =	ssyncset.done $0x0  }
0xa1: {  	[sflag:s22] =	ssyncadd.s32 s5;
	_ =	sdelay $0x1  }
0xa2: {  	s23 =	simm.s32 $0x1B8B  }
0xa3: {  	_ =	swait.ge [sflag:s23], $0x1  }
0xa4: {  	[sflag:s23] =	ssyncset.done $0x0  }
0xa5: {  	s25 =	simm.s32 $0x1B8E;
	s24 =	sld [smem:$0x3FFE];
	[sflag:s23] =	ssyncadd.s32 $0xFFFFFFFF  }
0xa6: {  	s26 =	simm.s32 $execute0_lowered;
	[smem:$0x3FD2] =	sst s25  }
0xa7: {  	s6 =	sshll.u32 s26, $0x1;
	_ =	strace $0x80000046;
	[dreg:$0x1] =	wrdreg $0xFFFFFFFF  }
0xa8: {  	s28 =	simm.s32 $_size_execute0_lowered;
	s4 =	sadd.s32 s4, s6;
	[dreg:$0x0] =	wrdreg $0x0  }
0xa9: {  	s6 =	sshll.u32 s28, $0x1;
	[dreg:$0x2] =	wrdreg s4  }
0xaa: {  	[dreg:$0x3] =	wrdreg s6  }
0xab: {  	[dreg:$0x4] =	wrdreg $0xC0  }
0xac: {  	_ =	task [dreg:s8], $0x5FFFF  }
0xad: {  	[dreg:$0x1] =	wrdreg $0xFFFFFFFF  }
0xae: {  	[dreg:$0x0] =	wrdreg $0x60  }
0xaf: {  	[dreg:$0x2] =	wrdreg s2  }
0xb0: {  	[dreg:$0x3] =	wrdreg s18  }
0xb1: {  	[dreg:$0x4] =	wrdreg s24  }
0xb2: {  	[dreg:$0x5] =	wrdreg $0x9  }
0xb3: {  	_ =	task.clear_ibuf [dreg:s8], $0x6FFFF;
	_ =	strace $0x90000046  }
0xb4: {  	s29 =	simm.s32 $0x9;
	_ =	strace $0x80000048  }
0xb5: {  	_ =	swait.ge [sflag:s29], $0x1  }
0xb6: {  	[sflag:s29] =	ssyncadd.s32 $0xFFFFFFFF  }
0xb7: {  	_ =	strace $0x90000048  }
0xb8: {  	_ =	sfence  }
0xb9: {  	s30 =	sld [smem:$0x0];
	_ =	sdelay $0x2  }
0xba: {  	s31 =	sshll.u32 s1, $0xD;
	s1 =	sshrl.u32 s1, $0x2  }
0xbb: {  	s3 =	sand.u32 $0x4000, s31;
	s1 =	sadd.s32 s1, s30  }
0xbc: {  	s0 =	sor.u32 s3, s0;
	s1 =	sshll.u32 s1, $0x11  }
0xbd: {  	s0 =	sor.u32 s1, s0  }
0xbe: {  	s0 =	sadd.s32 $0x8F2B, s0  }
0xbf: {  	[sflag:s0] =	ssyncadd.remote.s32 $0x1  }
0xc0: {  	_ =	sfence.sel $0xFFFF  }
0xc1: {  	[dreg:$0x0] =	wrdreg $0xFFFFFFFF;
	(pc) =	sbr.abs _section_cstart, $3  }
0xc2: {  	[dreg:$0x1] =	wrdreg $0xFFFFFFFF  }
0xc3: {  	_ =	task.clear_ibuf [dreg:s8], $0x2FFFF;
	_ =	strace $0x9FFFFFFF  }
0xc4: {  	(tm) =	ssettm $0x7FFFFFFF  }
0xc5: {  	_ =	shalt  }
tec
execute0_lowered:
.L_overlay_start_1:
0x0: {  	(tag) =	ssettag $0x1  }
0x1: {  	v0 =	vlaneseq.u32  }
0x2: {  	v1 =	vmul.u32 $0x80, v0;
	_ =	sdelay $0x1  }
0x3: {  	vm0 =	vmmov $0xffff;
	v4 =	vor.u32 $0x1, v1;
	v5 =	vor.u32 $0x2, v1  }
0x4: {  	v6 =	vor.u32 $0x3, v1;
	v7 =	vor.u32 $0x4, v1;
	v8 =	vor.u32 $0x5, v1  }
0x5: {  	v9 =	vor.u32 $0x6, v1;
	v10 =	vor.u32 $0x7, v1;
	v11 =	vor.u32 $0x8, v1  }
0x6: {  	v12 =	vor.u32 $0x9, v1;
	v13 =	vor.u32 $0xA, v1;
	v14 =	vor.u32 $0xB, v1  }
0x7: {  	s1 =	srdreg.scid;
	s2 =	rddreg [dreg:$0x1];
	v15 =	vor.u32 $0xC, v1;
	v16 =	vor.u32 $0xD, v1;
	v17 =	vor.u32 $0xE, v1  }
0x8: {  	s0 =	stileid.u32;
	s8 =	rddreg [dreg:$0x2];
	v18 =	vor.u32 $0xF, v1;
	v19 =	vor.u32 $0x10, v1;
	v20 =	vor.u32 $0x11, v1  }
0x9: {  	s3 =	rddreg [dreg:$0x3];
	s4 =	simm.s32 $0x0;
	s10 =	simm.s32 $0x7A1400;
	v21 =	vor.u32 $0x12, v1;
	v22 =	vor.u32 $0x13, v1;
	v23 =	vor.u32 $0x14, v1  }
0xa: {  	s11 =	simm.s32 $0x8100;
	s5 =	sand.u32 $0x1, s1;
	s29 =	sshll.u32 s0, $0x1;
	v24 =	vor.u32 $0x15, v1;
	v25 =	vor.u32 $0x16, v1;
	v26 =	vor.u32 $0x17, v1  }
0xb: {  	s12 =	simm.s32 $0x3;
	s13 =	simm.s32 $0x1;
	s6 =	sor.u32 s5, s29;
	v27 =	vor.u32 $0x18, v1;
	v28 =	vor.u32 $0x19, v1;
	v29 =	vor.u32 $0x1A, v1  }
0xc: {  	s14 =	simm.s32 $0x18100;
	s15 =	simm.s32 $0x2;
	s7 =	smul.u32 $0x7C00, s6;
	v30 =	vor.u32 $0x1B, v1;
	v31 =	vor.u32 $0x1C, v1;
	v32 =	vor.u32 $0x1D, v1  }
.Ltmp0:
0xd: {  	s16 =	simm.s32 $0x0;
	s9 =	ssub.s32 $0x2, s5;
	v33 =	vor.u32 $0x1E, v1;
	v34 =	vor.u32 $0x1F, v1;
	v35 =	vor.u32 $0x20, v1;
	(pc) =	sbr.rel .LBB2_1-.Ltmp0, $4  }
0xe: {  	[smem:$0x7FF] =	sst s4;
	s5 =	sadd.s32 $0x600, s8;
	s31 =	sshrl.u32 s9, $0x1;
	v36 =	vor.u32 $0x21, v1;
	v37 =	vor.u32 $0x22, v1;
	v38 =	vor.u32 $0x23, v1  }
0xf: {  	s6 =	smul.u32 $0x3E, s6;
	v39 =	vor.u32 $0x24, v1;
	v40 =	vor.u32 $0x25, v1;
	v41 =	vor.u32 $0x26, v1;
	s8 =	ssub.s32 s9, s31;
	s30 =	smin.u32 s7, $0xEC600  }
0x10: {  	v42 =	vor.u32 $0x27, v1;
	v43 =	vor.u32 $0x28, v1;
	s9 =	simm.s32 $0x1000;
	v2 =	vmov s7;
	s7 =	sadd.s32 s2, s7;
	s1 =	sadd.s32 $0x7C00, s30  }
0x11: {  	v44 =	vor.u32 $0x29, v1;
	v45 =	vor.u32 $0x2A, v1;
	s8 =	smax.u32 s8, $0x1;
	v3 =	vmov s1;
	s1 =	rddreg [dreg:$0x0];
	_ =	strace $0x80000047  }
.LBB2_102:
0x12: {  	[sflag:s15] =	ssyncadd.s32 $0xFFFFF800  }
.LBB2_103:
0x13: {  	s16 =	sadd.s32 $0x1, s16  }
0x14: {  	p0 =	sne.s32 s16, s8  }
.Ltmp1:
0x15: {  	_ = 	snop;
	(pc) =	sbr.rel @!p0 .LBB2_104-.Ltmp1, $1  }
0x16: {  	_ =	sdelay $0x3  }
.LBB2_1:
0x17: {  	[tilespmem:s11], [sflag:$0x1] =	stream.strided.gather [hbm4b:s7+s9], $0x8000, s10, s9, $0x38;
	[tilespmem:$0x1A100] =	vst v63  }
0x18: {  	_ = 	snop  }
0x19: {  	[tilespmem:s4], [sflag:$0x3] =	stream.linear.gather [hbm4b:s1+s4], $0x4000, $0x38;
	[tilespmem:$0x1A100] =	vst v63  }
0x1a: {  	_ =	swait.ge [sflag:s12], $0x4000  }
0x1b: {  	[sflag:s12] =	ssyncset.done $0x0  }
0x1c: {  	s19 =	simm.s32 $0x20;
	[sflag:s12] =	ssyncadd.s32 $0xFFFFC000  }
0x1d: {  	v47 =	vld [tilespmem:s19+$0xFFFFFFF0]  }
0x1e: {  	v46 =	vld [tilespmem:s19+$0xFFFFFFE0]  }
0x1f: {  	v51 =	vld [tilespmem:s19+$0x10];
	_ =	sdelay $0x1  }
0x20: {  	v48 =	vld [tilespmem:s19+$0x0];
	_ =	sdelay $0x1  }
0x21: {  	vm1 =	vge.s32 v47, v2;
	vm2 =	vlt.s32 v47, v3;
	v49 =	vsub.s32 v47, v2  }
0x22: {  	vm3 =	vge.s32 v46, v2;
	vm4 =	vlt.s32 v46, v3;
	v50 =	vsub.s32 v51, v2  }
0x23: {  	vm5 =	vlt.s32 v51, v3;
	vm1 =	vmand vm1, vm2;
	vm3 =	vmand vm3, vm4  }
0x24: {  	vm2 =	vge.s32 v48, v2;
	vm4 =	vlt.s32 v48, v3;
	v54 =	vmpcnt.ones.xlane vm3  }
0x25: {  	v50 =	vshll.u32 v50, $0xE;
	v53 =	vmpcnt.ones.xlane vm1;
	vm2 =	vmand vm2, vm4  }
0x26: {  	s20 =	simm.s32 $0x40;
	s18 =	simm.s32 $0x0;
	s17 =	simm.s32 $0x0;
	vm4 =	vge.s32 v51, v2;
	v52 =	vmpcnt.ones.xlane vm2;
	(v2sf) =	vpush v54, $0x0  }
.LBB2_2:
0x27: {  	p0 =	sne.s32 s20, $0x3FC0  }
0x28: {  	v54 =	vshll.u32 v46, $0xE;
	vm4 =	vmand vm4, vm5;
	s19 =	sadd.s32 $0x40, s19;
	(v2sf) =	vpush v53, $0x0;
	s21 =	smov.u32 s20;
	s20 =	sadd.s32 $0x40, s20  }
0x29: {  	v51 =	vshll.u32 v51, $0xE;
	v53 =	vand.u32 $0x7FC000, v54;
	(v2sf) =	vpush v52, $0x0  }
0x2a: {  	s22 =	sadd.s32 $0x30, s18;
	v50 =	vand.u32 $0xFF800000, v50;
	v51 =	vand.u32 $0x7FC000, v51;
	v52 =	vmpcnt.ones.xlane vm4  }
0x2b: {  	v54 =	vsub.s32 v48, v2;
	v48 =	vshll.u32 v48, $0xE;
	v51 =	vor.u32 s22, v51  }
0x2c: {  	v54 =	vshll.u32 v54, $0xE;
	v50 =	vor.u32 v50, v51;
	(v2sf) =	vpush v52, $0x0  }
0x2d: {  	v49 =	vshll.u32 v49, $0xE;
	v47 =	vshll.u32 v47, $0xE;
	s22 =	sadd.s32 $0x20, s18;
	v48 =	vand.u32 $0x7FC000, v48  }
0x2e: {  	s23 =	sadd.s32 $0x10, s18;
	v47 =	vand.u32 $0x7FC000, v47;
	v51 =	vand.u32 $0xFF800000, v54;
	v48 =	vor.u32 s22, v48  }
0x2f: {  	v49 =	vand.u32 $0xFF800000, v49;
	v47 =	vor.u32 s23, v47;
	v48 =	vor.u32 v51, v48  }
0x30: {  	v47 =	vor.u32 v49, v47;
	_ =	sdelay $0x1  }
0x31: {  	v46 =	vsub.s32 v46, v2  }
0x32: {  	v46 =	vshll.u32 v46, $0xE  }
0x33: {  	v46 =	vand.u32 $0xFF800000, v46;
	v49 =	vor.u32 s18, v53;
	s18 =	smov.u32 s21  }
0x34: {  	v46 =	vor.u32 v46, v49  }
0x35: {  	v46 =	vor.u32 v0, v46;
	s21 =	spop (v2sf)  }
0x36: {  	v47 =	vor.u32 v0, v47;
	[tilespmem:s17+$0x4080] =	vst.msk vm3, v46;
	s17 =	sadd.s32 s17, s21;
	s21 =	spop (v2sf)  }
0x37: {  	v46 =	vor.u32 v0, v48;
	[tilespmem:s17+$0x4080] =	vst.msk vm1, v47;
	s17 =	sadd.s32 s17, s21;
	s21 =	spop (v2sf)  }
0x38: {  	v47 =	vor.u32 v0, v50;
	[tilespmem:s17+$0x4080] =	vst.msk vm2, v46;
	s17 =	sadd.s32 s17, s21  }
0x39: {  	[tilespmem:s17+$0x4080] =	vst.msk vm4, v47  }
0x3a: {  	v47 =	vld [tilespmem:s19+$0xFFFFFFF0];
	s21 =	spop (v2sf)  }
0x3b: {  	v46 =	vld [tilespmem:s19+$0xFFFFFFE0];
	s17 =	sadd.s32 s17, s21  }
0x3c: {  	v48 =	vld [tilespmem:s19+$0x0];
	_ =	sdelay $0x1  }
0x3d: {  	v51 =	vld [tilespmem:s19+$0x10]  }
0x3e: {  	vm1 =	vge.s32 v47, v2;
	vm2 =	vlt.s32 v47, v3;
	v49 =	vsub.s32 v47, v2  }
.Ltmp2:
0x3f: {  	vm3 =	vge.s32 v46, v2;
	vm4 =	vlt.s32 v46, v3;
	vm1 =	vmand vm1, vm2;
	(pc) =	sbr.rel @p0 .LBB2_2-.Ltmp2, $4  }
0x40: {  	vm3 =	vmand vm3, vm4;
	vm2 =	vge.s32 v48, v2;
	vm4 =	vlt.s32 v48, v3  }
0x41: {  	v53 =	vmpcnt.ones.xlane vm1;
	v54 =	vmpcnt.ones.xlane vm3;
	vm2 =	vmand vm2, vm4  }
0x42: {  	v52 =	vmpcnt.ones.xlane vm2;
	vm4 =	vge.s32 v51, v2;
	v50 =	vsub.s32 v51, v2  }
0x43: {  	vm5 =	vlt.s32 v51, v3;
	v50 =	vshll.u32 v50, $0xE;
	(v2sf) =	vpush v54, $0x0  }
0x44: {  	vm4 =	vmand vm4, vm5  }
0x45: {  	(v2sf) =	vpush v53, $0x0;
	v57 =	vmpcnt.ones.xlane vm4  }
0x46: {  	(v2sf) =	vpush v52, $0x0  }
0x47: {  	(v2sf) =	vpush v57, $0x0;
	_ =	sdelay $0xb  }
0x48: {  	s19 =	spop (v2sf)  }
0x49: {  	s19 =	sadd.s32 s17, s19;
	s20 =	spop (v2sf)  }
0x4a: {  	s20 =	sadd.s32 s19, s20;
	s21 =	spop (v2sf)  }
0x4b: {  	s21 =	sadd.s32 s20, s21;
	s23 =	spop (v2sf)  }
0x4c: {  	s23 =	sadd.s32 s21, s23  }
0x4d: {  	s28 =	sadd.s32 $0xF, s23  }
0x4e: {  	v58 =	vshll.u32 v46, $0xE;
	s22 =	sadd.s32 $0x30, s18;
	s26 =	sadd.s32 $0x20, s18;
	v60 =	vsub.s32 v46, v2;
	s29 =	sand.u32 $0xF, s28  }
0x4f: {  	v51 =	vshll.u32 v51, $0xE;
	v52 =	vand.u32 $0x7FC000, v58;
	v46 =	vshll.u32 v60, $0xE;
	s30 =	sshra.s32 s28, $0x1F;
	p1 =	slt.s32 s28, $0x1;
	p0 =	sne.s32 s29, $0x0  }
0x50: {  	s24 =	sadd.s32 $0x10, s18;
	v51 =	vand.u32 $0x7FC000, v51;
	v52 =	vor.u32 s18, v52;
	v46 =	vand.u32 $0xFF800000, v46;
	s18 =	sshrl.u32 s30, $0x1C;
	p0 =	por !p1, !p0  }
0x51: {  	v59 =	vshll.u32 v48, $0xE;
	v51 =	vor.u32 s22, v51;
	s22 =	simm.s32 $0x1;
	v46 =	vor.u32 v46, v52;
	s18 =	sadd.s32 s18, s28;
	p0 =	por !p0, !p0  }
0x52: {  	v47 =	vshll.u32 v47, $0xE;
	v61 =	vsub.s32 v48, v2;
	v46 =	vor.u32 v0, v46;
	s31 =	sshra.s32 s18, $0x4;
	s22 =	simm.s32 @!p0 $0x0  }
0x53: {  	v49 =	vshll.u32 v49, $0xE;
	v53 =	vand.u32 $0x7FC000, v59;
	v47 =	vand.u32 $0x7FC000, v47;
	[tilespmem:s17+$0x4080] =	vst.msk vm3, v46;
	s17 =	ssub.s32 s31, s22  }
0x54: {  	v48 =	vshll.u32 v61, $0xE;
	v49 =	vand.u32 $0xFF800000, v49;
	v47 =	vor.u32 s24, v47;
	p0 =	slt.s32 s17, $0x1  }
.Ltmp3:
0x55: {  	v53 =	vor.u32 s26, v53;
	v48 =	vand.u32 $0xFF800000, v48;
	v47 =	vor.u32 v49, v47;
	(pc) =	sbr.rel @p0 .LBB2_92-.Ltmp3, $4  }
0x56: {  	v62 =	vand.u32 $0xFF800000, v50;
	v48 =	vor.u32 v48, v53;
	v47 =	vor.u32 v0, v47  }
0x57: {  	v63 =	vor.u32 v0, v48;
	v46 =	vor.u32 v62, v51;
	[tilespmem:s19+$0x4080] =	vst.msk vm1, v47  }
0x58: {  	v46 =	vor.u32 v0, v46;
	[tilespmem:s20+$0x4080] =	vst.msk vm2, v63  }
0x59: {  	s19 =	simm.s32 $0x0;
	[tilespmem:s21+$0x4080] =	vst.msk vm4, v46;
	v46 =	vmov s23;
	s18 =	simm.s32 $0x4080  }
0x5a: {  	v48 =	vld [tilespmem:s18+$0x0];
	p3 =	sne.s32 s17, $0x1  }
.Ltmp4:
0x5b: {  	_ = 	snop;
	(pc) =	sbr.rel @!p3 .LBB2_5-.Ltmp4, $3  }
0x5c: {  	_ =	sdelay $0x1  }
0x5d: {  	s21 =	sadd.s32 $0xFFFFFFFF, s17;
	s20 =	sadd.s32 $0x10, s18  }
0x5e: {  	v47 =	vor.u32 s19, v0;
	p0 =	por $0x0, $0x0;
	p2 =	por $0x0, $0x0;
	p1 =	por $0x0, $0x0;
	v48 =	vand.u32 $0x800000, v48  }
0x5f: {  	vm1 =	vlt.s32 v47, v46;
	vm2 =	veq.s32 v48, $0x0  }
0x60: {  	vm1 =	vmand vm1, vm2  }
0x61: {  	v63 =	vmpcnt.ones.xlane vm1;
	_ =	sdelay $0x1  }
0x62: {  	(v2sf) =	vpush v63, $0x0;
	_ =	sdelay $0x7  }
0x63: {  	v49 =	vld [tilespmem:s20+$0x0];
	p3 =	sne.s32 s21, $0x1  }
.Ltmp5:
0x64: {  	_ = 	snop;
	(pc) =	sbr.rel @!p3 .LBB2_7-.Ltmp5, $3  }
0x65: {  	_ =	sdelay $0x1  }
0x66: {  	s22 =	sadd.s32 $0x10, s19  }
0x67: {  	s21 =	sadd.s32 $0xFFFFFFFF, s21;
	s23 =	sadd.s32 $0x10, s20;
	p0 =	por $0x1, $0x1;
	v47 =	vor.u32 s22, v0;
	v48 =	vand.u32 $0x800000, v49  }
0x68: {  	vm1 =	vlt.s32 v47, v46;
	vm2 =	veq.s32 v48, $0x0  }
0x69: {  	vm1 =	vmand vm1, vm2  }
0x6a: {  	v63 =	vmpcnt.ones.xlane vm1;
	_ =	sdelay $0x1  }
0x6b: {  	(v2sf) =	vpush v63, $0x0;
	_ =	sdelay $0x3  }
0x6c: {  	v49 =	vld [tilespmem:s23+$0x0];
	p3 =	sne.s32 s21, $0x1  }
.Ltmp6:
0x6d: {  	_ = 	snop;
	(pc) =	sbr.rel @!p3 .LBB2_9-.Ltmp6, $3  }
0x6e: {  	_ =	sdelay $0x1  }
0x6f: {  	s20 =	sadd.s32 $0x10, s22  }
0x70: {  	s21 =	sadd.s32 $0xFFFFFFFF, s21;
	s23 =	sadd.s32 $0x10, s23;
	p2 =	por $0x1, $0x1;
	v47 =	vor.u32 s20, v0;
	v48 =	vand.u32 $0x800000, v49  }
0x71: {  	vm1 =	vlt.s32 v47, v46;
	vm2 =	veq.s32 v48, $0x0  }
0x72: {  	vm1 =	vmand vm1, vm2  }
0x73: {  	v63 =	vmpcnt.ones.xlane vm1;
	_ =	sdelay $0x1  }
0x74: {  	(v2sf) =	vpush v63, $0x0;
	_ =	sdelay $0x3  }
0x75: {  	v49 =	vld [tilespmem:s23+$0x0];
	p4 =	sne.s32 s21, $0x1  }
.Ltmp7:
0x76: {  	_ = 	snop;
	(pc) =	sbr.rel @!p4 .LBB2_11-.Ltmp7, $3  }
0x77: {  	_ =	sdelay $0x1  }
0x78: {  	s21 =	sadd.s32 $0xFFFFFFFF, s21;
	s22 =	sadd.s32 $0x10, s20  }
0x79: {  	s23 =	sadd.s32 $0x10, s23;
	p3 =	por $0x1, $0x1;
	s20 =	simm.s32 $0x0;
	v47 =	vor.u32 s22, v0;
	v48 =	vand.u32 $0x800000, v49  }
.LBB2_12:
0x7a: {  	v49 =	vld [tilespmem:s23+$0x0];
	p4 =	sne.s32 s21, $0x1;
	s21 =	sadd.s32 $0xFFFFFFFF, s21;
	vm1 =	vlt.s32 v47, v46;
	vm2 =	veq.s32 v48, $0x0  }
.Ltmp8:
0x7b: {  	vm1 =	vmand vm1, vm2;
	s24 =	spop (v2sf);
	(pc) =	sbr.rel @p4 .LBB2_12-.Ltmp8, $3  }
0x7c: {  	v47 =	vmpcnt.ones.xlane vm1;
	s20 =	sadd.s32 s20, s24;
	_ =	sdelay $0x1  }
0x7d: {  	s22 =	sadd.s32 $0x10, s22;
	(v2sf) =	vpush v47, $0x0  }
0x7e: {  	s23 =	sadd.s32 $0x10, s23;
	v47 =	vor.u32 s22, v0;
	v48 =	vand.u32 $0x800000, v49  }
.LBB2_13:
0x7f: {  	vm1 =	vlt.s32 v47, v46;
	vm2 =	veq.s32 v48, $0x0  }
0x80: {  	vm1 =	vmand vm1, vm2  }
0x81: {  	v61 =	vmpcnt.ones.xlane vm1;
	_ =	sdelay $0x1  }
0x82: {  	(v2sf) =	vpush v61, $0x0;
	_ =	sdelay $0x4  }
0x83: {  	v47 =	vld [tilespmem:s18+$0x0];
	s18 =	spop @p3 (v2sf)  }
0x84: {  	s18 =	sadd.s32 @p3 s20, s18;
	s20 =	simm.s32 $0x0  }
0x85: {  	s20 =	smov.u32 @p3 s18;
	s18 =	spop @p2 (v2sf)  }
0x86: {  	s18 =	sadd.s32 @p2 s20, s18;
	s20 =	simm.s32 $0x0  }
0x87: {  	s20 =	smov.u32 @p2 s18;
	s18 =	spop @p0 (v2sf)  }
0x88: {  	s18 =	sadd.s32 @p0 s20, s18;
	s20 =	simm.s32 $0x0  }
0x89: {  	v62 =	vor.u32 s19, v0;
	v49 =	vand.u32 $0x800000, v47;
	s20 =	smov.u32 @p0 s18;
	p0 =	sne.s32 s17, $0x1  }
.Ltmp9:
0x8a: {  	vm2 =	vlt.s32 v62, v46;
	vm1 =	veq.s32 v49, $0x0;
	(pc) =	sbr.rel @!p0 .LBB2_14-.Ltmp9, $4  }
0x8b: {  	vm1 =	vmand vm2, vm1  }
0x8c: {  	vm3 =	vne.s32 v49, $0x0;
	v63 =	vmpcnt.ones.xlane vm1  }
0x8d: {  	vm2 =	vmand vm2, vm3;
	s31 =	spop (v2sf)  }
0x8e: {  	v48 =	vmpcnt.ones.xlane vm2;
	(v2sf) =	vpush v63, $0x0;
	s18 =	sadd.s32 $0xFFFFFFFF, s17;
	s20 =	sadd.s32 s20, s31  }
0x8f: {  	_ = 	snop  }
0x90: {  	(v2sf) =	vpush v48, $0x0;
	_ =	sdelay $0x1  }
0x91: {  	[tilespmem:s19+$0x0] =	vst.msk vm1, v47  }
0x92: {  	s21 =	simm.s32 $0x4090;
	[tilespmem:s20+$0x0] =	vst.msk vm2, v47  }
0x93: {  	v47 =	vld [tilespmem:s21+$0x0];
	_ =	sdelay $0x3  }
0x94: {  	s22 =	simm.s32 $0x10  }
0x95: {  	p2 =	sne.s32 s18, $0x1;
	v49 =	vor.u32 s22, v0;
	v50 =	vand.u32 $0x800000, v47  }
.Ltmp10:
0x96: {  	vm2 =	vlt.s32 v49, v46;
	vm1 =	veq.s32 v50, $0x0;
	(pc) =	sbr.rel @!p2 .LBB2_16-.Ltmp10, $4  }
0x97: {  	vm3 =	vne.s32 v50, $0x0;
	vm1 =	vmand vm2, vm1  }
0x98: {  	vm2 =	vmand vm2, vm3;
	v63 =	vmpcnt.ones.xlane vm1  }
0x99: {  	s25 =	sadd.s32 $0xFFFFFFFF, s18;
	p1 =	por $0x1, $0x1;
	v48 =	vmpcnt.ones.xlane vm2  }
0x9a: {  	s23 =	simm.s32 $0x0;
	s24 =	smov.u32 s20;
	(v2sf) =	vpush v63, $0x0;
	s26 =	spop (v2sf)  }
.LBB2_17:
0x9b: {  	p2 =	sne.s32 s25, $0x1;
	(v2sf) =	vpush v48, $0x0;
	s23 =	sadd.s32 s23, s26;
	s26 =	spop (v2sf)  }
0x9c: {  	s25 =	sadd.s32 $0xFFFFFFFF, s25;
	[tilespmem:s23+$0x0] =	vst.msk vm1, v47;
	s24 =	sadd.s32 s24, s26  }
0x9d: {  	[tilespmem:s24+$0x0] =	vst.msk vm2, v47  }
0x9e: {  	s21 =	sadd.s32 $0x10, s21  }
0x9f: {  	v47 =	vld [tilespmem:s21+$0x0];
	_ =	sdelay $0x3  }
0xa0: {  	s22 =	sadd.s32 $0x10, s22  }
0xa1: {  	v48 =	vor.u32 s22, v0;
	v49 =	vand.u32 $0x800000, v47  }
.Ltmp11:
0xa2: {  	vm2 =	vlt.s32 v48, v46;
	vm3 =	vne.s32 v49, $0x0;
	vm1 =	veq.s32 v49, $0x0;
	(pc) =	sbr.rel @p2 .LBB2_17-.Ltmp11, $3  }
0xa3: {  	vm1 =	vmand vm2, vm1;
	vm2 =	vmand vm2, vm3  }
0xa4: {  	v49 =	vmpcnt.ones.xlane vm1;
	v48 =	vmpcnt.ones.xlane vm2;
	_ =	sdelay $0x1  }
0xa5: {  	(v2sf) =	vpush v49, $0x0;
	s26 =	spop (v2sf)  }
0xa6: {  	_ = 	snop  }
.LBB2_19:
0xa7: {  	(v2sf) =	vpush v48, $0x0;
	_ =	sdelay $0x5  }
0xa8: {  	s21 =	sadd.s32 @p1 s23, s26;
	s22 =	spop @p1 (v2sf)  }
0xa9: {  	s19 =	smov.u32 @p1 s21;
	s21 =	sadd.s32 @p1 s24, s22  }
0xaa: {  	[tilespmem:s19+$0x0] =	vst.msk vm1, v47;
	s20 =	smov.u32 @p1 s21  }
0xab: {  	s19 =	simm.s32 $0x0;
	[tilespmem:s20+$0x0] =	vst.msk vm2, v47  }
0xac: {  	v63 =	vld [tilespmem:s19+$0x0]  }
.Ltmp12:
0xad: {  	_ = 	snop;
	(pc) =	sbr.rel @!p0 .LBB2_20-.Ltmp12, $3  }
0xae: {  	_ =	sdelay $0x1  }
0xaf: {  	p2 =	por $0x0, $0x0;
	p3 =	por $0x0, $0x0;
	s30 =	spop (v2sf)  }
0xb0: {  	p1 =	por $0x0, $0x0;
	s20 =	simm.s32 $0x10;
	v47 =	vor.u32 s19, v0;
	v48 =	vand.u32 $0x1000000, v63;
	s31 =	spop (v2sf)  }
0xb1: {  	vm1 =	vlt.s32 v47, v46;
	vm2 =	veq.s32 v48, $0x0  }
0xb2: {  	vm1 =	vmand vm1, vm2  }
0xb3: {  	v63 =	vmpcnt.ones.xlane vm1;
	_ =	sdelay $0x1  }
0xb4: {  	(v2sf) =	vpush v63, $0x0;
	_ =	sdelay $0x7  }
0xb5: {  	v50 =	vld [tilespmem:s20+$0x0];
	p4 =	sne.s32 s18, $0x1  }
.Ltmp13:
0xb6: {  	_ = 	snop;
	(pc) =	sbr.rel @!p4 .LBB2_22-.Ltmp13, $2  }
0xb7: {  	_ =	sdelay $0x2  }
0xb8: {  	s21 =	sadd.s32 $0xFFFFFFFF, s18;
	v49 =	vor.u32 s20, v0;
	s22 =	simm.s32 $0x20;
	p2 =	por $0x1, $0x1;
	v48 =	vand.u32 $0x1000000, v50  }
0xb9: {  	vm1 =	vlt.s32 v49, v46;
	vm2 =	veq.s32 v48, $0x0  }
0xba: {  	vm1 =	vmand vm1, vm2  }
0xbb: {  	v63 =	vmpcnt.ones.xlane vm1;
	_ =	sdelay $0x1  }
0xbc: {  	(v2sf) =	vpush v63, $0x0;
	_ =	sdelay $0x3  }
0xbd: {  	v50 =	vld [tilespmem:s22+$0x0];
	p4 =	sne.s32 s21, $0x1  }
.Ltmp14:
0xbe: {  	_ = 	snop;
	(pc) =	sbr.rel @!p4 .LBB2_24-.Ltmp14, $2  }
0xbf: {  	_ =	sdelay $0x2  }
0xc0: {  	s21 =	sadd.s32 $0xFFFFFFFF, s21;
	v49 =	vor.u32 s22, v0;
	s22 =	simm.s32 $0x30;
	p3 =	por $0x1, $0x1;
	v48 =	vand.u32 $0x1000000, v50  }
0xc1: {  	vm1 =	vlt.s32 v49, v46;
	vm2 =	veq.s32 v48, $0x0  }
0xc2: {  	vm1 =	vmand vm1, vm2  }
0xc3: {  	v63 =	vmpcnt.ones.xlane vm1;
	_ =	sdelay $0x1  }
0xc4: {  	(v2sf) =	vpush v63, $0x0;
	_ =	sdelay $0x3  }
0xc5: {  	v50 =	vld [tilespmem:s22+$0x0];
	p5 =	sne.s32 s21, $0x1  }
.Ltmp15:
0xc6: {  	_ = 	snop;
	(pc) =	sbr.rel @!p5 .LBB2_26-.Ltmp15, $3  }
0xc7: {  	_ =	sdelay $0x1  }
0xc8: {  	s23 =	sadd.s32 $0xFFFFFFFF, s21  }
0xc9: {  	v49 =	vor.u32 s22, v0;
	s24 =	simm.s32 $0x40;
	p4 =	por $0x1, $0x1;
	s21 =	simm.s32 $0x0;
	v48 =	vand.u32 $0x1000000, v50  }
.LBB2_27:
0xca: {  	v50 =	vld [tilespmem:s24+$0x0];
	p5 =	sne.s32 s23, $0x1;
	s23 =	sadd.s32 $0xFFFFFFFF, s23;
	vm1 =	vlt.s32 v49, v46;
	vm2 =	veq.s32 v48, $0x0  }
.Ltmp16:
0xcb: {  	vm1 =	vmand vm1, vm2;
	s25 =	spop (v2sf);
	(pc) =	sbr.rel @p5 .LBB2_27-.Ltmp16, $3  }
0xcc: {  	v48 =	vmpcnt.ones.xlane vm1;
	s21 =	sadd.s32 s21, s25;
	_ =	sdelay $0x1  }
0xcd: {  	s22 =	sadd.s32 $0x10, s22;
	(v2sf) =	vpush v48, $0x0  }
0xce: {  	s24 =	sadd.s32 $0x10, s24;
	v49 =	vor.u32 s22, v0;
	v48 =	vand.u32 $0x1000000, v50  }
.LBB2_28:
0xcf: {  	vm1 =	vlt.s32 v49, v46;
	vm2 =	veq.s32 v48, $0x0  }
0xd0: {  	vm1 =	vmand vm1, vm2  }
0xd1: {  	v61 =	vmpcnt.ones.xlane vm1;
	_ =	sdelay $0x1  }
0xd2: {  	(v2sf) =	vpush v61, $0x0;
	_ =	sdelay $0x5  }
0xd3: {  	v48 =	vld [tilespmem:s19+$0x0];
	_ =	sdelay $0x2  }
0xd4: {  	s22 =	spop @p4 (v2sf)  }
0xd5: {  	s21 =	sadd.s32 @p4 s21, s22;
	s22 =	simm.s32 $0x0  }
0xd6: {  	s22 =	smov.u32 @p4 s21;
	s21 =	spop @p3 (v2sf);
	v62 =	vand.u32 $0x1000000, v48  }
.Ltmp17:
0xd7: {  	vm2 =	vlt.s32 v47, v46;
	s21 =	sadd.s32 @p3 s22, s21;
	s22 =	simm.s32 $0x0;
	vm1 =	veq.s32 v62, $0x0;
	(pc) =	sbr.rel @!p0 .LBB2_29-.Ltmp17, $4  }
0xd8: {  	s22 =	smov.u32 @p3 s21;
	vm1 =	vmand vm2, vm1;
	s21 =	spop @p2 (v2sf)  }
0xd9: {  	vm3 =	vne.s32 v62, $0x0;
	v63 =	vmpcnt.ones.xlane vm1;
	s21 =	sadd.s32 @p2 s22, s21;
	s22 =	simm.s32 $0x0  }
0xda: {  	vm2 =	vmand vm2, vm3;
	s22 =	smov.u32 @p2 s21;
	s31 =	spop (v2sf)  }
0xdb: {  	v47 =	vmpcnt.ones.xlane vm2;
	(v2sf) =	vpush v63, $0x0;
	s21 =	sadd.s32 s22, s31  }
0xdc: {  	_ = 	snop  }
0xdd: {  	(v2sf) =	vpush v47, $0x0;
	_ =	sdelay $0x1  }
0xde: {  	[tilespmem:s19+$0x4080] =	vst.msk vm1, v48  }
0xdf: {  	[tilespmem:s21+$0x4080] =	vst.msk vm2, v48  }
0xe0: {  	v48 =	vld [tilespmem:s20+$0x0];
	_ =	sdelay $0x4  }
0xe1: {  	v49 =	vor.u32 s20, v0;
	p2 =	sne.s32 s18, $0x1;
	v50 =	vand.u32 $0x1000000, v48  }
.Ltmp18:
0xe2: {  	vm2 =	vlt.s32 v49, v46;
	vm1 =	veq.s32 v50, $0x0;
	(pc) =	sbr.rel @!p2 .LBB2_31-.Ltmp18, $4  }
0xe3: {  	vm3 =	vne.s32 v50, $0x0;
	vm1 =	vmand vm2, vm1  }
0xe4: {  	vm2 =	vmand vm2, vm3;
	v63 =	vmpcnt.ones.xlane vm1  }
0xe5: {  	s24 =	sadd.s32 $0xFFFFFFFF, s18;
	p1 =	por $0x1, $0x1;
	s22 =	simm.s32 $0x0;
	v47 =	vmpcnt.ones.xlane vm2  }
0xe6: {  	s23 =	smov.u32 s21;
	s25 =	simm.s32 $0x10;
	s26 =	spop (v2sf);
	(v2sf) =	vpush v63, $0x0  }
.LBB2_32:
0xe7: {  	p2 =	sne.s32 s24, $0x1;
	(v2sf) =	vpush v47, $0x0;
	s22 =	sadd.s32 s22, s26;
	s26 =	spop (v2sf)  }
0xe8: {  	s24 =	sadd.s32 $0xFFFFFFFF, s24;
	[tilespmem:s22+$0x4080] =	vst.msk vm1, v48;
	s23 =	sadd.s32 s23, s26  }
0xe9: {  	[tilespmem:s23+$0x4080] =	vst.msk vm2, v48  }
0xea: {  	s20 =	sadd.s32 $0x10, s20  }
0xeb: {  	v48 =	vld [tilespmem:s20+$0x0];
	_ =	sdelay $0x3  }
0xec: {  	s25 =	sadd.s32 $0x10, s25  }
0xed: {  	v47 =	vor.u32 s25, v0;
	v49 =	vand.u32 $0x1000000, v48  }
.Ltmp19:
0xee: {  	vm2 =	vlt.s32 v47, v46;
	vm3 =	vne.s32 v49, $0x0;
	vm1 =	veq.s32 v49, $0x0;
	(pc) =	sbr.rel @p2 .LBB2_32-.Ltmp19, $3  }
0xef: {  	vm1 =	vmand vm2, vm1;
	vm2 =	vmand vm2, vm3  }
0xf0: {  	v49 =	vmpcnt.ones.xlane vm1;
	v47 =	vmpcnt.ones.xlane vm2;
	_ =	sdelay $0x1  }
0xf1: {  	(v2sf) =	vpush v49, $0x0;
	s26 =	spop (v2sf)  }
.LBB2_33:
0xf2: {  	(v2sf) =	vpush v47, $0x0;
	_ =	sdelay $0x5  }
0xf3: {  	s20 =	sadd.s32 @p1 s22, s26;
	s22 =	spop @p1 (v2sf)  }
0xf4: {  	s19 =	smov.u32 @p1 s20;
	s20 =	sadd.s32 @p1 s23, s22  }
0xf5: {  	[tilespmem:s19+$0x4080] =	vst.msk vm1, v48;
	s21 =	smov.u32 @p1 s20  }
0xf6: {  	[tilespmem:s21+$0x4080] =	vst.msk vm2, v48;
	s21 =	simm.s32 $0x4080  }
0xf7: {  	v48 =	vld [tilespmem:s21+$0x0]  }
.Ltmp20:
0xf8: {  	_ = 	snop;
	(pc) =	sbr.rel @!p0 .LBB2_34-.Ltmp20, $4  }
0xf9: {  	_ = 	snop  }
0xfa: {  	p2 =	por $0x0, $0x0  }
0xfb: {  	p3 =	por $0x0, $0x0;
	s19 =	simm.s32 $0x0;
	s30 =	spop (v2sf)  }
0xfc: {  	s20 =	simm.s32 $0x4090;
	p1 =	por $0x0, $0x0;
	v47 =	vor.u32 s19, v0;
	v48 =	vand.u32 $0x2000000, v48;
	s31 =	spop (v2sf)  }
0xfd: {  	vm1 =	vlt.s32 v47, v46;
	vm2 =	veq.s32 v48, $0x0  }
0xfe: {  	vm1 =	vmand vm1, vm2  }
0xff: {  	v63 =	vmpcnt.ones.xlane vm1;
	_ =	sdelay $0x1  }
0x100: {  	(v2sf) =	vpush v63, $0x0;
	_ =	sdelay $0x7  }
0x101: {  	v50 =	vld [tilespmem:s20+$0x0];
	p4 =	sne.s32 s18, $0x1  }
.Ltmp21:
0x102: {  	_ = 	snop;
	(pc) =	sbr.rel @!p4 .LBB2_36-.Ltmp21, $3  }
0x103: {  	_ =	sdelay $0x1  }
0x104: {  	s23 =	simm.s32 $0x10  }
0x105: {  	s22 =	sadd.s32 $0xFFFFFFFF, s18;
	p2 =	por $0x1, $0x1;
	v49 =	vor.u32 s23, v0;
	s23 =	simm.s32 $0x40A0;
	v48 =	vand.u32 $0x2000000, v50  }
0x106: {  	vm1 =	vlt.s32 v49, v46;
	vm2 =	veq.s32 v48, $0x0  }
0x107: {  	vm1 =	vmand vm1, vm2  }
0x108: {  	v63 =	vmpcnt.ones.xlane vm1;
	_ =	sdelay $0x1  }
0x109: {  	(v2sf) =	vpush v63, $0x0;
	_ =	sdelay $0x3  }
0x10a: {  	v50 =	vld [tilespmem:s23+$0x0];
	p4 =	sne.s32 s22, $0x1  }
.Ltmp22:
0x10b: {  	_ = 	snop;
	(pc) =	sbr.rel @!p4 .LBB2_38-.Ltmp22, $3  }
0x10c: {  	_ =	sdelay $0x1  }
0x10d: {  	s31 =	simm.s32 $0x20  }
0x10e: {  	s22 =	sadd.s32 $0xFFFFFFFF, s22;
	s23 =	simm.s32 $0x40B0;
	p3 =	por $0x1, $0x1;
	v49 =	vor.u32 s31, v0;
	v48 =	vand.u32 $0x2000000, v50  }
0x10f: {  	vm1 =	vlt.s32 v49, v46;
	vm2 =	veq.s32 v48, $0x0  }
0x110: {  	vm1 =	vmand vm1, vm2  }
0x111: {  	v63 =	vmpcnt.ones.xlane vm1;
	_ =	sdelay $0x1  }
0x112: {  	(v2sf) =	vpush v63, $0x0;
	_ =	sdelay $0x3  }
0x113: {  	v50 =	vld [tilespmem:s23+$0x0];
	p5 =	sne.s32 s22, $0x1  }
.Ltmp23:
0x114: {  	_ = 	snop;
	(pc) =	sbr.rel @!p5 .LBB2_40-.Ltmp23, $3  }
0x115: {  	_ =	sdelay $0x1  }
0x116: {  	s23 =	sadd.s32 $0xFFFFFFFF, s22;
	s24 =	simm.s32 $0x30  }
0x117: {  	s25 =	simm.s32 $0x40C0;
	p4 =	por $0x1, $0x1;
	s22 =	simm.s32 $0x0;
	v49 =	vor.u32 s24, v0;
	v48 =	vand.u32 $0x2000000, v50  }
.LBB2_41:
0x118: {  	v50 =	vld [tilespmem:s25+$0x0];
	p5 =	sne.s32 s23, $0x1;
	s23 =	sadd.s32 $0xFFFFFFFF, s23;
	vm1 =	vlt.s32 v49, v46;
	vm2 =	veq.s32 v48, $0x0  }
.Ltmp24:
0x119: {  	vm1 =	vmand vm1, vm2;
	s26 =	spop (v2sf);
	(pc) =	sbr.rel @p5 .LBB2_41-.Ltmp24, $3  }
0x11a: {  	v48 =	vmpcnt.ones.xlane vm1;
	s22 =	sadd.s32 s22, s26;
	_ =	sdelay $0x1  }
0x11b: {  	s24 =	sadd.s32 $0x10, s24;
	(v2sf) =	vpush v48, $0x0  }
0x11c: {  	s25 =	sadd.s32 $0x10, s25;
	v49 =	vor.u32 s24, v0;
	v48 =	vand.u32 $0x2000000, v50  }
.LBB2_42:
0x11d: {  	vm1 =	vlt.s32 v49, v46;
	vm2 =	veq.s32 v48, $0x0  }
0x11e: {  	vm1 =	vmand vm1, vm2  }
0x11f: {  	v61 =	vmpcnt.ones.xlane vm1;
	_ =	sdelay $0x1  }
0x120: {  	(v2sf) =	vpush v61, $0x0;
	_ =	sdelay $0x5  }
0x121: {  	v48 =	vld [tilespmem:s21+$0x0];
	_ =	sdelay $0x2  }
0x122: {  	s21 =	spop @p4 (v2sf)  }
0x123: {  	s21 =	sadd.s32 @p4 s22, s21;
	s22 =	simm.s32 $0x0  }
0x124: {  	s22 =	smov.u32 @p4 s21;
	s21 =	spop @p3 (v2sf);
	v62 =	vand.u32 $0x2000000, v48  }
.Ltmp25:
0x125: {  	vm2 =	vlt.s32 v47, v46;
	s21 =	sadd.s32 @p3 s22, s21;
	s22 =	simm.s32 $0x0;
	vm1 =	veq.s32 v62, $0x0;
	(pc) =	sbr.rel @!p0 .LBB2_43-.Ltmp25, $4  }
0x126: {  	s22 =	smov.u32 @p3 s21;
	vm1 =	vmand vm2, vm1;
	s21 =	spop @p2 (v2sf)  }
0x127: {  	vm3 =	vne.s32 v62, $0x0;
	v63 =	vmpcnt.ones.xlane vm1;
	s21 =	sadd.s32 @p2 s22, s21;
	s22 =	simm.s32 $0x0  }
0x128: {  	vm2 =	vmand vm2, vm3;
	s22 =	smov.u32 @p2 s21;
	s31 =	spop (v2sf)  }
0x129: {  	v47 =	vmpcnt.ones.xlane vm2;
	(v2sf) =	vpush v63, $0x0;
	s21 =	sadd.s32 s22, s31  }
0x12a: {  	_ = 	snop  }
0x12b: {  	(v2sf) =	vpush v47, $0x0;
	_ =	sdelay $0x1  }
0x12c: {  	[tilespmem:s19+$0x0] =	vst.msk vm1, v48  }
0x12d: {  	[tilespmem:s21+$0x0] =	vst.msk vm2, v48  }
0x12e: {  	v48 =	vld [tilespmem:s20+$0x0];
	_ =	sdelay $0x3  }
0x12f: {  	s22 =	simm.s32 $0x10  }
0x130: {  	p2 =	sne.s32 s18, $0x1;
	v49 =	vor.u32 s22, v0;
	v50 =	vand.u32 $0x2000000, v48  }
.Ltmp26:
0x131: {  	vm2 =	vlt.s32 v49, v46;
	vm1 =	veq.s32 v50, $0x0;
	(pc) =	sbr.rel @!p2 .LBB2_45-.Ltmp26, $4  }
0x132: {  	vm3 =	vne.s32 v50, $0x0;
	vm1 =	vmand vm2, vm1  }
0x133: {  	vm2 =	vmand vm2, vm3;
	v63 =	vmpcnt.ones.xlane vm1  }
0x134: {  	s25 =	sadd.s32 $0xFFFFFFFF, s18;
	p1 =	por $0x1, $0x1;
	v47 =	vmpcnt.ones.xlane vm2  }
0x135: {  	s23 =	simm.s32 $0x0;
	s24 =	smov.u32 s21;
	(v2sf) =	vpush v63, $0x0;
	s26 =	spop (v2sf)  }
.LBB2_46:
0x136: {  	p2 =	sne.s32 s25, $0x1;
	(v2sf) =	vpush v47, $0x0;
	s23 =	sadd.s32 s23, s26;
	s26 =	spop (v2sf)  }
0x137: {  	s25 =	sadd.s32 $0xFFFFFFFF, s25;
	[tilespmem:s23+$0x0] =	vst.msk vm1, v48;
	s24 =	sadd.s32 s24, s26  }
0x138: {  	[tilespmem:s24+$0x0] =	vst.msk vm2, v48  }
0x139: {  	s20 =	sadd.s32 $0x10, s20  }
0x13a: {  	v48 =	vld [tilespmem:s20+$0x0];
	_ =	sdelay $0x3  }
0x13b: {  	s22 =	sadd.s32 $0x10, s22  }
0x13c: {  	v47 =	vor.u32 s22, v0;
	v49 =	vand.u32 $0x2000000, v48  }
.Ltmp27:
0x13d: {  	vm2 =	vlt.s32 v47, v46;
	vm3 =	vne.s32 v49, $0x0;
	vm1 =	veq.s32 v49, $0x0;
	(pc) =	sbr.rel @p2 .LBB2_46-.Ltmp27, $3  }
0x13e: {  	vm1 =	vmand vm2, vm1;
	vm2 =	vmand vm2, vm3  }
0x13f: {  	v49 =	vmpcnt.ones.xlane vm1;
	v47 =	vmpcnt.ones.xlane vm2;
	_ =	sdelay $0x1  }
0x140: {  	(v2sf) =	vpush v49, $0x0;
	s26 =	spop (v2sf)  }
0x141: {  	_ = 	snop  }
.LBB2_48:
0x142: {  	(v2sf) =	vpush v47, $0x0;
	_ =	sdelay $0x5  }
0x143: {  	s20 =	sadd.s32 @p1 s23, s26;
	s22 =	spop @p1 (v2sf)  }
0x144: {  	s19 =	smov.u32 @p1 s20;
	s20 =	sadd.s32 @p1 s24, s22  }
0x145: {  	[tilespmem:s19+$0x0] =	vst.msk vm1, v48;
	s21 =	smov.u32 @p1 s20  }
0x146: {  	s19 =	simm.s32 $0x0;
	[tilespmem:s21+$0x0] =	vst.msk vm2, v48  }
0x147: {  	v48 =	vld [tilespmem:s19+$0x0]  }
.Ltmp28:
0x148: {  	_ = 	snop;
	(pc) =	sbr.rel @!p0 .LBB2_49-.Ltmp28, $3  }
0x149: {  	_ =	sdelay $0x1  }
0x14a: {  	p2 =	por $0x0, $0x0;
	p3 =	por $0x0, $0x0;
	s30 =	spop (v2sf)  }
0x14b: {  	s20 =	simm.s32 $0x10;
	p1 =	por $0x0, $0x0;
	v47 =	vor.u32 s19, v0;
	v48 =	vand.u32 $0x4000000, v48;
	s31 =	spop (v2sf)  }
0x14c: {  	vm1 =	vlt.s32 v47, v46;
	vm2 =	veq.s32 v48, $0x0  }
0x14d: {  	vm1 =	vmand vm1, vm2  }
0x14e: {  	v63 =	vmpcnt.ones.xlane vm1;
	_ =	sdelay $0x1  }
0x14f: {  	(v2sf) =	vpush v63, $0x0;
	_ =	sdelay $0x7  }
0x150: {  	v50 =	vld [tilespmem:s20+$0x0];
	p4 =	sne.s32 s18, $0x1  }
.Ltmp29:
0x151: {  	_ = 	snop;
	(pc) =	sbr.rel @!p4 .LBB2_51-.Ltmp29, $2  }
0x152: {  	_ =	sdelay $0x2  }
0x153: {  	s21 =	sadd.s32 $0xFFFFFFFF, s18;
	v49 =	vor.u32 s20, v0;
	s22 =	simm.s32 $0x20;
	p2 =	por $0x1, $0x1;
	v48 =	vand.u32 $0x4000000, v50  }
0x154: {  	vm1 =	vlt.s32 v49, v46;
	vm2 =	veq.s32 v48, $0x0  }
0x155: {  	vm1 =	vmand vm1, vm2  }
0x156: {  	v63 =	vmpcnt.ones.xlane vm1;
	_ =	sdelay $0x1  }
0x157: {  	(v2sf) =	vpush v63, $0x0;
	_ =	sdelay $0x3  }
0x158: {  	v50 =	vld [tilespmem:s22+$0x0];
	p4 =	sne.s32 s21, $0x1  }
.Ltmp30:
0x159: {  	_ = 	snop;
	(pc) =	sbr.rel @!p4 .LBB2_53-.Ltmp30, $2  }
0x15a: {  	_ =	sdelay $0x2  }
0x15b: {  	s21 =	sadd.s32 $0xFFFFFFFF, s21;
	v49 =	vor.u32 s22, v0;
	s22 =	simm.s32 $0x30;
	p3 =	por $0x1, $0x1;
	v48 =	vand.u32 $0x4000000, v50  }
0x15c: {  	vm1 =	vlt.s32 v49, v46;
	vm2 =	veq.s32 v48, $0x0  }
0x15d: {  	vm1 =	vmand vm1, vm2  }
0x15e: {  	v63 =	vmpcnt.ones.xlane vm1;
	_ =	sdelay $0x1  }
0x15f: {  	(v2sf) =	vpush v63, $0x0;
	_ =	sdelay $0x3  }
0x160: {  	v50 =	vld [tilespmem:s22+$0x0];
	p5 =	sne.s32 s21, $0x1  }
.Ltmp31:
0x161: {  	_ = 	snop;
	(pc) =	sbr.rel @!p5 .LBB2_55-.Ltmp31, $3  }
0x162: {  	_ =	sdelay $0x1  }
0x163: {  	s23 =	sadd.s32 $0xFFFFFFFF, s21  }
0x164: {  	v49 =	vor.u32 s22, v0;
	s24 =	simm.s32 $0x40;
	p4 =	por $0x1, $0x1;
	s21 =	simm.s32 $0x0;
	v48 =	vand.u32 $0x4000000, v50  }
.LBB2_56:
0x165: {  	v50 =	vld [tilespmem:s24+$0x0];
	p5 =	sne.s32 s23, $0x1;
	s23 =	sadd.s32 $0xFFFFFFFF, s23;
	vm1 =	vlt.s32 v49, v46;
	vm2 =	veq.s32 v48, $0x0  }
.Ltmp32:
0x166: {  	vm1 =	vmand vm1, vm2;
	s25 =	spop (v2sf);
	(pc) =	sbr.rel @p5 .LBB2_56-.Ltmp32, $3  }
0x167: {  	v48 =	vmpcnt.ones.xlane vm1;
	s21 =	sadd.s32 s21, s25;
	_ =	sdelay $0x1  }
0x168: {  	s22 =	sadd.s32 $0x10, s22;
	(v2sf) =	vpush v48, $0x0  }
0x169: {  	s24 =	sadd.s32 $0x10, s24;
	v49 =	vor.u32 s22, v0;
	v48 =	vand.u32 $0x4000000, v50  }
.LBB2_57:
0x16a: {  	vm1 =	vlt.s32 v49, v46;
	vm2 =	veq.s32 v48, $0x0  }
0x16b: {  	vm1 =	vmand vm1, vm2  }
0x16c: {  	v61 =	vmpcnt.ones.xlane vm1;
	_ =	sdelay $0x1  }
0x16d: {  	(v2sf) =	vpush v61, $0x0;
	_ =	sdelay $0x5  }
0x16e: {  	v48 =	vld [tilespmem:s19+$0x0];
	_ =	sdelay $0x2  }
0x16f: {  	s22 =	spop @p4 (v2sf)  }
0x170: {  	s21 =	sadd.s32 @p4 s21, s22;
	s22 =	simm.s32 $0x0  }
0x171: {  	s22 =	smov.u32 @p4 s21;
	s21 =	spop @p3 (v2sf);
	v62 =	vand.u32 $0x4000000, v48  }
.Ltmp33:
0x172: {  	vm2 =	vlt.s32 v47, v46;
	s21 =	sadd.s32 @p3 s22, s21;
	s22 =	simm.s32 $0x0;
	vm1 =	veq.s32 v62, $0x0;
	(pc) =	sbr.rel @!p0 .LBB2_58-.Ltmp33, $4  }
0x173: {  	s22 =	smov.u32 @p3 s21;
	vm1 =	vmand vm2, vm1;
	s21 =	spop @p2 (v2sf)  }
0x174: {  	vm3 =	vne.s32 v62, $0x0;
	v63 =	vmpcnt.ones.xlane vm1;
	s21 =	sadd.s32 @p2 s22, s21;
	s22 =	simm.s32 $0x0  }
0x175: {  	vm2 =	vmand vm2, vm3;
	s22 =	smov.u32 @p2 s21;
	s31 =	spop (v2sf)  }
0x176: {  	v47 =	vmpcnt.ones.xlane vm2;
	(v2sf) =	vpush v63, $0x0;
	s21 =	sadd.s32 s22, s31  }
0x177: {  	_ = 	snop  }
0x178: {  	(v2sf) =	vpush v47, $0x0;
	_ =	sdelay $0x1  }
0x179: {  	[tilespmem:s19+$0x4080] =	vst.msk vm1, v48  }
0x17a: {  	[tilespmem:s21+$0x4080] =	vst.msk vm2, v48  }
0x17b: {  	v48 =	vld [tilespmem:s20+$0x0];
	_ =	sdelay $0x4  }
0x17c: {  	v49 =	vor.u32 s20, v0;
	p2 =	sne.s32 s18, $0x1;
	v50 =	vand.u32 $0x4000000, v48  }
.Ltmp34:
0x17d: {  	vm2 =	vlt.s32 v49, v46;
	vm1 =	veq.s32 v50, $0x0;
	(pc) =	sbr.rel @!p2 .LBB2_60-.Ltmp34, $4  }
0x17e: {  	vm3 =	vne.s32 v50, $0x0;
	vm1 =	vmand vm2, vm1  }
0x17f: {  	vm2 =	vmand vm2, vm3;
	v63 =	vmpcnt.ones.xlane vm1  }
0x180: {  	s24 =	sadd.s32 $0xFFFFFFFF, s18;
	p1 =	por $0x1, $0x1;
	s22 =	simm.s32 $0x0;
	v47 =	vmpcnt.ones.xlane vm2  }
0x181: {  	s23 =	smov.u32 s21;
	s25 =	simm.s32 $0x10;
	s26 =	spop (v2sf);
	(v2sf) =	vpush v63, $0x0  }
.LBB2_61:
0x182: {  	p2 =	sne.s32 s24, $0x1;
	(v2sf) =	vpush v47, $0x0;
	s22 =	sadd.s32 s22, s26;
	s26 =	spop (v2sf)  }
0x183: {  	s24 =	sadd.s32 $0xFFFFFFFF, s24;
	[tilespmem:s22+$0x4080] =	vst.msk vm1, v48;
	s23 =	sadd.s32 s23, s26  }
0x184: {  	[tilespmem:s23+$0x4080] =	vst.msk vm2, v48  }
0x185: {  	s20 =	sadd.s32 $0x10, s20  }
0x186: {  	v48 =	vld [tilespmem:s20+$0x0];
	_ =	sdelay $0x3  }
0x187: {  	s25 =	sadd.s32 $0x10, s25  }
0x188: {  	v47 =	vor.u32 s25, v0;
	v49 =	vand.u32 $0x4000000, v48  }
.Ltmp35:
0x189: {  	vm2 =	vlt.s32 v47, v46;
	vm3 =	vne.s32 v49, $0x0;
	vm1 =	veq.s32 v49, $0x0;
	(pc) =	sbr.rel @p2 .LBB2_61-.Ltmp35, $3  }
0x18a: {  	vm1 =	vmand vm2, vm1;
	vm2 =	vmand vm2, vm3  }
0x18b: {  	v49 =	vmpcnt.ones.xlane vm1;
	v47 =	vmpcnt.ones.xlane vm2;
	_ =	sdelay $0x1  }
0x18c: {  	(v2sf) =	vpush v49, $0x0;
	s26 =	spop (v2sf)  }
.LBB2_62:
0x18d: {  	(v2sf) =	vpush v47, $0x0;
	_ =	sdelay $0x5  }
0x18e: {  	s20 =	sadd.s32 @p1 s22, s26;
	s22 =	spop @p1 (v2sf)  }
0x18f: {  	s19 =	smov.u32 @p1 s20;
	s20 =	sadd.s32 @p1 s23, s22  }
0x190: {  	[tilespmem:s19+$0x4080] =	vst.msk vm1, v48;
	s21 =	smov.u32 @p1 s20  }
0x191: {  	[tilespmem:s21+$0x4080] =	vst.msk vm2, v48;
	s21 =	simm.s32 $0x4080  }
0x192: {  	v48 =	vld [tilespmem:s21+$0x0]  }
.Ltmp36:
0x193: {  	_ = 	snop;
	(pc) =	sbr.rel @!p0 .LBB2_63-.Ltmp36, $4  }
0x194: {  	_ = 	snop  }
0x195: {  	p2 =	por $0x0, $0x0  }
0x196: {  	p3 =	por $0x0, $0x0;
	s19 =	simm.s32 $0x0;
	s30 =	spop (v2sf)  }
0x197: {  	s20 =	simm.s32 $0x4090;
	p1 =	por $0x0, $0x0;
	v47 =	vor.u32 s19, v0;
	v48 =	vand.u32 $0x8000000, v48;
	s31 =	spop (v2sf)  }
0x198: {  	vm1 =	vlt.s32 v47, v46;
	vm2 =	veq.s32 v48, $0x0  }
0x199: {  	vm1 =	vmand vm1, vm2  }
0x19a: {  	v63 =	vmpcnt.ones.xlane vm1;
	_ =	sdelay $0x1  }
0x19b: {  	(v2sf) =	vpush v63, $0x0;
	_ =	sdelay $0x7  }
0x19c: {  	v50 =	vld [tilespmem:s20+$0x0];
	p4 =	sne.s32 s18, $0x1  }
.Ltmp37:
0x19d: {  	_ = 	snop;
	(pc) =	sbr.rel @!p4 .LBB2_65-.Ltmp37, $3  }
0x19e: {  	_ =	sdelay $0x1  }
0x19f: {  	s23 =	simm.s32 $0x10  }
0x1a0: {  	s22 =	sadd.s32 $0xFFFFFFFF, s18;
	p2 =	por $0x1, $0x1;
	v49 =	vor.u32 s23, v0;
	s23 =	simm.s32 $0x40A0;
	v48 =	vand.u32 $0x8000000, v50  }
0x1a1: {  	vm1 =	vlt.s32 v49, v46;
	vm2 =	veq.s32 v48, $0x0  }
0x1a2: {  	vm1 =	vmand vm1, vm2  }
0x1a3: {  	v63 =	vmpcnt.ones.xlane vm1;
	_ =	sdelay $0x1  }
0x1a4: {  	(v2sf) =	vpush v63, $0x0;
	_ =	sdelay $0x3  }
0x1a5: {  	v50 =	vld [tilespmem:s23+$0x0];
	p4 =	sne.s32 s22, $0x1  }
.Ltmp38:
0x1a6: {  	_ = 	snop;
	(pc) =	sbr.rel @!p4 .LBB2_67-.Ltmp38, $3  }
0x1a7: {  	_ =	sdelay $0x1  }
0x1a8: {  	s31 =	simm.s32 $0x20  }
0x1a9: {  	s22 =	sadd.s32 $0xFFFFFFFF, s22;
	s23 =	simm.s32 $0x40B0;
	p3 =	por $0x1, $0x1;
	v49 =	vor.u32 s31, v0;
	v48 =	vand.u32 $0x8000000, v50  }
0x1aa: {  	vm1 =	vlt.s32 v49, v46;
	vm2 =	veq.s32 v48, $0x0  }
0x1ab: {  	vm1 =	vmand vm1, vm2  }
0x1ac: {  	v63 =	vmpcnt.ones.xlane vm1;
	_ =	sdelay $0x1  }
0x1ad: {  	(v2sf) =	vpush v63, $0x0;
	_ =	sdelay $0x3  }
0x1ae: {  	v50 =	vld [tilespmem:s23+$0x0];
	p5 =	sne.s32 s22, $0x1  }
.Ltmp39:
0x1af: {  	_ = 	snop;
	(pc) =	sbr.rel @!p5 .LBB2_69-.Ltmp39, $3  }
0x1b0: {  	_ =	sdelay $0x1  }
0x1b1: {  	s23 =	sadd.s32 $0xFFFFFFFF, s22;
	s24 =	simm.s32 $0x30  }
0x1b2: {  	s25 =	simm.s32 $0x40C0;
	p4 =	por $0x1, $0x1;
	s22 =	simm.s32 $0x0;
	v49 =	vor.u32 s24, v0;
	v48 =	vand.u32 $0x8000000, v50  }
.LBB2_70:
0x1b3: {  	v50 =	vld [tilespmem:s25+$0x0];
	p5 =	sne.s32 s23, $0x1;
	s23 =	sadd.s32 $0xFFFFFFFF, s23;
	vm1 =	vlt.s32 v49, v46;
	vm2 =	veq.s32 v48, $0x0  }
.Ltmp40:
0x1b4: {  	vm1 =	vmand vm1, vm2;
	s26 =	spop (v2sf);
	(pc) =	sbr.rel @p5 .LBB2_70-.Ltmp40, $3  }
0x1b5: {  	v48 =	vmpcnt.ones.xlane vm1;
	s22 =	sadd.s32 s22, s26;
	_ =	sdelay $0x1  }
0x1b6: {  	s24 =	sadd.s32 $0x10, s24;
	(v2sf) =	vpush v48, $0x0  }
0x1b7: {  	s25 =	sadd.s32 $0x10, s25;
	v49 =	vor.u32 s24, v0;
	v48 =	vand.u32 $0x8000000, v50  }
.LBB2_71:
0x1b8: {  	vm1 =	vlt.s32 v49, v46;
	vm2 =	veq.s32 v48, $0x0  }
0x1b9: {  	vm1 =	vmand vm1, vm2  }
0x1ba: {  	v61 =	vmpcnt.ones.xlane vm1;
	_ =	sdelay $0x1  }
0x1bb: {  	(v2sf) =	vpush v61, $0x0;
	_ =	sdelay $0x5  }
0x1bc: {  	v48 =	vld [tilespmem:s21+$0x0];
	_ =	sdelay $0x2  }
0x1bd: {  	s21 =	spop @p4 (v2sf)  }
0x1be: {  	s21 =	sadd.s32 @p4 s22, s21;
	s22 =	simm.s32 $0x0  }
0x1bf: {  	s22 =	smov.u32 @p4 s21;
	s21 =	spop @p3 (v2sf);
	v62 =	vand.u32 $0x8000000, v48  }
.Ltmp41:
0x1c0: {  	vm2 =	vlt.s32 v47, v46;
	s21 =	sadd.s32 @p3 s22, s21;
	s22 =	simm.s32 $0x0;
	vm1 =	veq.s32 v62, $0x0;
	(pc) =	sbr.rel @!p0 .LBB2_72-.Ltmp41, $4  }
0x1c1: {  	s22 =	smov.u32 @p3 s21;
	vm1 =	vmand vm2, vm1;
	s21 =	spop @p2 (v2sf)  }
0x1c2: {  	vm3 =	vne.s32 v62, $0x0;
	v63 =	vmpcnt.ones.xlane vm1;
	s21 =	sadd.s32 @p2 s22, s21;
	s22 =	simm.s32 $0x0  }
0x1c3: {  	vm2 =	vmand vm2, vm3;
	s22 =	smov.u32 @p2 s21;
	s31 =	spop (v2sf)  }
0x1c4: {  	v47 =	vmpcnt.ones.xlane vm2;
	(v2sf) =	vpush v63, $0x0;
	s21 =	sadd.s32 s22, s31  }
0x1c5: {  	_ = 	snop  }
0x1c6: {  	(v2sf) =	vpush v47, $0x0;
	_ =	sdelay $0x1  }
0x1c7: {  	[tilespmem:s19+$0x0] =	vst.msk vm1, v48  }
0x1c8: {  	[tilespmem:s21+$0x0] =	vst.msk vm2, v48  }
0x1c9: {  	v48 =	vld [tilespmem:s20+$0x0];
	_ =	sdelay $0x3  }
0x1ca: {  	s22 =	simm.s32 $0x10  }
0x1cb: {  	p0 =	sne.s32 s18, $0x1;
	v49 =	vor.u32 s22, v0;
	v50 =	vand.u32 $0x8000000, v48  }
.Ltmp42:
0x1cc: {  	vm2 =	vlt.s32 v49, v46;
	vm1 =	veq.s32 v50, $0x0;
	(pc) =	sbr.rel @!p0 .LBB2_74-.Ltmp42, $4  }
0x1cd: {  	vm3 =	vne.s32 v50, $0x0;
	vm1 =	vmand vm2, vm1  }
0x1ce: {  	vm2 =	vmand vm2, vm3;
	v63 =	vmpcnt.ones.xlane vm1  }
0x1cf: {  	s25 =	sadd.s32 $0xFFFFFFFF, s18;
	p1 =	por $0x1, $0x1;
	v47 =	vmpcnt.ones.xlane vm2  }
0x1d0: {  	s23 =	simm.s32 $0x0;
	s24 =	smov.u32 s21;
	(v2sf) =	vpush v63, $0x0;
	s26 =	spop (v2sf)  }
.LBB2_75:
0x1d1: {  	p0 =	sne.s32 s25, $0x1;
	(v2sf) =	vpush v47, $0x0;
	s23 =	sadd.s32 s23, s26;
	s26 =	spop (v2sf)  }
0x1d2: {  	s25 =	sadd.s32 $0xFFFFFFFF, s25;
	[tilespmem:s23+$0x0] =	vst.msk vm1, v48;
	s24 =	sadd.s32 s24, s26  }
0x1d3: {  	[tilespmem:s24+$0x0] =	vst.msk vm2, v48  }
0x1d4: {  	s20 =	sadd.s32 $0x10, s20  }
0x1d5: {  	v48 =	vld [tilespmem:s20+$0x0];
	_ =	sdelay $0x3  }
0x1d6: {  	s22 =	sadd.s32 $0x10, s22  }
0x1d7: {  	v47 =	vor.u32 s22, v0;
	v49 =	vand.u32 $0x8000000, v48  }
.Ltmp43:
0x1d8: {  	vm2 =	vlt.s32 v47, v46;
	vm3 =	vne.s32 v49, $0x0;
	vm1 =	veq.s32 v49, $0x0;
	(pc) =	sbr.rel @p0 .LBB2_75-.Ltmp43, $3  }
0x1d9: {  	vm1 =	vmand vm2, vm1;
	vm2 =	vmand vm2, vm3  }
0x1da: {  	v49 =	vmpcnt.ones.xlane vm1;
	v47 =	vmpcnt.ones.xlane vm2;
	_ =	sdelay $0x1  }
0x1db: {  	(v2sf) =	vpush v49, $0x0;
	s26 =	spop (v2sf)  }
0x1dc: {  	_ = 	snop  }
.LBB2_77:
0x1dd: {  	(v2sf) =	vpush v47, $0x0;
	_ =	sdelay $0x5  }
0x1de: {  	s20 =	sadd.s32 @p1 s23, s26;
	s22 =	spop @p1 (v2sf)  }
0x1df: {  	s19 =	smov.u32 @p1 s20;
	s20 =	sadd.s32 @p1 s24, s22  }
0x1e0: {  	[tilespmem:s19+$0x0] =	vst.msk vm1, v48;
	s21 =	smov.u32 @p1 s20  }
0x1e1: {  	s19 =	simm.s32 $0x0;
	[tilespmem:s21+$0x0] =	vst.msk vm2, v48  }
0x1e2: {  	p0 =	seq.s32 s17, $0x1;
	v48 =	vld [tilespmem:s19+$0x0]  }
.Ltmp44:
0x1e3: {  	_ = 	snop;
	(pc) =	sbr.rel @p0 .LBB2_78-.Ltmp44, $3  }
0x1e4: {  	_ =	sdelay $0x1  }
0x1e5: {  	s17 =	simm.s32 $0x10;
	p2 =	por $0x0, $0x0;
	s30 =	spop (v2sf)  }
0x1e6: {  	p3 =	por $0x0, $0x0;
	p1 =	por $0x0, $0x0;
	v47 =	vor.u32 s19, v0;
	v48 =	vand.u32 $0x10000000, v48;
	s31 =	spop (v2sf)  }
0x1e7: {  	vm1 =	vlt.s32 v47, v46;
	vm2 =	veq.s32 v48, $0x0  }
0x1e8: {  	vm1 =	vmand vm1, vm2  }
0x1e9: {  	v63 =	vmpcnt.ones.xlane vm1;
	_ =	sdelay $0x1  }
0x1ea: {  	(v2sf) =	vpush v63, $0x0;
	_ =	sdelay $0x7  }
0x1eb: {  	v49 =	vld [tilespmem:s17+$0x0];
	p4 =	seq.s32 s18, $0x1  }
.Ltmp45:
0x1ec: {  	_ = 	snop;
	(pc) =	sbr.rel @p4 .LBB2_80-.Ltmp45, $2  }
0x1ed: {  	_ =	sdelay $0x2  }
0x1ee: {  	s20 =	sadd.s32 $0xFFFFFFFF, s18;
	v47 =	vor.u32 s17, v0;
	s22 =	simm.s32 $0x20;
	p1 =	por $0x1, $0x1;
	v48 =	vand.u32 $0x10000000, v49  }
0x1ef: {  	vm1 =	vlt.s32 v47, v46;
	vm2 =	veq.s32 v48, $0x0  }
0x1f0: {  	vm1 =	vmand vm1, vm2  }
0x1f1: {  	v63 =	vmpcnt.ones.xlane vm1;
	_ =	sdelay $0x1  }
0x1f2: {  	(v2sf) =	vpush v63, $0x0;
	_ =	sdelay $0x3  }
0x1f3: {  	v49 =	vld [tilespmem:s22+$0x0];
	p4 =	seq.s32 s20, $0x1  }
.Ltmp46:
0x1f4: {  	_ = 	snop;
	(pc) =	sbr.rel @p4 .LBB2_82-.Ltmp46, $2  }
0x1f5: {  	_ =	sdelay $0x2  }
0x1f6: {  	s21 =	sadd.s32 $0xFFFFFFFF, s20;
	v47 =	vor.u32 s22, v0;
	s20 =	simm.s32 $0x30;
	p2 =	por $0x1, $0x1;
	v48 =	vand.u32 $0x10000000, v49  }
0x1f7: {  	vm1 =	vlt.s32 v47, v46;
	vm2 =	veq.s32 v48, $0x0  }
0x1f8: {  	vm1 =	vmand vm1, vm2  }
0x1f9: {  	v63 =	vmpcnt.ones.xlane vm1;
	_ =	sdelay $0x1  }
0x1fa: {  	(v2sf) =	vpush v63, $0x0;
	_ =	sdelay $0x3  }
0x1fb: {  	v49 =	vld [tilespmem:s20+$0x0];
	p4 =	seq.s32 s21, $0x1  }
.Ltmp47:
0x1fc: {  	_ = 	snop;
	(pc) =	sbr.rel @p4 .LBB2_84-.Ltmp47, $3  }
0x1fd: {  	_ =	sdelay $0x1  }
0x1fe: {  	s22 =	sadd.s32 $0xFFFFFFFF, s21  }
0x1ff: {  	v47 =	vor.u32 s20, v0;
	s23 =	simm.s32 $0x40;
	p3 =	por $0x1, $0x1;
	s21 =	simm.s32 $0x0;
	v48 =	vand.u32 $0x10000000, v49  }
.LBB2_85:
0x200: {  	v49 =	vld [tilespmem:s23+$0x0];
	p4 =	seq.s32 s22, $0x1;
	s22 =	sadd.s32 $0xFFFFFFFF, s22;
	vm1 =	vlt.s32 v47, v46;
	vm2 =	veq.s32 v48, $0x0  }
.Ltmp48:
0x201: {  	vm1 =	vmand vm1, vm2;
	s24 =	spop (v2sf);
	(pc) =	sbr.rel @!p4 .LBB2_85-.Ltmp48, $3  }
0x202: {  	v47 =	vmpcnt.ones.xlane vm1;
	s21 =	sadd.s32 s21, s24;
	_ =	sdelay $0x1  }
0x203: {  	s20 =	sadd.s32 $0x10, s20;
	(v2sf) =	vpush v47, $0x0  }
0x204: {  	s23 =	sadd.s32 $0x10, s23;
	v47 =	vor.u32 s20, v0;
	v48 =	vand.u32 $0x10000000, v49  }
.LBB2_86:
0x205: {  	vm1 =	vlt.s32 v47, v46;
	vm2 =	veq.s32 v48, $0x0  }
0x206: {  	vm1 =	vmand vm1, vm2  }
0x207: {  	v61 =	vmpcnt.ones.xlane vm1;
	_ =	sdelay $0x1  }
0x208: {  	(v2sf) =	vpush v61, $0x0;
	_ =	sdelay $0x5  }
0x209: {  	v47 =	vld [tilespmem:s19+$0x0];
	_ =	sdelay $0x2  }
0x20a: {  	s20 =	spop @p3 (v2sf)  }
0x20b: {  	s20 =	sadd.s32 @p3 s21, s20;
	s21 =	simm.s32 $0x0  }
0x20c: {  	v62 =	vor.u32 s19, v0;
	s21 =	smov.u32 @p3 s20;
	s20 =	spop @p2 (v2sf);
	v49 =	vand.u32 $0x10000000, v47  }
.Ltmp49:
0x20d: {  	vm2 =	vlt.s32 v62, v46;
	s20 =	sadd.s32 @p2 s21, s20;
	s21 =	simm.s32 $0x0;
	vm1 =	veq.s32 v49, $0x0;
	(pc) =	sbr.rel @p0 .LBB2_87-.Ltmp49, $4  }
0x20e: {  	s21 =	smov.u32 @p2 s20;
	vm1 =	vmand vm2, vm1;
	s20 =	spop @p1 (v2sf)  }
0x20f: {  	vm3 =	vne.s32 v49, $0x0;
	v63 =	vmpcnt.ones.xlane vm1;
	s20 =	sadd.s32 @p1 s21, s20;
	s21 =	simm.s32 $0x0  }
0x210: {  	vm2 =	vmand vm2, vm3;
	s21 =	smov.u32 @p1 s20;
	s31 =	spop (v2sf)  }
0x211: {  	v48 =	vmpcnt.ones.xlane vm2;
	(v2sf) =	vpush v63, $0x0;
	p1 =	por $0x0, $0x0;
	s20 =	sadd.s32 s21, s31  }
0x212: {  	_ = 	snop  }
0x213: {  	(v2sf) =	vpush v48, $0x0;
	_ =	sdelay $0x1  }
0x214: {  	[tilespmem:s19+$0x4080] =	vst.msk vm1, v47  }
0x215: {  	[tilespmem:s20+$0x4080] =	vst.msk vm2, v47  }
0x216: {  	v47 =	vld [tilespmem:s17+$0x0];
	_ =	sdelay $0x4  }
0x217: {  	v49 =	vor.u32 s17, v0;
	p0 =	seq.s32 s18, $0x1;
	v50 =	vand.u32 $0x10000000, v47  }
.Ltmp50:
0x218: {  	vm2 =	vlt.s32 v49, v46;
	vm1 =	veq.s32 v50, $0x0;
	(pc) =	sbr.rel @p0 .LBB2_89-.Ltmp50, $4  }
0x219: {  	vm3 =	vne.s32 v50, $0x0;
	vm1 =	vmand vm2, vm1  }
0x21a: {  	vm2 =	vmand vm2, vm3;
	v63 =	vmpcnt.ones.xlane vm1  }
0x21b: {  	s22 =	sadd.s32 $0xFFFFFFFF, s18;
	p1 =	por $0x1, $0x1;
	s18 =	simm.s32 $0x0;
	v48 =	vmpcnt.ones.xlane vm2  }
0x21c: {  	s21 =	smov.u32 s20;
	s23 =	simm.s32 $0x10;
	s24 =	spop (v2sf);
	(v2sf) =	vpush v63, $0x0  }
.LBB2_90:
0x21d: {  	p0 =	seq.s32 s22, $0x1;
	(v2sf) =	vpush v48, $0x0;
	s18 =	sadd.s32 s18, s24;
	s24 =	spop (v2sf)  }
0x21e: {  	s22 =	sadd.s32 $0xFFFFFFFF, s22;
	[tilespmem:s18+$0x4080] =	vst.msk vm1, v47;
	s21 =	sadd.s32 s21, s24  }
0x21f: {  	[tilespmem:s21+$0x4080] =	vst.msk vm2, v47  }
0x220: {  	s17 =	sadd.s32 $0x10, s17  }
0x221: {  	v47 =	vld [tilespmem:s17+$0x0];
	_ =	sdelay $0x3  }
0x222: {  	s23 =	sadd.s32 $0x10, s23  }
0x223: {  	v48 =	vor.u32 s23, v0;
	v49 =	vand.u32 $0x10000000, v47  }
.Ltmp51:
0x224: {  	vm2 =	vlt.s32 v48, v46;
	vm3 =	vne.s32 v49, $0x0;
	vm1 =	veq.s32 v49, $0x0;
	(pc) =	sbr.rel @!p0 .LBB2_90-.Ltmp51, $3  }
0x225: {  	vm1 =	vmand vm2, vm1;
	vm2 =	vmand vm2, vm3  }
0x226: {  	v49 =	vmpcnt.ones.xlane vm1;
	v48 =	vmpcnt.ones.xlane vm2;
	_ =	sdelay $0x1  }
0x227: {  	(v2sf) =	vpush v49, $0x0;
	s24 =	spop (v2sf)  }
.LBB2_91:
0x228: {  	(v2sf) =	vpush v48, $0x0;
	_ =	sdelay $0xb  }
0x229: {  	s17 =	sadd.s32 @p1 s18, s24;
	s18 =	spop @p1 (v2sf)  }
0x22a: {  	s19 =	smov.u32 @p1 s17;
	s17 =	sadd.s32 @p1 s21, s18  }
0x22b: {  	[tilespmem:s19+$0x4080] =	vst.msk vm1, v47;
	s20 =	smov.u32 @p1 s17;
	s30 =	spop (v2sf)  }
0x22c: {  	[tilespmem:s20+$0x4080] =	vst.msk vm2, v47;
	s31 =	spop (v2sf)  }
.LBB2_92:
.Ltmp52:
0x22d: {  	(pc) =	sbr.rel .LBB2_93-.Ltmp52, $2  }
0x22e: {  	_ =	sdelay $0x2  }
0x22f: {  	s17 =	simm.s32 $0x0;
	s18 =	simm.s32 $0x0;
	s19 =	simm.s32 $0x0  }
.LBB2_96:
0x230: {  	s18 =	sadd.s32 s18, s21  }
.LBB2_98:
0x231: {  	s19 =	sadd.s32 $0x1, s19  }
0x232: {  	p0 =	sne.s32 s19, $0x3E  }
.Ltmp53:
0x233: {  	_ = 	snop;
	(pc) =	sbr.rel @!p0 .LBB2_99-.Ltmp53, $1  }
0x234: {  	_ =	sdelay $0x3  }
.LBB2_93:
0x235: {  	s20 =	sadd.s32 s6, s19  }
0x236: {  	p0 =	sgt.u32 s20, $0x7A0  }
.Ltmp54:
0x237: {  	_ = 	snop;
	(pc) =	sbr.rel @p0 .LBB2_98-.Ltmp54, $1  }
0x238: {  	_ =	sdelay $0x3  }
0x239: {  	p0 =	seq.s32 s19, $0x3D  }
0x23a: {  	p1 =	seq.s32 @!p0 s20, $0x7A0  }
0x23b: {  	p0 =	por p1, p0  }
0x23c: {  	s20 =	sadd.s32 @!p0 $0x1, s19  }
0x23d: {  	s21 =	sshll.u32 @!p0 s20, $0xF;
	s20 =	sadd.s32 @!p0 s6, s20  }
0x23e: {  	s22 =	simm.s32 @!p0 $0x1000;
	s21 =	sand.u32 @!p0 $0x8000, s21;
	s20 =	sshll.u32 @!p0 s20, $0x9  }
0x23f: {  	s23 =	simm.s32 @!p0 $0x7A1400;
	s21 =	sadd.s32 @!p0 $0x8100, s21;
	s20 =	sadd.s32 @!p0 s2, s20  }
0x240: {  	[tilespmem:s21], [sflag:$0x1] =	stream.strided.gather @!p0 [hbm4b:s20+s22], $0x8000, s23, s22, $0x38;
	[tilespmem:$0x1A100] =	vst v63  }
0x241: {  	s31 =	sshll.u32 s19, $0xF;
	_ =	swait.ge [sflag:s13], $0x8000  }
0x242: {  	s20 =	sand.u32 $0x8000, s31;
	[sflag:s13] =	ssyncset.done $0x0  }
0x243: {  	v47 =	vmov s19;
	s20 =	sadd.s32 $0x8100, s20;
	[sflag:s13] =	ssyncadd.s32 $0xFFFF8000  }
.LBB2_95:
0x244: {  	v48 =	vld [tilespmem:s18+$0x4080];
	_ =	sdelay $0x4  }
0x245: {  	v49 =	vadd.s32 s18, v0;
	v50 =	vshra.s32 v48, $0x17  }
0x246: {  	vm1 =	vlt.s32 v49, v46;
	vm2 =	veq.s32 v50, v47  }
0x247: {  	vm1 =	vmand vm1, vm2  }
0x248: {  	v63 =	vmpcnt.ones.xlane vm1;
	_ =	sdelay $0x1  }
0x249: {  	(v2sf) =	vpush v63, $0x0;
	_ =	sdelay $0xe  }
0x24a: {  	s21 =	spop (v2sf)  }
0x24b: {  	p0 =	sgt.s32 s21, $0x0  }
.Ltmp55:
0x24c: {  	_ = 	snop;
	(pc) =	sbr.rel @!p0 .LBB2_96-.Ltmp55, $1  }
0x24d: {  	_ =	sdelay $0x3  }
0x24e: {  	v49 =	vshrl.u32 v48, $0xE;
	v50 =	vshrl.u32 v48, $0xB  }
0x24f: {  	v49 =	vand.u32 $0x7F, v49;
	v50 =	vand.u32 $0xC00, v50  }
0x250: {  	p0 =	slt.s32 s17, $0x4;
	v49 =	vor.u32 v49, v50  }
0x251: {  	s22 =	simm.s32 @!p0 $0x2  }
0x252: {  	_ =	swait.ge @!p0 [sflag:s22], $0x800  }
0x253: {  	s23 =	sand.u32 $0x3, s17;
	[sflag:s22] =	ssyncset.done @!p0 $0x0  }
0x254: {  	s31 =	sshll.u32 s23, $0xB;
	[sflag:s22] =	ssyncadd.s32 @!p0 $0xFFFFF800  }
0x255: {  	v51 =	vor.u32 s31, v1;
	v50 =	vld.idx.msk [tilespmem:v49+s20+$0x0], $0xffff  }
0x256: {  	v52 =	vor.u32 $0x80, v49;
	_ =	sdelay $0x3  }
0x257: {  	[tilespmem:v51+s14+$0x0] =	vst.idx.msk $0xffff, v50  }
0x258: {  	v58 =	vor.u32 s31, v4;
	v50 =	vld.idx.msk [tilespmem:v52+s20+$0x0], $0xffff  }
0x259: {  	v59 =	vor.u32 $0x100, v49;
	_ =	sdelay $0x3  }
0x25a: {  	[tilespmem:v58+s14+$0x0] =	vst.idx.msk $0xffff, v50  }
0x25b: {  	v60 =	vor.u32 s31, v5;
	v50 =	vld.idx.msk [tilespmem:v59+s20+$0x0], $0xffff  }
0x25c: {  	v61 =	vor.u32 $0x180, v49;
	_ =	sdelay $0x3  }
0x25d: {  	[tilespmem:v60+s14+$0x0] =	vst.idx.msk $0xffff, v50  }
0x25e: {  	v62 =	vor.u32 s31, v6;
	v50 =	vld.idx.msk [tilespmem:v61+s20+$0x0], $0xffff  }
0x25f: {  	v63 =	vor.u32 $0x200, v49;
	_ =	sdelay $0x3  }
0x260: {  	[tilespmem:v62+s14+$0x0] =	vst.idx.msk $0xffff, v50  }
0x261: {  	v56 =	vor.u32 s31, v7;
	v50 =	vld.idx.msk [tilespmem:v63+s20+$0x0], $0xffff  }
0x262: {  	v57 =	vor.u32 $0x280, v49;
	_ =	sdelay $0x3  }
0x263: {  	[tilespmem:v56+s14+$0x0] =	vst.idx.msk $0xffff, v50  }
0x264: {  	v58 =	vor.u32 s31, v8;
	v50 =	vld.idx.msk [tilespmem:v57+s20+$0x0], $0xffff  }
0x265: {  	v59 =	vor.u32 $0x300, v49;
	_ =	sdelay $0x3  }
0x266: {  	[tilespmem:v58+s14+$0x0] =	vst.idx.msk $0xffff, v50  }
0x267: {  	v60 =	vor.u32 s31, v9;
	v50 =	vld.idx.msk [tilespmem:v59+s20+$0x0], $0xffff  }
0x268: {  	v61 =	vor.u32 $0x380, v49;
	_ =	sdelay $0x3  }
0x269: {  	[tilespmem:v60+s14+$0x0] =	vst.idx.msk $0xffff, v50  }
0x26a: {  	v62 =	vor.u32 s31, v10;
	v50 =	vld.idx.msk [tilespmem:v61+s20+$0x0], $0xffff  }
0x26b: {  	v63 =	vor.u32 $0x1000, v49;
	_ =	sdelay $0x3  }
0x26c: {  	[tilespmem:v62+s14+$0x0] =	vst.idx.msk $0xffff, v50  }
0x26d: {  	v56 =	vor.u32 s31, v11;
	v50 =	vld.idx.msk [tilespmem:v63+s20+$0x0], $0xffff  }
0x26e: {  	v57 =	vor.u32 $0x1080, v49;
	_ =	sdelay $0x3  }
0x26f: {  	[tilespmem:v56+s14+$0x0] =	vst.idx.msk $0xffff, v50  }
0x270: {  	v58 =	vor.u32 s31, v12;
	v50 =	vld.idx.msk [tilespmem:v57+s20+$0x0], $0xffff  }
0x271: {  	v59 =	vor.u32 $0x1100, v49;
	_ =	sdelay $0x3  }
0x272: {  	[tilespmem:v58+s14+$0x0] =	vst.idx.msk $0xffff, v50  }
0x273: {  	v60 =	vor.u32 s31, v13;
	v50 =	vld.idx.msk [tilespmem:v59+s20+$0x0], $0xffff  }
0x274: {  	v61 =	vor.u32 $0x1180, v49;
	_ =	sdelay $0x3  }
0x275: {  	[tilespmem:v60+s14+$0x0] =	vst.idx.msk $0xffff, v50  }
0x276: {  	v62 =	vor.u32 s31, v14;
	v50 =	vld.idx.msk [tilespmem:v61+s20+$0x0], $0xffff  }
0x277: {  	v63 =	vor.u32 $0x1200, v49;
	_ =	sdelay $0x3  }
0x278: {  	[tilespmem:v62+s14+$0x0] =	vst.idx.msk $0xffff, v50  }
0x279: {  	v56 =	vor.u32 s31, v15;
	v50 =	vld.idx.msk [tilespmem:v63+s20+$0x0], $0xffff  }
0x27a: {  	v57 =	vor.u32 $0x1280, v49;
	_ =	sdelay $0x3  }
0x27b: {  	[tilespmem:v56+s14+$0x0] =	vst.idx.msk $0xffff, v50  }
0x27c: {  	v58 =	vor.u32 s31, v16;
	v50 =	vld.idx.msk [tilespmem:v57+s20+$0x0], $0xffff  }
0x27d: {  	v59 =	vor.u32 $0x1300, v49;
	_ =	sdelay $0x3  }
0x27e: {  	[tilespmem:v58+s14+$0x0] =	vst.idx.msk $0xffff, v50  }
0x27f: {  	v60 =	vor.u32 s31, v17;
	v50 =	vld.idx.msk [tilespmem:v59+s20+$0x0], $0xffff  }
0x280: {  	v61 =	vor.u32 $0x1380, v49;
	_ =	sdelay $0x3  }
0x281: {  	[tilespmem:v60+s14+$0x0] =	vst.idx.msk $0xffff, v50  }
0x282: {  	v62 =	vor.u32 s31, v18;
	v50 =	vld.idx.msk [tilespmem:v61+s20+$0x0], $0xffff  }
0x283: {  	v63 =	vor.u32 $0x2000, v49;
	_ =	sdelay $0x3  }
0x284: {  	[tilespmem:v62+s14+$0x0] =	vst.idx.msk $0xffff, v50  }
0x285: {  	v56 =	vor.u32 s31, v19;
	v50 =	vld.idx.msk [tilespmem:v63+s20+$0x0], $0xffff  }
0x286: {  	v57 =	vor.u32 $0x2080, v49;
	_ =	sdelay $0x3  }
0x287: {  	[tilespmem:v56+s14+$0x0] =	vst.idx.msk $0xffff, v50  }
0x288: {  	v58 =	vor.u32 s31, v20;
	v50 =	vld.idx.msk [tilespmem:v57+s20+$0x0], $0xffff  }
0x289: {  	v59 =	vor.u32 $0x2100, v49;
	_ =	sdelay $0x3  }
0x28a: {  	[tilespmem:v58+s14+$0x0] =	vst.idx.msk $0xffff, v50  }
0x28b: {  	v60 =	vor.u32 s31, v21;
	v50 =	vld.idx.msk [tilespmem:v59+s20+$0x0], $0xffff  }
0x28c: {  	v61 =	vor.u32 $0x2180, v49;
	_ =	sdelay $0x3  }
0x28d: {  	[tilespmem:v60+s14+$0x0] =	vst.idx.msk $0xffff, v50  }
0x28e: {  	v62 =	vor.u32 s31, v22;
	v50 =	vld.idx.msk [tilespmem:v61+s20+$0x0], $0xffff  }
0x28f: {  	v63 =	vor.u32 $0x2200, v49;
	_ =	sdelay $0x3  }
0x290: {  	[tilespmem:v62+s14+$0x0] =	vst.idx.msk $0xffff, v50  }
0x291: {  	v56 =	vor.u32 s31, v23;
	v50 =	vld.idx.msk [tilespmem:v63+s20+$0x0], $0xffff  }
0x292: {  	v57 =	vor.u32 $0x2280, v49;
	_ =	sdelay $0x3  }
0x293: {  	[tilespmem:v56+s14+$0x0] =	vst.idx.msk $0xffff, v50  }
0x294: {  	v58 =	vor.u32 s31, v24;
	v50 =	vld.idx.msk [tilespmem:v57+s20+$0x0], $0xffff  }
0x295: {  	v59 =	vor.u32 $0x2300, v49;
	_ =	sdelay $0x3  }
0x296: {  	[tilespmem:v58+s14+$0x0] =	vst.idx.msk $0xffff, v50  }
0x297: {  	v60 =	vor.u32 s31, v25;
	v50 =	vld.idx.msk [tilespmem:v59+s20+$0x0], $0xffff  }
0x298: {  	v61 =	vor.u32 $0x2380, v49;
	_ =	sdelay $0x3  }
0x299: {  	[tilespmem:v60+s14+$0x0] =	vst.idx.msk $0xffff, v50  }
0x29a: {  	v62 =	vor.u32 s31, v26;
	v50 =	vld.idx.msk [tilespmem:v61+s20+$0x0], $0xffff  }
0x29b: {  	v63 =	vor.u32 $0x3000, v49;
	_ =	sdelay $0x3  }
0x29c: {  	[tilespmem:v62+s14+$0x0] =	vst.idx.msk $0xffff, v50  }
0x29d: {  	v56 =	vor.u32 s31, v27;
	v50 =	vld.idx.msk [tilespmem:v63+s20+$0x0], $0xffff  }
0x29e: {  	v57 =	vor.u32 $0x3080, v49;
	_ =	sdelay $0x3  }
0x29f: {  	[tilespmem:v56+s14+$0x0] =	vst.idx.msk $0xffff, v50  }
0x2a0: {  	v58 =	vor.u32 s31, v28;
	v50 =	vld.idx.msk [tilespmem:v57+s20+$0x0], $0xffff  }
0x2a1: {  	v59 =	vor.u32 $0x3100, v49;
	_ =	sdelay $0x3  }
0x2a2: {  	[tilespmem:v58+s14+$0x0] =	vst.idx.msk $0xffff, v50  }
0x2a3: {  	v60 =	vor.u32 s31, v29;
	v50 =	vld.idx.msk [tilespmem:v59+s20+$0x0], $0xffff  }
0x2a4: {  	v61 =	vor.u32 $0x3180, v49;
	_ =	sdelay $0x3  }
0x2a5: {  	[tilespmem:v60+s14+$0x0] =	vst.idx.msk $0xffff, v50  }
0x2a6: {  	v62 =	vor.u32 s31, v30;
	v50 =	vld.idx.msk [tilespmem:v61+s20+$0x0], $0xffff  }
0x2a7: {  	v63 =	vor.u32 $0x3200, v49;
	_ =	sdelay $0x3  }
0x2a8: {  	[tilespmem:v62+s14+$0x0] =	vst.idx.msk $0xffff, v50  }
0x2a9: {  	v56 =	vor.u32 s31, v31;
	v50 =	vld.idx.msk [tilespmem:v63+s20+$0x0], $0xffff  }
0x2aa: {  	v57 =	vor.u32 $0x3280, v49;
	_ =	sdelay $0x3  }
0x2ab: {  	[tilespmem:v56+s14+$0x0] =	vst.idx.msk $0xffff, v50  }
0x2ac: {  	v58 =	vor.u32 s31, v32;
	v50 =	vld.idx.msk [tilespmem:v57+s20+$0x0], $0xffff  }
0x2ad: {  	v59 =	vor.u32 $0x3300, v49;
	_ =	sdelay $0x3  }
0x2ae: {  	[tilespmem:v58+s14+$0x0] =	vst.idx.msk $0xffff, v50  }
0x2af: {  	v60 =	vor.u32 s31, v33;
	v50 =	vld.idx.msk [tilespmem:v59+s20+$0x0], $0xffff  }
0x2b0: {  	v61 =	vor.u32 $0x3380, v49;
	_ =	sdelay $0x3  }
0x2b1: {  	[tilespmem:v60+s14+$0x0] =	vst.idx.msk $0xffff, v50  }
0x2b2: {  	v62 =	vor.u32 s31, v34;
	v50 =	vld.idx.msk [tilespmem:v61+s20+$0x0], $0xffff  }
0x2b3: {  	v63 =	vor.u32 $0x4000, v49;
	_ =	sdelay $0x3  }
0x2b4: {  	[tilespmem:v62+s14+$0x0] =	vst.idx.msk $0xffff, v50  }
0x2b5: {  	v56 =	vor.u32 s31, v35;
	v50 =	vld.idx.msk [tilespmem:v63+s20+$0x0], $0xffff  }
0x2b6: {  	v57 =	vor.u32 $0x4080, v49;
	_ =	sdelay $0x3  }
0x2b7: {  	[tilespmem:v56+s14+$0x0] =	vst.idx.msk $0xffff, v50  }
0x2b8: {  	v58 =	vor.u32 s31, v36;
	v50 =	vld.idx.msk [tilespmem:v57+s20+$0x0], $0xffff  }
0x2b9: {  	v59 =	vor.u32 $0x4100, v49;
	_ =	sdelay $0x3  }
0x2ba: {  	[tilespmem:v58+s14+$0x0] =	vst.idx.msk $0xffff, v50  }
0x2bb: {  	v60 =	vor.u32 s31, v37;
	v50 =	vld.idx.msk [tilespmem:v59+s20+$0x0], $0xffff  }
0x2bc: {  	v61 =	vor.u32 $0x4180, v49;
	_ =	sdelay $0x3  }
0x2bd: {  	[tilespmem:v60+s14+$0x0] =	vst.idx.msk $0xffff, v50  }
0x2be: {  	v62 =	vor.u32 s31, v38;
	v50 =	vld.idx.msk [tilespmem:v61+s20+$0x0], $0xffff  }
0x2bf: {  	v63 =	vor.u32 $0x4200, v49;
	_ =	sdelay $0x3  }
0x2c0: {  	[tilespmem:v62+s14+$0x0] =	vst.idx.msk $0xffff, v50  }
0x2c1: {  	v56 =	vor.u32 s31, v39;
	v50 =	vld.idx.msk [tilespmem:v63+s20+$0x0], $0xffff  }
0x2c2: {  	v57 =	vor.u32 $0x4280, v49;
	_ =	sdelay $0x3  }
0x2c3: {  	[tilespmem:v56+s14+$0x0] =	vst.idx.msk $0xffff, v50  }
0x2c4: {  	v58 =	vor.u32 s31, v40;
	v50 =	vld.idx.msk [tilespmem:v57+s20+$0x0], $0xffff  }
0x2c5: {  	v59 =	vor.u32 $0x4300, v49;
	_ =	sdelay $0x3  }
0x2c6: {  	[tilespmem:v58+s14+$0x0] =	vst.idx.msk $0xffff, v50  }
0x2c7: {  	v60 =	vor.u32 s31, v41;
	v50 =	vld.idx.msk [tilespmem:v59+s20+$0x0], $0xffff  }
0x2c8: {  	v61 =	vor.u32 $0x4380, v49;
	_ =	sdelay $0x3  }
0x2c9: {  	[tilespmem:v60+s14+$0x0] =	vst.idx.msk $0xffff, v50  }
0x2ca: {  	v62 =	vor.u32 s31, v42;
	v50 =	vld.idx.msk [tilespmem:v61+s20+$0x0], $0xffff  }
0x2cb: {  	v63 =	vor.u32 $0x5000, v49;
	_ =	sdelay $0x3  }
0x2cc: {  	[tilespmem:v62+s14+$0x0] =	vst.idx.msk $0xffff, v50  }
0x2cd: {  	v56 =	vor.u32 s31, v43;
	v50 =	vld.idx.msk [tilespmem:v63+s20+$0x0], $0xffff  }
0x2ce: {  	v57 =	vor.u32 $0x5080, v49;
	_ =	sdelay $0x3  }
0x2cf: {  	[tilespmem:v56+s14+$0x0] =	vst.idx.msk $0xffff, v50  }
0x2d0: {  	v58 =	vor.u32 s31, v44;
	v50 =	vld.idx.msk [tilespmem:v57+s20+$0x0], $0xffff  }
0x2d1: {  	v59 =	vor.u32 $0x5100, v49;
	_ =	sdelay $0x3  }
0x2d2: {  	[tilespmem:v58+s14+$0x0] =	vst.idx.msk $0xffff, v50  }
0x2d3: {  	v60 =	vor.u32 s31, v45;
	v50 =	vld.idx.msk [tilespmem:v59+s20+$0x0], $0xffff  }
0x2d4: {  	v61 =	vor.u32 $0x5180, v49;
	_ =	sdelay $0x3  }
0x2d5: {  	v62 =	vor.u32 $0x2B, v1;
	[tilespmem:v60+s14+$0x0] =	vst.idx.msk $0xffff, v50  }
0x2d6: {  	v50 =	vor.u32 s31, v62;
	v51 =	vld.idx.msk [tilespmem:v61+s20+$0x0], $0xffff  }
0x2d7: {  	v63 =	vor.u32 $0x5200, v49;
	_ =	sdelay $0x3  }
0x2d8: {  	v56 =	vor.u32 $0x2C, v1;
	[tilespmem:v50+s14+$0x0] =	vst.idx.msk $0xffff, v51  }
0x2d9: {  	v50 =	vor.u32 s31, v56;
	v51 =	vld.idx.msk [tilespmem:v63+s20+$0x0], $0xffff  }
0x2da: {  	v57 =	vor.u32 $0x5280, v49;
	_ =	sdelay $0x3  }
0x2db: {  	v58 =	vor.u32 $0x2D, v1;
	[tilespmem:v50+s14+$0x0] =	vst.idx.msk $0xffff, v51  }
0x2dc: {  	v50 =	vor.u32 s31, v58;
	v51 =	vld.idx.msk [tilespmem:v57+s20+$0x0], $0xffff  }
0x2dd: {  	v59 =	vor.u32 $0x5300, v49;
	_ =	sdelay $0x3  }
0x2de: {  	v60 =	vor.u32 $0x2E, v1;
	[tilespmem:v50+s14+$0x0] =	vst.idx.msk $0xffff, v51  }
0x2df: {  	v50 =	vor.u32 s31, v60;
	v51 =	vld.idx.msk [tilespmem:v59+s20+$0x0], $0xffff  }
0x2e0: {  	v61 =	vor.u32 $0x5380, v49;
	_ =	sdelay $0x3  }
0x2e1: {  	v62 =	vor.u32 $0x2F, v1;
	[tilespmem:v50+s14+$0x0] =	vst.idx.msk $0xffff, v51  }
0x2e2: {  	v50 =	vor.u32 s31, v62;
	v51 =	vld.idx.msk [tilespmem:v61+s20+$0x0], $0xffff  }
0x2e3: {  	v63 =	vor.u32 $0x6000, v49;
	_ =	sdelay $0x3  }
0x2e4: {  	v56 =	vor.u32 $0x30, v1;
	[tilespmem:v50+s14+$0x0] =	vst.idx.msk $0xffff, v51  }
0x2e5: {  	v50 =	vor.u32 s31, v56;
	v51 =	vld.idx.msk [tilespmem:v63+s20+$0x0], $0xffff  }
0x2e6: {  	v57 =	vor.u32 $0x6080, v49;
	_ =	sdelay $0x3  }
0x2e7: {  	v58 =	vor.u32 $0x31, v1;
	[tilespmem:v50+s14+$0x0] =	vst.idx.msk $0xffff, v51  }
0x2e8: {  	v50 =	vor.u32 s31, v58;
	v51 =	vld.idx.msk [tilespmem:v57+s20+$0x0], $0xffff  }
0x2e9: {  	v59 =	vor.u32 $0x6100, v49;
	_ =	sdelay $0x3  }
0x2ea: {  	v60 =	vor.u32 $0x32, v1;
	[tilespmem:v50+s14+$0x0] =	vst.idx.msk $0xffff, v51  }
0x2eb: {  	v50 =	vor.u32 s31, v60;
	v51 =	vld.idx.msk [tilespmem:v59+s20+$0x0], $0xffff  }
0x2ec: {  	v61 =	vor.u32 $0x6180, v49;
	_ =	sdelay $0x3  }
0x2ed: {  	v62 =	vor.u32 $0x33, v1;
	[tilespmem:v50+s14+$0x0] =	vst.idx.msk $0xffff, v51  }
0x2ee: {  	v50 =	vor.u32 s31, v62;
	v51 =	vld.idx.msk [tilespmem:v61+s20+$0x0], $0xffff  }
0x2ef: {  	v63 =	vor.u32 $0x6200, v49;
	_ =	sdelay $0x3  }
0x2f0: {  	v56 =	vor.u32 $0x34, v1;
	[tilespmem:v50+s14+$0x0] =	vst.idx.msk $0xffff, v51  }
0x2f1: {  	v50 =	vor.u32 s31, v56;
	v51 =	vld.idx.msk [tilespmem:v63+s20+$0x0], $0xffff  }
0x2f2: {  	v57 =	vor.u32 $0x6280, v49;
	_ =	sdelay $0x3  }
0x2f3: {  	v58 =	vor.u32 $0x35, v1;
	[tilespmem:v50+s14+$0x0] =	vst.idx.msk $0xffff, v51  }
0x2f4: {  	v50 =	vor.u32 s31, v58;
	v51 =	vld.idx.msk [tilespmem:v57+s20+$0x0], $0xffff  }
0x2f5: {  	v59 =	vor.u32 $0x6300, v49;
	_ =	sdelay $0x3  }
0x2f6: {  	v60 =	vor.u32 $0x36, v1;
	[tilespmem:v50+s14+$0x0] =	vst.idx.msk $0xffff, v51  }
0x2f7: {  	v50 =	vor.u32 s31, v60;
	v51 =	vld.idx.msk [tilespmem:v59+s20+$0x0], $0xffff  }
0x2f8: {  	v61 =	vor.u32 $0x6380, v49;
	_ =	sdelay $0x3  }
0x2f9: {  	v62 =	vor.u32 $0x37, v1;
	[tilespmem:v50+s14+$0x0] =	vst.idx.msk $0xffff, v51  }
0x2fa: {  	v50 =	vor.u32 s31, v62;
	v51 =	vld.idx.msk [tilespmem:v61+s20+$0x0], $0xffff  }
0x2fb: {  	v63 =	vor.u32 $0x7000, v49;
	_ =	sdelay $0x3  }
0x2fc: {  	v56 =	vor.u32 $0x38, v1;
	[tilespmem:v50+s14+$0x0] =	vst.idx.msk $0xffff, v51  }
0x2fd: {  	v50 =	vor.u32 s31, v56;
	v51 =	vld.idx.msk [tilespmem:v63+s20+$0x0], $0xffff  }
0x2fe: {  	v57 =	vor.u32 $0x7080, v49;
	_ =	sdelay $0x3  }
0x2ff: {  	v58 =	vor.u32 $0x39, v1;
	[tilespmem:v50+s14+$0x0] =	vst.idx.msk $0xffff, v51  }
0x300: {  	v50 =	vor.u32 s31, v58;
	v51 =	vld.idx.msk [tilespmem:v57+s20+$0x0], $0xffff  }
0x301: {  	v59 =	vor.u32 $0x7100, v49;
	_ =	sdelay $0x3  }
0x302: {  	v60 =	vor.u32 $0x3A, v1;
	[tilespmem:v50+s14+$0x0] =	vst.idx.msk $0xffff, v51  }
0x303: {  	v50 =	vor.u32 s31, v60;
	v51 =	vld.idx.msk [tilespmem:v59+s20+$0x0], $0xffff  }
0x304: {  	v61 =	vor.u32 $0x7180, v49;
	_ =	sdelay $0x3  }
0x305: {  	v62 =	vor.u32 $0x3B, v1;
	[tilespmem:v50+s14+$0x0] =	vst.idx.msk $0xffff, v51  }
0x306: {  	v50 =	vor.u32 s31, v62;
	v51 =	vld.idx.msk [tilespmem:v61+s20+$0x0], $0xffff  }
0x307: {  	v63 =	vor.u32 $0x7200, v49;
	_ =	sdelay $0x3  }
0x308: {  	v56 =	vor.u32 $0x3C, v1;
	[tilespmem:v50+s14+$0x0] =	vst.idx.msk $0xffff, v51  }
0x309: {  	v50 =	vor.u32 s31, v56;
	v51 =	vld.idx.msk [tilespmem:v63+s20+$0x0], $0xffff  }
0x30a: {  	v57 =	vor.u32 $0x7280, v49;
	_ =	sdelay $0x3  }
0x30b: {  	v58 =	vor.u32 $0x3D, v1;
	[tilespmem:v50+s14+$0x0] =	vst.idx.msk $0xffff, v51  }
0x30c: {  	v50 =	vor.u32 s31, v58;
	v51 =	vld.idx.msk [tilespmem:v57+s20+$0x0], $0xffff  }
0x30d: {  	v59 =	vor.u32 $0x7300, v49;
	_ =	sdelay $0x3  }
0x30e: {  	v60 =	vor.u32 $0x3E, v1;
	[tilespmem:v50+s14+$0x0] =	vst.idx.msk $0xffff, v51  }
0x30f: {  	v50 =	vor.u32 s31, v60;
	v51 =	vld.idx.msk [tilespmem:v59+s20+$0x0], $0xffff  }
0x310: {  	v49 =	vor.u32 $0x7380, v49;
	_ =	sdelay $0x3  }
0x311: {  	v61 =	vor.u32 $0x3F, v1;
	[tilespmem:v50+s14+$0x0] =	vst.idx.msk $0xffff, v51  }
0x312: {  	v62 =	vand.u32 $0x3FFF, v48;
	v63 =	vor.u32 $0x4000, v0;
	v50 =	vor.u32 s31, v61;
	v49 =	vld.idx.msk [tilespmem:v49+s20+$0x0], $0xffff  }
0x313: {  	p0 =	seq.s32 s21, $0x10;
	v48 =	vsel vm1, v62, v63  }
.Ltmp56:
0x314: {  	_ = 	snop;
	(pc) =	sbr.rel @p0 .LBB2_95-.Ltmp56, $4  }
.Ltmp57:
0x315: {  	_ = 	snop;
	(pc) =	sbr.rel @!p0 .LBB2_98-.Ltmp57, $4  }
0x316: {  	_ = 	snop  }
0x317: {  	s17 =	sadd.s32 $0x1, s17;
	s18 =	sadd.s32 s18, s21;
	s22 =	sor.u32 $0x18100, s31;
	[tilespmem:v50+s14+$0x0] =	vst.idx.msk $0xffff, v49  }
0x318: {  	[hbm4b:s5+s4] =	stream.indirect_vreg.scatter [tilespmem:s22], [sflag:$0x2], $0x80, v48, vm0, $0xb8;
	[tilespmem:$0x1A100] =	vst v63  }
0x319: {  	_ = 	snop  }
.LBB2_99:
0x31a: {  	p0 =	slt.s32 s17, $0x1  }
.Ltmp58:
0x31b: {  	_ = 	snop;
	(pc) =	sbr.rel @p0 .LBB2_103-.Ltmp58, $1  }
0x31c: {  	_ =	sdelay $0x3  }
0x31d: {  	p0 =	slt.s32 s17, $0x4  }
0x31e: {  	s17 =	simm.s32 @!p0 $0x4  }
0x31f: {  	p0 =	sne.s32 s17, $0x1  }
.Ltmp59:
0x320: {  	_ = 	snop;
	(pc) =	sbr.rel @!p0 .LBB2_102-.Ltmp59, $3  }
0x321: {  	_ =	sdelay $0x1  }
0x322: {  	_ =	swait.ge [sflag:s15], $0x800  }
0x323: {  	[sflag:s15] =	ssyncset.done $0x0;
	s17 =	sadd.s32 $0xFFFFFFFF, s17  }
.LBB2_101:
0x324: {  	p0 =	sne.s32 s17, $0x1;
	s17 =	sadd.s32 $0xFFFFFFFF, s17;
	[sflag:s15] =	ssyncadd.s32 $0xFFFFF800  }
.Ltmp60:
0x325: {  	(pc) =	sbr.rel @p0 .LBB2_101-.Ltmp60, $3  }
0x326: {  	_ =	sdelay $0x1  }
0x327: {  	_ =	swait.ge [sflag:s15], $0x800  }
0x328: {  	[sflag:s15] =	ssyncset.done $0x0  }
.Ltmp61:
0x329: {  	_ = 	snop;
	(pc) =	sbr.rel .LBB2_102-.Ltmp61, $1  }
0x32a: {  	_ =	sdelay $0x3  }
.LBB2_5:
.Ltmp62:
0x32b: {  	(pc) =	sbr.rel .LBB2_13-.Ltmp62, $2  }
0x32c: {  	_ =	sdelay $0x2  }
0x32d: {  	s20 =	simm.s32 $0x0;
	p3 =	por $0x0, $0x0  }
.LBB2_14:
.Ltmp63:
0x32e: {  	(pc) =	sbr.rel .LBB2_19-.Ltmp63, $2  }
0x32f: {  	_ =	sdelay $0x2  }
0x330: {  	s23 =	simm.s32 $0x0;
	s24 =	smov.u32 s20  }
.LBB2_20:
.Ltmp64:
0x331: {  	(pc) =	sbr.rel .LBB2_28-.Ltmp64, $2  }
0x332: {  	_ =	sdelay $0x2  }
0x333: {  	v49 =	vmov v47;
	s21 =	simm.s32 $0x0;
	p4 =	por $0x0, $0x0  }
.LBB2_29:
.Ltmp65:
0x334: {  	(pc) =	sbr.rel .LBB2_33-.Ltmp65, $2  }
0x335: {  	_ =	sdelay $0x2  }
0x336: {  	s22 =	simm.s32 $0x0;
	s23 =	smov.u32 s21  }
.LBB2_34:
.Ltmp66:
0x337: {  	(pc) =	sbr.rel .LBB2_42-.Ltmp66, $2  }
0x338: {  	_ =	sdelay $0x2  }
0x339: {  	v49 =	vmov v47;
	s22 =	simm.s32 $0x0;
	p4 =	por $0x0, $0x0  }
.LBB2_43:
.Ltmp67:
0x33a: {  	(pc) =	sbr.rel .LBB2_48-.Ltmp67, $2  }
0x33b: {  	_ =	sdelay $0x2  }
0x33c: {  	s23 =	simm.s32 $0x0;
	s24 =	smov.u32 s21  }
.LBB2_49:
.Ltmp68:
0x33d: {  	(pc) =	sbr.rel .LBB2_57-.Ltmp68, $2  }
0x33e: {  	_ =	sdelay $0x2  }
0x33f: {  	v49 =	vmov v47;
	s21 =	simm.s32 $0x0;
	p4 =	por $0x0, $0x0  }
.LBB2_58:
.Ltmp69:
0x340: {  	(pc) =	sbr.rel .LBB2_62-.Ltmp69, $2  }
0x341: {  	_ =	sdelay $0x2  }
0x342: {  	s22 =	simm.s32 $0x0;
	s23 =	smov.u32 s21  }
.LBB2_63:
.Ltmp70:
0x343: {  	(pc) =	sbr.rel .LBB2_71-.Ltmp70, $2  }
0x344: {  	_ =	sdelay $0x2  }
0x345: {  	v49 =	vmov v47;
	s22 =	simm.s32 $0x0;
	p4 =	por $0x0, $0x0  }
.LBB2_72:
.Ltmp71:
0x346: {  	(pc) =	sbr.rel .LBB2_77-.Ltmp71, $2  }
0x347: {  	_ =	sdelay $0x2  }
0x348: {  	s23 =	simm.s32 $0x0;
	s24 =	smov.u32 s21  }
.LBB2_78:
.Ltmp72:
0x349: {  	(pc) =	sbr.rel .LBB2_86-.Ltmp72, $2  }
0x34a: {  	_ =	sdelay $0x2  }
0x34b: {  	s21 =	simm.s32 $0x0  }
.LBB2_87:
.Ltmp73:
0x34c: {  	(pc) =	sbr.rel .LBB2_91-.Ltmp73, $2  }
0x34d: {  	_ =	sdelay $0x2  }
0x34e: {  	s18 =	simm.s32 $0x0;
	s21 =	smov.u32 s20  }
.LBB2_7:
.Ltmp74:
0x34f: {  	(pc) =	sbr.rel .LBB2_13-.Ltmp74, $2  }
0x350: {  	_ =	sdelay $0x2  }
0x351: {  	s20 =	simm.s32 $0x0;
	p3 =	por $0x0, $0x0  }
.LBB2_16:
.Ltmp75:
0x352: {  	(pc) =	sbr.rel .LBB2_19-.Ltmp75, $2  }
0x353: {  	_ =	sdelay $0x2  }
0x354: {  	s23 =	simm.s32 $0x0;
	s24 =	smov.u32 s20  }
.LBB2_22:
.Ltmp76:
0x355: {  	(pc) =	sbr.rel .LBB2_28-.Ltmp76, $2  }
0x356: {  	_ =	sdelay $0x2  }
0x357: {  	s21 =	simm.s32 $0x0;
	p4 =	por $0x0, $0x0  }
.LBB2_31:
.Ltmp77:
0x358: {  	(pc) =	sbr.rel .LBB2_33-.Ltmp77, $2  }
0x359: {  	_ =	sdelay $0x2  }
0x35a: {  	s22 =	simm.s32 $0x0;
	s23 =	smov.u32 s21  }
.LBB2_36:
.Ltmp78:
0x35b: {  	(pc) =	sbr.rel .LBB2_42-.Ltmp78, $2  }
0x35c: {  	_ =	sdelay $0x2  }
0x35d: {  	s22 =	simm.s32 $0x0;
	p4 =	por $0x0, $0x0  }
.LBB2_45:
.Ltmp79:
0x35e: {  	(pc) =	sbr.rel .LBB2_48-.Ltmp79, $2  }
0x35f: {  	_ =	sdelay $0x2  }
0x360: {  	s23 =	simm.s32 $0x0;
	s24 =	smov.u32 s21  }
.LBB2_51:
.Ltmp80:
0x361: {  	(pc) =	sbr.rel .LBB2_57-.Ltmp80, $2  }
0x362: {  	_ =	sdelay $0x2  }
0x363: {  	s21 =	simm.s32 $0x0;
	p4 =	por $0x0, $0x0  }
.LBB2_60:
.Ltmp81:
0x364: {  	(pc) =	sbr.rel .LBB2_62-.Ltmp81, $2  }
0x365: {  	_ =	sdelay $0x2  }
0x366: {  	s22 =	simm.s32 $0x0;
	s23 =	smov.u32 s21  }
.LBB2_65:
.Ltmp82:
0x367: {  	(pc) =	sbr.rel .LBB2_71-.Ltmp82, $2  }
0x368: {  	_ =	sdelay $0x2  }
0x369: {  	s22 =	simm.s32 $0x0;
	p4 =	por $0x0, $0x0  }
.LBB2_74:
.Ltmp83:
0x36a: {  	(pc) =	sbr.rel .LBB2_77-.Ltmp83, $2  }
0x36b: {  	_ =	sdelay $0x2  }
0x36c: {  	s23 =	simm.s32 $0x0;
	s24 =	smov.u32 s21  }
.LBB2_80:
.Ltmp84:
0x36d: {  	(pc) =	sbr.rel .LBB2_86-.Ltmp84, $2  }
0x36e: {  	_ =	sdelay $0x2  }
0x36f: {  	s21 =	simm.s32 $0x0  }
.LBB2_89:
.Ltmp85:
0x370: {  	(pc) =	sbr.rel .LBB2_91-.Ltmp85, $2  }
0x371: {  	_ =	sdelay $0x2  }
0x372: {  	s18 =	simm.s32 $0x0;
	s21 =	smov.u32 s20  }
.LBB2_9:
.Ltmp86:
0x373: {  	(pc) =	sbr.rel .LBB2_13-.Ltmp86, $2  }
0x374: {  	_ =	sdelay $0x3  }
0x375: {  	s20 =	simm.s32 $0x0;
	p3 =	por $0x0, $0x0  }
.LBB2_24:
.Ltmp87:
0x376: {  	(pc) =	sbr.rel .LBB2_28-.Ltmp87, $2  }
0x377: {  	_ =	sdelay $0x3  }
0x378: {  	s21 =	simm.s32 $0x0;
	p4 =	por $0x0, $0x0  }
.LBB2_38:
.Ltmp88:
0x379: {  	(pc) =	sbr.rel .LBB2_42-.Ltmp88, $2  }
0x37a: {  	_ =	sdelay $0x3  }
0x37b: {  	s22 =	simm.s32 $0x0;
	p4 =	por $0x0, $0x0  }
.LBB2_53:
.Ltmp89:
0x37c: {  	(pc) =	sbr.rel .LBB2_57-.Ltmp89, $2  }
0x37d: {  	_ =	sdelay $0x3  }
0x37e: {  	s21 =	simm.s32 $0x0;
	p4 =	por $0x0, $0x0  }
.LBB2_67:
.Ltmp90:
0x37f: {  	(pc) =	sbr.rel .LBB2_71-.Ltmp90, $2  }
0x380: {  	_ =	sdelay $0x3  }
0x381: {  	s22 =	simm.s32 $0x0;
	p4 =	por $0x0, $0x0  }
.LBB2_82:
.Ltmp91:
0x382: {  	(pc) =	sbr.rel .LBB2_86-.Ltmp91, $2  }
0x383: {  	_ =	sdelay $0x3  }
0x384: {  	s21 =	simm.s32 $0x0  }
.LBB2_11:
.Ltmp92:
0x385: {  	(pc) =	sbr.rel .LBB2_13-.Ltmp92, $2  }
0x386: {  	_ =	sdelay $0x2  }
0x387: {  	s20 =	simm.s32 $0x0  }
.LBB2_26:
.Ltmp93:
0x388: {  	(pc) =	sbr.rel .LBB2_28-.Ltmp93, $2  }
0x389: {  	_ =	sdelay $0x2  }
0x38a: {  	s21 =	simm.s32 $0x0  }
.LBB2_40:
.Ltmp94:
0x38b: {  	(pc) =	sbr.rel .LBB2_42-.Ltmp94, $2  }
0x38c: {  	_ =	sdelay $0x2  }
0x38d: {  	s22 =	simm.s32 $0x0  }
.LBB2_55:
.Ltmp95:
0x38e: {  	(pc) =	sbr.rel .LBB2_57-.Ltmp95, $2  }
0x38f: {  	_ =	sdelay $0x2  }
0x390: {  	s21 =	simm.s32 $0x0  }
.LBB2_69:
.Ltmp96:
0x391: {  	(pc) =	sbr.rel .LBB2_71-.Ltmp96, $2  }
0x392: {  	_ =	sdelay $0x2  }
0x393: {  	s22 =	simm.s32 $0x0  }
.LBB2_84:
.Ltmp97:
0x394: {  	(pc) =	sbr.rel .LBB2_86-.Ltmp97, $2  }
0x395: {  	_ =	sdelay $0x2  }
0x396: {  	s21 =	simm.s32 $0x0  }
.LBB2_104:
0x397: {  	_ =	sfence.sel $0x180000  }
0x398: {  	[bflag:$0x0] =	sbarrier.arrive $0xFFFF  }
0x399: {  	p0 =	sne.s32 s0, $0x0;
	_ =	strace $0x90000047  }
0x39a: {  	s0 =	sadd.s32 @!p0 $0x100000, s3;
	[bflag:$0x2] =	sbarrier.arrive $0xFFFF  }
0x39b: {  	[sflag:s0] =	ssyncadd.tile.s32 @!p0 $0x1;
	_ =	shalt  }
.Lfunc_end2:
_tile_overlayer_lowered:
.L_overlay_start_2:
0x39c: {  	(tag) =	ssettag $0x2  }
0x39d: {  	s0 =	rddreg [dreg:$0x0];
	s2 =	stileid.u32  }
0x39e: {  	s1 =	rddreg [dreg:$0x1];
	p0 =	sne.s32 s2, $0x0  }
0x39f: {  	s3 =	rddreg [dreg:$0x2];
	[bflag:$0x3] =	sbarrier.arrive $0xFFFF;
	s2 =	simm.s32 @!p0 $0x1C03  }
0x3a0: {  	[timem:s3], [sflag:s2] =	dma.local @!p0 [hbm:s0], s1  }
0x3a1: {  	s0 =	simm.s32 @!p0 $0x3  }
0x3a2: {  	_ =	swait.ge @!p0 [sflag:s0], s1  }
0x3a3: {  	s1 =	ssub.s32 @!p0 $0x0, s1;
	[sflag:s0] =	ssyncset.done @!p0 $0x0  }
0x3a4: {  	[sflag:s0] =	ssyncadd.s32 @!p0 s1  }
0x3a5: {  	[bflag:$0x3] =	sbarrier.arrive $0xFFFF  }
0x3a6: {  	_ =	shalt  }

</sc_bundles>
